<compile_context>
chip_gen: v7x
topology: tpu7x:2x2x1
jax: 0.10.2.dev20260603
libtpu: 0.0.44.dev20260713+nightly
codegen_flags: <defaults>
</compile_context>

<pallas_src>
import functools

import jax
import jax.numpy as jnp
from jax import lax
from jax.experimental import pallas as pl
from jax.experimental.pallas import tpu as pltpu
from jax.experimental.pallas import tpu_sc as plsc

NC = 2
NS = 16
NW = NC * NS
LN_EPS = 1e-5

def _sc_mesh():
    return plsc.VectorSubcoreMesh(
        core_axis_name="c", subcore_axis_name="s", num_cores=NC,
        num_subcores=NS,
    )



def _pad_rows(n):
    q = 128 * NS
    return ((n + q - 1) // q) * q


def _chunk_indices(src, dst, n, npad):
    ek = 128
    e = src.shape[0]
    s_per_w = -(-e // (NW * ek))
    if s_per_w % 2:
        s_per_w += 1
    epad = NW * s_per_w * ek
    pad = epad - e
    padr = jnp.arange(pad, dtype=jnp.int32) % (npad - n) + n
    src_p = jnp.concatenate([src, jnp.zeros((pad,), jnp.int32)])
    dst_p = jnp.concatenate([dst, padr])

    def lay(a):
        return a.reshape(s_per_w, NW, ek).transpose(1, 0, 2).reshape(
            NW * s_per_w, ek)

    return lay(src_p), lay(dst_p), s_per_w


def _sc_degree(dst2d, s_per_w, n):
    npad = _pad_rows(n)
    rows = npad // NS
    zrows = 128
    ones = jnp.ones((128, 128), jnp.float32)
    zeros = jnp.zeros((zrows, 128), jnp.float32)
    fire = 8
    assert s_per_w % fire == 0

    @functools.partial(
        pl.kernel,
        out_type=jax.ShapeDtypeStruct((NC, npad, 128), jnp.float32),
        mesh=_sc_mesh(),
        scratch_types=[
            pltpu.VMEM_SHARED((npad, 128), jnp.float32),
            pltpu.VMEM((128, 128), jnp.float32),
            pltpu.VMEM((s_per_w, 128), jnp.int32),
            pltpu.SemaphoreType.DMA,
        ],
    )
    def deg_kernel(dst_hbm, ones_hbm, zeros_hbm, out_hbm, acc_sh, ones_v,
                   idx_v, sem):
        c = lax.axis_index("c")
        s = lax.axis_index("s")
        wid = c * NS + s
        pltpu.sync_copy(ones_hbm, ones_v)
        pltpu.sync_copy(dst_hbm.at[pl.ds(wid * s_per_w, s_per_w)], idx_v)

        @pl.loop(0, rows // zrows)
        def _(j):
            pltpu.sync_copy(zeros_hbm,
                            acc_sh.at[pl.ds(s * rows + j * zrows, zrows)])

        plsc.subcore_barrier()

        @pl.loop(0, s_per_w, step=fire)
        def _(j):
            @pl.loop(0, fire)
            def _(b):
                pltpu.async_copy(ones_v, acc_sh.at[idx_v.at[j + b]], sem,
                                 add=True)

            @pl.loop(0, fire)
            def _(b):
                pltpu.make_async_copy(ones_v, acc_sh.at[idx_v.at[j]],
                                      sem).wait()

        plsc.subcore_barrier()
        pltpu.sync_copy(
            acc_sh.at[pl.ds(s * rows, rows)],
            out_hbm.at[c, pl.ds(s * rows, rows)],
        )

    return deg_kernel(dst2d, ones, zeros)


def _sc_scatter_rows(src2d, dst2d, s_per_w, hs):
    n, d = hs.shape
    npad = _pad_rows(n)
    rows = npad // NS
    zrows = 128
    zeros = jnp.zeros((zrows, d), jnp.float32)
    nseg = 5
    h_seg = s_per_w // nseg
    assert h_seg % 8 == 0 and h_seg * nseg == s_per_w

    @functools.partial(
        pl.kernel,
        out_type=jax.ShapeDtypeStruct((NC, npad, d), jnp.float32),
        mesh=_sc_mesh(),
        scratch_types=[
            pltpu.VMEM_SHARED((npad, d), jnp.float32),
            [pltpu.VMEM((128, d), jnp.float32)] * 2,
            pltpu.VMEM((h_seg, 128), jnp.int32),
            pltpu.VMEM((h_seg, 128), jnp.int32),
            [pltpu.SemaphoreType.DMA] * 2,
            [pltpu.SemaphoreType.DMA] * 2,
        ],
    )
    def scat_kernel(src_hbm, dst_hbm, hs_hbm, zeros_hbm, out_hbm, acc_sh,
                    msgs, src_v, dst_v, gsems, ssems):
        c = lax.axis_index("c")
        s = lax.axis_index("s")
        wid = c * NS + s

        @pl.loop(0, rows // zrows)
        def _(j):
            pltpu.sync_copy(zeros_hbm,
                            acc_sh.at[pl.ds(s * rows + j * zrows, zrows)])

        plsc.subcore_barrier()

        @pl.loop(0, nseg)
        def _(q):
            base = wid * s_per_w + q * h_seg
            pltpu.sync_copy(src_hbm.at[pl.ds(base, h_seg)], src_v)
            pltpu.sync_copy(dst_hbm.at[pl.ds(base, h_seg)], dst_v)
            pltpu.async_copy(hs_hbm.at[src_v.at[0]], msgs[0], gsems[0])
            pltpu.async_copy(hs_hbm.at[src_v.at[1]], msgs[1], gsems[1])

            @pl.loop(0, h_seg, step=2)
            def _(j):
                for b in range(2):
                    cur = j + b
                    pltpu.make_async_copy(hs_hbm.at[src_v.at[cur]], msgs[b],
                                          gsems[b]).wait()
                    pltpu.async_copy(msgs[b], acc_sh.at[dst_v.at[cur]],
                                     ssems[b], add=True)

                    @pl.when(cur + 2 < h_seg)
                    def _():
                        pltpu.make_async_copy(msgs[b], acc_sh.at[dst_v.at[cur]],
                                              ssems[b]).wait()
                        pltpu.async_copy(hs_hbm.at[src_v.at[cur + 2]], msgs[b],
                                         gsems[b])

            for b in range(2):
                pltpu.make_async_copy(msgs[b], acc_sh.at[dst_v.at[0]],
                                      ssems[b]).wait()

        plsc.subcore_barrier()
        pltpu.sync_copy(
            acc_sh.at[pl.ds(s * rows, rows)],
            out_hbm.at[c, pl.ds(s * rows, rows)],
        )

    return scat_kernel(src2d, dst2d, hs, zeros)



_BLK = 1000


def _row_spec(d):
    return pl.BlockSpec((_BLK, d), lambda i: (i, 0))


def _full_spec(shape):
    nd = len(shape)
    return pl.BlockSpec(shape, lambda i, _n=nd: (0,) * _n)


def _tc1_body(x_ref, degp_ref, w0_ref, l0w_ref, l0b_ref, hs0_ref, res0_ref,
              dinv_ref):
    deg = degp_ref[0][:, 0:1] + degp_ref[1][:, 0:1] + 1.0
    dinv = lax.rsqrt(deg)
    x = x_ref[...]
    h0 = jnp.dot(x, w0_ref[...], preferred_element_type=jnp.float32)
    dinv_b = jnp.broadcast_to(dinv, h0.shape)
    hs0_ref[...] = h0 * dinv_b
    res0_ref[...] = (
        jnp.dot(x, l0w_ref[...], preferred_element_type=jnp.float32)
        + l0b_ref[...]
    )
    dinv_ref[...] = dinv_b


def _ln_relu(t, g, b):
    mu = jnp.mean(t, axis=-1, keepdims=True)
    var = jnp.mean((t - mu) ** 2, axis=-1, keepdims=True)
    return jnp.maximum((t - mu) * lax.rsqrt(var + LN_EPS) * g + b, 0.0)


def _tc2_body(accp_ref, hs0_ref, res0_ref, dinv_ref, b0_ref, g0_ref, be0_ref,
              w1_ref, l1w_ref, l1b_ref, hs1_ref, res1_ref):
    dinv_b = dinv_ref[...]
    gcn0 = (accp_ref[0] + accp_ref[1] + hs0_ref[...]) * dinv_b + b0_ref[...]
    h1 = _ln_relu(gcn0 + res0_ref[...], g0_ref[...], be0_ref[...])
    hs1_ref[...] = (
        jnp.dot(h1, w1_ref[...], preferred_element_type=jnp.float32) * dinv_b
    )
    res1_ref[...] = (
        jnp.dot(h1, l1w_ref[...], preferred_element_type=jnp.float32)
        + l1b_ref[...]
    )


def _tc3_body(accp_ref, hs1_ref, res1_ref, dinv_ref, b1_ref, g1_ref, be1_ref,
              out_ref):
    gcn1 = ((accp_ref[0] + accp_ref[1] + hs1_ref[...]) * dinv_ref[...]
            + b1_ref[...])
    out_ref[...] = _ln_relu(gcn1 + res1_ref[...], g1_ref[...], be1_ref[...])


def kernel(x, edge_index, W0, b0, L0W, L0b, g0, be0, W1, b1, L1W, L1b, g1,
           be1):
    n, d = x.shape
    grid = (n // _BLK,)
    row = _row_spec(d)
    mat = _full_spec((d, d))
    vec = _full_spec((1, d))
    f32 = jnp.float32
    rows_out = jax.ShapeDtypeStruct((n, d), f32)

    src = edge_index[0]
    dst = edge_index[1]
    src2d, dst2d, s_per_w = _chunk_indices(src, dst, n, _pad_rows(n))
    degp = _sc_degree(dst2d, s_per_w, n)

    hs0, res0, dinv_b = pl.pallas_call(
        _tc1_body,
        grid=grid,
        in_specs=[
            row,
            pl.BlockSpec((NC, _BLK, d), lambda i: (0, i, 0)),
            mat, mat, vec,
        ],
        out_specs=[row, row, row],
        out_shape=[rows_out, rows_out, rows_out],
    )(x, degp, W0, L0W, L0b.reshape(1, d))

    accp0 = _sc_scatter_rows(src2d, dst2d, s_per_w, hs0)

    hs1, res1 = pl.pallas_call(
        _tc2_body,
        grid=grid,
        in_specs=[
            pl.BlockSpec((NC, _BLK, d), lambda i: (0, i, 0)),
            row, row, row, vec, vec, vec, mat, mat, vec,
        ],
        out_specs=[row, row],
        out_shape=[rows_out, rows_out],
    )(accp0, hs0, res0, dinv_b, b0.reshape(1, d), g0.reshape(1, d),
      be0.reshape(1, d), W1, L1W, L1b.reshape(1, d))

    accp1 = _sc_scatter_rows(src2d, dst2d, s_per_w, hs1)

    out = pl.pallas_call(
        _tc3_body,
        grid=grid,
        in_specs=[
            pl.BlockSpec((NC, _BLK, d), lambda i: (0, i, 0)),
            row, row, row, vec, vec, vec,
        ],
        out_specs=row,
        out_shape=rows_out,
    )(accp1, hs1, res1, dinv_b, b1.reshape(1, d), g1.reshape(1, d),
      be1.reshape(1, d))

    return out

# --- scband reference (transcript-rebuilt; emitter-appended) ---
"""Pipeline reference for scband-mpnns-24266565222959 (READ-ONLY COPY).

The authoritative reference and input builder live on the scoring server;
editing this copy changes nothing except your own understanding.
"""

import jax, jax.numpy as jnp
import numpy as np

N = 10000
E = 320000
D = 128


def setup_inputs(seed: int = 0) -> dict:
    key = jax.random.key(seed)
    ks = jax.random.split(key, 16)
    x = jax.random.normal(ks[0], (N, D), dtype=jnp.float32)
    edge_index = jax.random.randint(ks[1], (2, E), 0, N).astype(jnp.int32)
    s = 1.0 / np.sqrt(D)
    inp = {"x": x, "edge_index": edge_index}
    # layer 0: GCNConv weight/bias, residual Linear, LayerNorm
    inp["W0"] = jax.random.uniform(ks[2], (D, D), jnp.float32, -s, s)
    inp["b0"] = jnp.zeros((D,), jnp.float32)
    inp["L0W"] = jax.random.uniform(ks[3], (D, D), jnp.float32, -s, s)
    inp["L0b"] = jax.random.uniform(ks[4], (D,), jnp.float32, -s, s)
    inp["g0"] = jnp.ones((D,), jnp.float32)
    inp["be0"] = jnp.zeros((D,), jnp.float32)
    # layer 1
    inp["W1"] = jax.random.uniform(ks[5], (D, D), jnp.float32, -s, s)
    inp["b1"] = jnp.zeros((D,), jnp.float32)
    inp["L1W"] = jax.random.uniform(ks[6], (D, D), jnp.float32, -s, s)
    inp["L1b"] = jax.random.uniform(ks[7], (D,), jnp.float32, -s, s)
    inp["g1"] = jnp.ones((D,), jnp.float32)
    inp["be1"] = jnp.zeros((D,), jnp.float32)
    return inp


def _gcn_conv(x, edge_index, W, b):
    # PyG GCNConv: linear transform, add self-loops, symmetric normalization, scatter-add
    n = x.shape[0]
    loop = jnp.arange(n, dtype=edge_index.dtype)
    src = jnp.concatenate([edge_index[0], loop])
    dst = jnp.concatenate([edge_index[1], loop])
    deg = jax.ops.segment_sum(jnp.ones_like(src, dtype=x.dtype), dst, num_segments=n)
    dinv = jnp.where(deg > 0, 1.0 / jnp.sqrt(deg), 0.0)
    norm = dinv[src] * dinv[dst]
    h = x @ W
    msg = h[src] * norm[:, None]
    out = jax.ops.segment_sum(msg, dst, num_segments=n)
    return out + b


def _layer_norm(x, g, b, eps=1e-5):
    mu = jnp.mean(x, axis=-1, keepdims=True)
    var = jnp.mean((x - mu) ** 2, axis=-1, keepdims=True)
    return (x - mu) / jnp.sqrt(var + eps) * g + b


def reference(x, edge_index, W0, b0, L0W, L0b, g0, be0, W1, b1, L1W, L1b, g1, be1):
    # MPNNs.forward with pre_linear=False, res=True, ln=True, jk=False, dropout inactive (eval)
    h = _gcn_conv(x, edge_index, W0, b0) + (x @ L0W + L0b)
    h = jax.nn.relu(_layer_norm(h, g0, be0))
    h = _gcn_conv(h, edge_index, W1, b1) + (h @ L1W + L1b)
    h = jax.nn.relu(_layer_norm(h, g1, be1))
    return h

if __name__ == "__main__":
    import jax
    _d = setup_inputs()
    print(jax.jit(kernel)(*tuple(_d.values())))

</pallas_src>

<mosaic_0001>
#map = affine_map<(d0, d1) -> (0, 0)>
#map1 = affine_map<(d0, d1) -> (0, 0, 0)>
module attributes {stable_mosaic.version = 14 : i64} {
  func.func @scat_kernel(%arg0: i32, %arg1: i32, %arg2: memref<2560x128xi32, #tpu.memory_space<hbm>>, %arg3: memref<2560x128xi32, #tpu.memory_space<hbm>>, %arg4: memref<10000x128xf32, #tpu.memory_space<hbm>>, %arg5: memref<128x128xf32, #tpu.memory_space<hbm>>, %arg6: memref<2x10240x128xf32, #tpu.memory_space<hbm>>, %arg7: memref<10240x128xf32, #tpu.memory_space<vmem_shared>>, %arg8: memref<128x128xf32, #tpu.memory_space<vmem>>, %arg9: memref<128x128xf32, #tpu.memory_space<vmem>>, %arg10: memref<16x128xi32, #tpu.memory_space<vmem>>, %arg11: memref<16x128xi32, #tpu.memory_space<vmem>>, %arg12: memref<!tpu.dma_semaphore, #tpu.memory_space<semaphore_mem>>, %arg13: memref<!tpu.dma_semaphore, #tpu.memory_space<semaphore_mem>>, %arg14: memref<!tpu.dma_semaphore, #tpu.memory_space<semaphore_mem>>, %arg15: memref<!tpu.dma_semaphore, #tpu.memory_space<semaphore_mem>>) attributes {dimension_semantics = [#tpu.dimension_semantics<core_parallel>, #tpu.dimension_semantics<subcore_parallel>], iteration_bounds = array<i64: 2, 16>, scalar_prefetch = 0 : i64, scratch_operands = 9 : i64, tpu.core_type = #tpu.core_type<sc_vector_subcore>, window_params = [{transform_indices = #map}, {transform_indices = #map}, {transform_indices = #map}, {transform_indices = #map}, {transform_indices = #map1}]} {
    %mul3A = arith.constant 16 : i32
    %mul3A_0 = arith.muli %arg0, %mul3A : i32
    %add3A = arith.addi %mul3A_0, %arg1 : i32
    %scan3A = arith.constant 0 : i32
    %scan3A_1 = arith.constant 5 : i32
    %scan3A_2 = arith.addi %scan3A, %scan3A_1 : i32
    %scan3A_3 = arith.constant 1 : i32
    scf.for %scan3A_15 = %scan3A to %scan3A_2 step %scan3A_3  : i32 {
      %mul3A_16 = arith.constant 1 : i32
      %mul3A_17 = arith.muli %scan3A_15, %mul3A_16 : i32
      %add3A_18 = arith.constant 0 : i32
      %add3A_19 = arith.addi %add3A_18, %mul3A_17 : i32
      %mul3A_20 = arith.constant 640 : i32
      %mul3A_21 = arith.muli %arg1, %mul3A_20 : i32
      %mul3A_22 = arith.constant 128 : i32
      %mul3A_23 = arith.muli %add3A_19, %mul3A_22 : i32
      %add3A_24 = arith.addi %mul3A_21, %mul3A_23 : i32
      "tpu.region"() ({
        %run_scoped3A = tpu.sem_alloc : memref<!tpu.dma_semaphore, #tpu.memory_space<semaphore_mem>>
        %dma_start3A = arith.constant 0 : i32
        %dma_start3A_25 = tpu.memref_slice %arg7[%add3A_24, %dma_start3A] : memref<10240x128xf32, #tpu.memory_space<vmem_shared>> -> memref<128x128xf32, #tpu.memory_space<vmem_shared>>
        tpu.enqueue_dma source(%arg5 : memref<128x128xf32, #tpu.memory_space<hbm>>) target(%dma_start3A_25 : memref<128x128xf32, #tpu.memory_space<vmem_shared>>) target_semaphore(%run_scoped3A : memref<!tpu.dma_semaphore, #tpu.memory_space<semaphore_mem>>)
        %dma_wait3A = arith.constant 0 : i32
        %dma_wait3A_26 = tpu.memref_slice %arg7[%add3A_24, %dma_wait3A] : memref<10240x128xf32, #tpu.memory_space<vmem_shared>> -> memref<128x128xf32, #tpu.memory_space<vmem_shared>>
        tpu.wait_dma2 semaphore(%run_scoped3A : memref<!tpu.dma_semaphore, #tpu.memory_space<semaphore_mem>>) src(%arg5 : memref<128x128xf32, #tpu.memory_space<hbm>>) dst(%dma_wait3A_26 : memref<128x128xf32, #tpu.memory_space<vmem_shared>>)
        tpu.yield
      }) : () -> ()
    }
    %scan3A_4 = arith.constant 5 : i32
    %barrier3A = arith.constant 0 : index
    tpu.barrier barrier_id(%barrier3A)
    %scan3A_5 = arith.constant 0 : i32
    %scan3A_6 = arith.constant 5 : i32
    %scan3A_7 = arith.addi %scan3A_5, %scan3A_6 : i32
    %scan3A_8 = arith.constant 1 : i32
    scf.for %scan3A_15 = %scan3A_5 to %scan3A_7 step %scan3A_8  : i32 {
      %mul3A_16 = arith.constant 1 : i32
      %mul3A_17 = arith.muli %scan3A_15, %mul3A_16 : i32
      %add3A_18 = arith.constant 0 : i32
      %add3A_19 = arith.addi %add3A_18, %mul3A_17 : i32
      %mul3A_20 = arith.constant 80 : i32
      %mul3A_21 = arith.muli %add3A, %mul3A_20 : i32
      %mul3A_22 = arith.constant 16 : i32
      %mul3A_23 = arith.muli %add3A_19, %mul3A_22 : i32
      %add3A_24 = arith.addi %mul3A_21, %mul3A_23 : i32
      "tpu.region"() ({
        %run_scoped3A = tpu.sem_alloc : memref<!tpu.dma_semaphore, #tpu.memory_space<semaphore_mem>>
        %dma_start3A_56 = arith.constant 0 : i32
        %dma_start3A_57 = tpu.memref_slice %arg2[%add3A_24, %dma_start3A_56] : memref<2560x128xi32, #tpu.memory_space<hbm>> -> memref<16x128xi32, #tpu.memory_space<hbm>>
        %dma_start3A_58 = arith.constant 0 : i32
        %dma_start3A_59 = tpu.memref_slice %arg2[%add3A_24, %dma_start3A_58] : memref<2560x128xi32, #tpu.memory_space<hbm>> -> memref<16x128xi32, #tpu.memory_space<hbm>>
        tpu.enqueue_dma source(%dma_start3A_59 : memref<16x128xi32, #tpu.memory_space<hbm>>) target(%arg10 : memref<16x128xi32, #tpu.memory_space<vmem>>) target_semaphore(%run_scoped3A : memref<!tpu.dma_semaphore, #tpu.memory_space<semaphore_mem>>)
        %dma_wait3A_60 = arith.constant 0 : i32
        %dma_wait3A_61 = tpu.memref_slice %arg2[%add3A_24, %dma_wait3A_60] : memref<2560x128xi32, #tpu.memory_space<hbm>> -> memref<16x128xi32, #tpu.memory_space<hbm>>
        %dma_wait3A_62 = arith.constant 0 : i32
        %dma_wait3A_63 = tpu.memref_slice %arg2[%add3A_24, %dma_wait3A_62] : memref<2560x128xi32, #tpu.memory_space<hbm>> -> memref<16x128xi32, #tpu.memory_space<hbm>>
        tpu.wait_dma2 semaphore(%run_scoped3A : memref<!tpu.dma_semaphore, #tpu.memory_space<semaphore_mem>>) src(%dma_wait3A_63 : memref<16x128xi32, #tpu.memory_space<hbm>>) dst(%arg10 : memref<16x128xi32, #tpu.memory_space<vmem>>)
        tpu.yield
      }) : () -> ()
      "tpu.region"() ({
        %run_scoped3A = tpu.sem_alloc : memref<!tpu.dma_semaphore, #tpu.memory_space<semaphore_mem>>
        %dma_start3A_56 = arith.constant 0 : i32
        %dma_start3A_57 = tpu.memref_slice %arg3[%add3A_24, %dma_start3A_56] : memref<2560x128xi32, #tpu.memory_space<hbm>> -> memref<16x128xi32, #tpu.memory_space<hbm>>
        %dma_start3A_58 = arith.constant 0 : i32
        %dma_start3A_59 = tpu.memref_slice %arg3[%add3A_24, %dma_start3A_58] : memref<2560x128xi32, #tpu.memory_space<hbm>> -> memref<16x128xi32, #tpu.memory_space<hbm>>
        tpu.enqueue_dma source(%dma_start3A_59 : memref<16x128xi32, #tpu.memory_space<hbm>>) target(%arg11 : memref<16x128xi32, #tpu.memory_space<vmem>>) target_semaphore(%run_scoped3A : memref<!tpu.dma_semaphore, #tpu.memory_space<semaphore_mem>>)
        %dma_wait3A_60 = arith.constant 0 : i32
        %dma_wait3A_61 = tpu.memref_slice %arg3[%add3A_24, %dma_wait3A_60] : memref<2560x128xi32, #tpu.memory_space<hbm>> -> memref<16x128xi32, #tpu.memory_space<hbm>>
        %dma_wait3A_62 = arith.constant 0 : i32
        %dma_wait3A_63 = tpu.memref_slice %arg3[%add3A_24, %dma_wait3A_62] : memref<2560x128xi32, #tpu.memory_space<hbm>> -> memref<16x128xi32, #tpu.memory_space<hbm>>
        tpu.wait_dma2 semaphore(%run_scoped3A : memref<!tpu.dma_semaphore, #tpu.memory_space<semaphore_mem>>) src(%dma_wait3A_63 : memref<16x128xi32, #tpu.memory_space<hbm>>) dst(%arg11 : memref<16x128xi32, #tpu.memory_space<vmem>>)
        tpu.yield
      }) : () -> ()
      %dma_start3A = arith.constant 0 : i32
      %dma_start3A_25 = arith.constant 0 : i32
      %dma_start3A_26 = tpu.memref_slice %arg10[%dma_start3A, %dma_start3A_25] : memref<16x128xi32, #tpu.memory_space<vmem>> -> memref<1x128xi32, #tpu.memory_space<vmem>>
      %dma_start3A_27 = tpu.memref_squeeze %dma_start3A_26 : memref<1x128xi32, #tpu.memory_space<vmem>> -> memref<128xi32, #tpu.memory_space<vmem>>
      %dma_start3A_28 = arith.constant 0 : i32
      %dma_start3A_29 = arith.constant 0 : i32
      %dma_start3A_30 = tpu.memref_slice %arg4[%dma_start3A_28, %dma_start3A_29] : memref<10000x128xf32, #tpu.memory_space<hbm>> -> memref<10000x128xf32, #tpu.memory_space<hbm>>
      tpu.enqueue_indirect_dma source(%dma_start3A_30 : memref<10000x128xf32, #tpu.memory_space<hbm>>) target(%arg8 : memref<128x128xf32, #tpu.memory_space<vmem>>) offsets(%dma_start3A_27 : memref<128xi32, #tpu.memory_space<vmem>>) semaphore(%arg12 : memref<!tpu.dma_semaphore, #tpu.memory_space<semaphore_mem>>)
      %dma_start3A_31 = arith.constant 1 : i32
      %dma_start3A_32 = arith.constant 0 : i32
      %dma_start3A_33 = tpu.memref_slice %arg10[%dma_start3A_31, %dma_start3A_32] : memref<16x128xi32, #tpu.memory_space<vmem>> -> memref<1x128xi32, #tpu.memory_space<vmem>>
      %dma_start3A_34 = tpu.memref_squeeze %dma_start3A_33 : memref<1x128xi32, #tpu.memory_space<vmem>> -> memref<128xi32, #tpu.memory_space<vmem>>
      %dma_start3A_35 = arith.constant 0 : i32
      %dma_start3A_36 = arith.constant 0 : i32
      %dma_start3A_37 = tpu.memref_slice %arg4[%dma_start3A_35, %dma_start3A_36] : memref<10000x128xf32, #tpu.memory_space<hbm>> -> memref<10000x128xf32, #tpu.memory_space<hbm>>
      tpu.enqueue_indirect_dma source(%dma_start3A_37 : memref<10000x128xf32, #tpu.memory_space<hbm>>) target(%arg9 : memref<128x128xf32, #tpu.memory_space<vmem>>) offsets(%dma_start3A_34 : memref<128xi32, #tpu.memory_space<vmem>>) semaphore(%arg13 : memref<!tpu.dma_semaphore, #tpu.memory_space<semaphore_mem>>)
      %scan3A_38 = arith.constant 0 : i32
      %scan3A_39 = arith.constant 8 : i32
      %scan3A_40 = arith.addi %scan3A_38, %scan3A_39 : i32
      %scan3A_41 = arith.constant 1 : i32
      scf.for %scan3A_56 = %scan3A_38 to %scan3A_40 step %scan3A_41  : i32 {
        %mul3A_57 = arith.constant 2 : i32
        %mul3A_58 = arith.muli %scan3A_56, %mul3A_57 : i32
        %add3A_59 = arith.constant 0 : i32
        %add3A_60 = arith.addi %add3A_59, %mul3A_58 : i32
        %add3A_61 = arith.constant 0 : i32
        %add3A_62 = arith.addi %add3A_60, %add3A_61 : i32
        %dma_wait3A_63 = arith.constant 0 : i32
        %dma_wait3A_64 = tpu.memref_slice %arg10[%add3A_62, %dma_wait3A_63] : memref<16x128xi32, #tpu.memory_space<vmem>> -> memref<1x128xi32, #tpu.memory_space<vmem>>
        %dma_wait3A_65 = tpu.memref_squeeze %dma_wait3A_64 : memref<1x128xi32, #tpu.memory_space<vmem>> -> memref<128xi32, #tpu.memory_space<vmem>>
        %dma_wait3A_66 = arith.constant 0 : i32
        %dma_wait3A_67 = arith.constant 0 : i32
        %dma_wait3A_68 = tpu.memref_slice %arg4[%dma_wait3A_66, %dma_wait3A_67] : memref<10000x128xf32, #tpu.memory_space<hbm>> -> memref<10000x128xf32, #tpu.memory_space<hbm>>
        tpu.wait_indirect_dma semaphore(%arg12 : memref<!tpu.dma_semaphore, #tpu.memory_space<semaphore_mem>>) src(%dma_wait3A_68 : memref<10000x128xf32, #tpu.memory_space<hbm>>) dst(%arg8 : memref<128x128xf32, #tpu.memory_space<vmem>>)
        %dma_start3A_69 = arith.constant 0 : i32
        %dma_start3A_70 = tpu.memref_slice %arg11[%add3A_62, %dma_start3A_69] : memref<16x128xi32, #tpu.memory_space<vmem>> -> memref<1x128xi32, #tpu.memory_space<vmem>>
        %dma_start3A_71 = tpu.memref_squeeze %dma_start3A_70 : memref<1x128xi32, #tpu.memory_space<vmem>> -> memref<128xi32, #tpu.memory_space<vmem>>
        %dma_start3A_72 = arith.constant 0 : i32
        %dma_start3A_73 = arith.constant 0 : i32
        %dma_start3A_74 = tpu.memref_slice %arg7[%dma_start3A_72, %dma_start3A_73] : memref<10240x128xf32, #tpu.memory_space<vmem_shared>> -> memref<10240x128xf32, #tpu.memory_space<vmem_shared>>
        tpu.enqueue_indirect_dma source(%arg8 : memref<128x128xf32, #tpu.memory_space<vmem>>) target(%dma_start3A_74 : memref<10240x128xf32, #tpu.memory_space<vmem_shared>>) offsets(%dma_start3A_71 : memref<128xi32, #tpu.memory_space<vmem>>) semaphore(%arg14 : memref<!tpu.dma_semaphore, #tpu.memory_space<semaphore_mem>>) {add = true}
        %add3A_75 = arith.constant 2 : i32
        %add3A_76 = arith.addi %add3A_62, %add3A_75 : i32
        %lt3A = arith.constant 16 : i32
        %lt3A_77 = arith.cmpi slt, %add3A_76, %lt3A : i32
        %convert_element_type3A = arith.extui %lt3A_77 : i1 to i32
        %cond3A = arith.constant 0 : i32
        %cond3A_78 = arith.cmpi ne, %convert_element_type3A, %cond3A : i32
        scf.if %cond3A_78 {
          %dma_wait3A_100 = arith.constant 0 : i32
          %dma_wait3A_101 = tpu.memref_slice %arg11[%add3A_62, %dma_wait3A_100] : memref<16x128xi32, #tpu.memory_space<vmem>> -> memref<1x128xi32, #tpu.memory_space<vmem>>
          %dma_wait3A_102 = tpu.memref_squeeze %dma_wait3A_101 : memref<1x128xi32, #tpu.memory_space<vmem>> -> memref<128xi32, #tpu.memory_space<vmem>>
          %dma_wait3A_103 = arith.constant 0 : i32
          %dma_wait3A_104 = arith.constant 0 : i32
          %dma_wait3A_105 = tpu.memref_slice %arg7[%dma_wait3A_103, %dma_wait3A_104] : memref<10240x128xf32, #tpu.memory_space<vmem_shared>> -> memref<10240x128xf32, #tpu.memory_space<vmem_shared>>
          tpu.wait_indirect_dma semaphore(%arg14 : memref<!tpu.dma_semaphore, #tpu.memory_space<semaphore_mem>>) src(%arg8 : memref<128x128xf32, #tpu.memory_space<vmem>>) dst(%dma_wait3A_105 : memref<10240x128xf32, #tpu.memory_space<vmem_shared>>)
          %add3A_106 = arith.constant 2 : i32
          %add3A_107 = arith.addi %add3A_62, %add3A_106 : i32
          %dma_start3A_108 = arith.constant 0 : i32
          %dma_start3A_109 = tpu.memref_slice %arg10[%add3A_107, %dma_start3A_108] : memref<16x128xi32, #tpu.memory_space<vmem>> -> memref<1x128xi32, #tpu.memory_space<vmem>>
          %dma_start3A_110 = tpu.memref_squeeze %dma_start3A_109 : memref<1x128xi32, #tpu.memory_space<vmem>> -> memref<128xi32, #tpu.memory_space<vmem>>
          %dma_start3A_111 = arith.constant 0 : i32
          %dma_start3A_112 = arith.constant 0 : i32
          %dma_start3A_113 = tpu.memref_slice %arg4[%dma_start3A_111, %dma_start3A_112] : memref<10000x128xf32, #tpu.memory_space<hbm>> -> memref<10000x128xf32, #tpu.memory_space<hbm>>
          tpu.enqueue_indirect_dma source(%dma_start3A_113 : memref<10000x128xf32, #tpu.memory_space<hbm>>) target(%arg8 : memref<128x128xf32, #tpu.memory_space<vmem>>) offsets(%dma_start3A_110 : memref<128xi32, #tpu.memory_space<vmem>>) semaphore(%arg12 : memref<!tpu.dma_semaphore, #tpu.memory_space<semaphore_mem>>)
        } else {
        }
        %add3A_79 = arith.constant 1 : i32
        %add3A_80 = arith.addi %add3A_60, %add3A_79 : i32
        %dma_wait3A_81 = arith.constant 0 : i32
        %dma_wait3A_82 = tpu.memref_slice %arg10[%add3A_80, %dma_wait3A_81] : memref<16x128xi32, #tpu.memory_space<vmem>> -> memref<1x128xi32, #tpu.memory_space<vmem>>
        %dma_wait3A_83 = tpu.memref_squeeze %dma_wait3A_82 : memref<1x128xi32, #tpu.memory_space<vmem>> -> memref<128xi32, #tpu.memory_space<vmem>>
        %dma_wait3A_84 = arith.constant 0 : i32
        %dma_wait3A_85 = arith.constant 0 : i32
        %dma_wait3A_86 = tpu.memref_slice %arg4[%dma_wait3A_84, %dma_wait3A_85] : memref<10000x128xf32, #tpu.memory_space<hbm>> -> memref<10000x128xf32, #tpu.memory_space<hbm>>
        tpu.wait_indirect_dma semaphore(%arg13 : memref<!tpu.dma_semaphore, #tpu.memory_space<semaphore_mem>>) src(%dma_wait3A_86 : memref<10000x128xf32, #tpu.memory_space<hbm>>) dst(%arg9 : memref<128x128xf32, #tpu.memory_space<vmem>>)
        %dma_start3A_87 = arith.constant 0 : i32
        %dma_start3A_88 = tpu.memref_slice %arg11[%add3A_80, %dma_start3A_87] : memref<16x128xi32, #tpu.memory_space<vmem>> -> memref<1x128xi32, #tpu.memory_space<vmem>>
        %dma_start3A_89 = tpu.memref_squeeze %dma_start3A_88 : memref<1x128xi32, #tpu.memory_space<vmem>> -> memref<128xi32, #tpu.memory_space<vmem>>
        %dma_start3A_90 = arith.constant 0 : i32
        %dma_start3A_91 = arith.constant 0 : i32
        %dma_start3A_92 = tpu.memref_slice %arg7[%dma_start3A_90, %dma_start3A_91] : memref<10240x128xf32, #tpu.memory_space<vmem_shared>> -> memref<10240x128xf32, #tpu.memory_space<vmem_shared>>
        tpu.enqueue_indirect_dma source(%arg9 : memref<128x128xf32, #tpu.memory_space<vmem>>) target(%dma_start3A_92 : memref<10240x128xf32, #tpu.memory_space<vmem_shared>>) offsets(%dma_start3A_89 : memref<128xi32, #tpu.memory_space<vmem>>) semaphore(%arg15 : memref<!tpu.dma_semaphore, #tpu.memory_space<semaphore_mem>>) {add = true}
        %add3A_93 = arith.constant 2 : i32
        %add3A_94 = arith.addi %add3A_80, %add3A_93 : i32
        %lt3A_95 = arith.constant 16 : i32
        %lt3A_96 = arith.cmpi slt, %add3A_94, %lt3A_95 : i32
        %convert_element_type3A_97 = arith.extui %lt3A_96 : i1 to i32
        %cond3A_98 = arith.constant 0 : i32
        %cond3A_99 = arith.cmpi ne, %convert_element_type3A_97, %cond3A_98 : i32
        scf.if %cond3A_99 {
          %dma_wait3A_100 = arith.constant 0 : i32
          %dma_wait3A_101 = tpu.memref_slice %arg11[%add3A_80, %dma_wait3A_100] : memref<16x128xi32, #tpu.memory_space<vmem>> -> memref<1x128xi32, #tpu.memory_space<vmem>>
          %dma_wait3A_102 = tpu.memref_squeeze %dma_wait3A_101 : memref<1x128xi32, #tpu.memory_space<vmem>> -> memref<128xi32, #tpu.memory_space<vmem>>
          %dma_wait3A_103 = arith.constant 0 : i32
          %dma_wait3A_104 = arith.constant 0 : i32
          %dma_wait3A_105 = tpu.memref_slice %arg7[%dma_wait3A_103, %dma_wait3A_104] : memref<10240x128xf32, #tpu.memory_space<vmem_shared>> -> memref<10240x128xf32, #tpu.memory_space<vmem_shared>>
          tpu.wait_indirect_dma semaphore(%arg15 : memref<!tpu.dma_semaphore, #tpu.memory_space<semaphore_mem>>) src(%arg9 : memref<128x128xf32, #tpu.memory_space<vmem>>) dst(%dma_wait3A_105 : memref<10240x128xf32, #tpu.memory_space<vmem_shared>>)
          %add3A_106 = arith.constant 2 : i32
          %add3A_107 = arith.addi %add3A_80, %add3A_106 : i32
          %dma_start3A_108 = arith.constant 0 : i32
          %dma_start3A_109 = tpu.memref_slice %arg10[%add3A_107, %dma_start3A_108] : memref<16x128xi32, #tpu.memory_space<vmem>> -> memref<1x128xi32, #tpu.memory_space<vmem>>
          %dma_start3A_110 = tpu.memref_squeeze %dma_start3A_109 : memref<1x128xi32, #tpu.memory_space<vmem>> -> memref<128xi32, #tpu.memory_space<vmem>>
          %dma_start3A_111 = arith.constant 0 : i32
          %dma_start3A_112 = arith.constant 0 : i32
          %dma_start3A_113 = tpu.memref_slice %arg4[%dma_start3A_111, %dma_start3A_112] : memref<10000x128xf32, #tpu.memory_space<hbm>> -> memref<10000x128xf32, #tpu.memory_space<hbm>>
          tpu.enqueue_indirect_dma source(%dma_start3A_113 : memref<10000x128xf32, #tpu.memory_space<hbm>>) target(%arg9 : memref<128x128xf32, #tpu.memory_space<vmem>>) offsets(%dma_start3A_110 : memref<128xi32, #tpu.memory_space<vmem>>) semaphore(%arg13 : memref<!tpu.dma_semaphore, #tpu.memory_space<semaphore_mem>>)
        } else {
        }
      }
      %scan3A_42 = arith.constant 8 : i32
      %dma_wait3A = arith.constant 0 : i32
      %dma_wait3A_43 = arith.constant 0 : i32
      %dma_wait3A_44 = tpu.memref_slice %arg11[%dma_wait3A, %dma_wait3A_43] : memref<16x128xi32, #tpu.memory_space<vmem>> -> memref<1x128xi32, #tpu.memory_space<vmem>>
      %dma_wait3A_45 = tpu.memref_squeeze %dma_wait3A_44 : memref<1x128xi32, #tpu.memory_space<vmem>> -> memref<128xi32, #tpu.memory_space<vmem>>
      %dma_wait3A_46 = arith.constant 0 : i32
      %dma_wait3A_47 = arith.constant 0 : i32
      %dma_wait3A_48 = tpu.memref_slice %arg7[%dma_wait3A_46, %dma_wait3A_47] : memref<10240x128xf32, #tpu.memory_space<vmem_shared>> -> memref<10240x128xf32, #tpu.memory_space<vmem_shared>>
      tpu.wait_indirect_dma semaphore(%arg14 : memref<!tpu.dma_semaphore, #tpu.memory_space<semaphore_mem>>) src(%arg8 : memref<128x128xf32, #tpu.memory_space<vmem>>) dst(%dma_wait3A_48 : memref<10240x128xf32, #tpu.memory_space<vmem_shared>>)
      %dma_wait3A_49 = arith.constant 0 : i32
      %dma_wait3A_50 = arith.constant 0 : i32
      %dma_wait3A_51 = tpu.memref_slice %arg11[%dma_wait3A_49, %dma_wait3A_50] : memref<16x128xi32, #tpu.memory_space<vmem>> -> memref<1x128xi32, #tpu.memory_space<vmem>>
      %dma_wait3A_52 = tpu.memref_squeeze %dma_wait3A_51 : memref<1x128xi32, #tpu.memory_space<vmem>> -> memref<128xi32, #tpu.memory_space<vmem>>
      %dma_wait3A_53 = arith.constant 0 : i32
      %dma_wait3A_54 = arith.constant 0 : i32
      %dma_wait3A_55 = tpu.memref_slice %arg7[%dma_wait3A_53, %dma_wait3A_54] : memref<10240x128xf32, #tpu.memory_space<vmem_shared>> -> memref<10240x128xf32, #tpu.memory_space<vmem_shared>>
      tpu.wait_indirect_dma semaphore(%arg15 : memref<!tpu.dma_semaphore, #tpu.memory_space<semaphore_mem>>) src(%arg9 : memref<128x128xf32, #tpu.memory_space<vmem>>) dst(%dma_wait3A_55 : memref<10240x128xf32, #tpu.memory_space<vmem_shared>>)
    }
    %scan3A_9 = arith.constant 5 : i32
    %barrier3A_10 = arith.constant 0 : index
    tpu.barrier barrier_id(%barrier3A_10)
    %mul3A_11 = arith.constant 640 : i32
    %mul3A_12 = arith.muli %arg1, %mul3A_11 : i32
    %mul3A_13 = arith.constant 640 : i32
    %mul3A_14 = arith.muli %arg1, %mul3A_13 : i32
    "tpu.region"() ({
      %run_scoped3A = tpu.sem_alloc : memref<!tpu.dma_semaphore, #tpu.memory_space<semaphore_mem>>
      %dma_start3A = arith.constant 0 : i32
      %dma_start3A_15 = tpu.memref_slice %arg6[%arg0, %mul3A_14, %dma_start3A] : memref<2x10240x128xf32, #tpu.memory_space<hbm>> -> memref<1x640x128xf32, #tpu.memory_space<hbm>>
      %dma_start3A_16 = tpu.memref_squeeze %dma_start3A_15 : memref<1x640x128xf32, #tpu.memory_space<hbm>> -> memref<640x128xf32, #tpu.memory_space<hbm>>
      %dma_start3A_17 = arith.constant 0 : i32
      %dma_start3A_18 = tpu.memref_slice %arg7[%mul3A_12, %dma_start3A_17] : memref<10240x128xf32, #tpu.memory_space<vmem_shared>> -> memref<640x128xf32, #tpu.memory_space<vmem_shared>>
      tpu.enqueue_dma source(%dma_start3A_18 : memref<640x128xf32, #tpu.memory_space<vmem_shared>>) target(%dma_start3A_16 : memref<640x128xf32, #tpu.memory_space<hbm>>) target_semaphore(%run_scoped3A : memref<!tpu.dma_semaphore, #tpu.memory_space<semaphore_mem>>)
      %dma_wait3A = arith.constant 0 : i32
      %dma_wait3A_19 = tpu.memref_slice %arg6[%arg0, %mul3A_14, %dma_wait3A] : memref<2x10240x128xf32, #tpu.memory_space<hbm>> -> memref<1x640x128xf32, #tpu.memory_space<hbm>>
      %dma_wait3A_20 = tpu.memref_squeeze %dma_wait3A_19 : memref<1x640x128xf32, #tpu.memory_space<hbm>> -> memref<640x128xf32, #tpu.memory_space<hbm>>
      %dma_wait3A_21 = arith.constant 0 : i32
      %dma_wait3A_22 = tpu.memref_slice %arg7[%mul3A_12, %dma_wait3A_21] : memref<10240x128xf32, #tpu.memory_space<vmem_shared>> -> memref<640x128xf32, #tpu.memory_space<vmem_shared>>
      tpu.wait_dma2 semaphore(%run_scoped3A : memref<!tpu.dma_semaphore, #tpu.memory_space<semaphore_mem>>) src(%dma_wait3A_22 : memref<640x128xf32, #tpu.memory_space<vmem_shared>>) dst(%dma_wait3A_20 : memref<640x128xf32, #tpu.memory_space<hbm>>)
      tpu.yield
    }) : () -> ()
    return
  }
}

#map = affine_map<(d0, d1) -> (0, 0)>
#map1 = affine_map<(d0, d1) -> (0, 0, 0)>
module attributes {stable_mosaic.version = 14 : i64} {
  func.func @deg_kernel(%arg0: i32, %arg1: i32, %arg2: memref<2560x128xi32, #tpu.memory_space<hbm>>, %arg3: memref<128x128xf32, #tpu.memory_space<hbm>>, %arg4: memref<128x128xf32, #tpu.memory_space<hbm>>, %arg5: memref<2x10240x128xf32, #tpu.memory_space<hbm>>, %arg6: memref<10240x128xf32, #tpu.memory_space<vmem_shared>>, %arg7: memref<128x128xf32, #tpu.memory_space<vmem>>, %arg8: memref<80x128xi32, #tpu.memory_space<vmem>>, %arg9: memref<!tpu.dma_semaphore, #tpu.memory_space<semaphore_mem>>) attributes {dimension_semantics = [#tpu.dimension_semantics<core_parallel>, #tpu.dimension_semantics<subcore_parallel>], iteration_bounds = array<i64: 2, 16>, scalar_prefetch = 0 : i64, scratch_operands = 4 : i64, tpu.core_type = #tpu.core_type<sc_vector_subcore>, window_params = [{transform_indices = #map}, {transform_indices = #map}, {transform_indices = #map}, {transform_indices = #map1}]} {
    %mul3A = arith.constant 16 : i32
    %mul3A_0 = arith.muli %arg0, %mul3A : i32
    %add3A = arith.addi %mul3A_0, %arg1 : i32
    "tpu.region"() ({
      %run_scoped3A = tpu.sem_alloc : memref<!tpu.dma_semaphore, #tpu.memory_space<semaphore_mem>>
      tpu.enqueue_dma source(%arg3 : memref<128x128xf32, #tpu.memory_space<hbm>>) target(%arg7 : memref<128x128xf32, #tpu.memory_space<vmem>>) target_semaphore(%run_scoped3A : memref<!tpu.dma_semaphore, #tpu.memory_space<semaphore_mem>>)
      tpu.wait_dma2 semaphore(%run_scoped3A : memref<!tpu.dma_semaphore, #tpu.memory_space<semaphore_mem>>) src(%arg3 : memref<128x128xf32, #tpu.memory_space<hbm>>) dst(%arg7 : memref<128x128xf32, #tpu.memory_space<vmem>>)
      tpu.yield
    }) : () -> ()
    %mul3A_1 = arith.constant 80 : i32
    %mul3A_2 = arith.muli %add3A, %mul3A_1 : i32
    "tpu.region"() ({
      %run_scoped3A = tpu.sem_alloc : memref<!tpu.dma_semaphore, #tpu.memory_space<semaphore_mem>>
      %dma_start3A = arith.constant 0 : i32
      %dma_start3A_17 = tpu.memref_slice %arg2[%mul3A_2, %dma_start3A] : memref<2560x128xi32, #tpu.memory_space<hbm>> -> memref<80x128xi32, #tpu.memory_space<hbm>>
      %dma_start3A_18 = arith.constant 0 : i32
      %dma_start3A_19 = tpu.memref_slice %arg2[%mul3A_2, %dma_start3A_18] : memref<2560x128xi32, #tpu.memory_space<hbm>> -> memref<80x128xi32, #tpu.memory_space<hbm>>
      tpu.enqueue_dma source(%dma_start3A_19 : memref<80x128xi32, #tpu.memory_space<hbm>>) target(%arg8 : memref<80x128xi32, #tpu.memory_space<vmem>>) target_semaphore(%run_scoped3A : memref<!tpu.dma_semaphore, #tpu.memory_space<semaphore_mem>>)
      %dma_wait3A = arith.constant 0 : i32
      %dma_wait3A_20 = tpu.memref_slice %arg2[%mul3A_2, %dma_wait3A] : memref<2560x128xi32, #tpu.memory_space<hbm>> -> memref<80x128xi32, #tpu.memory_space<hbm>>
      %dma_wait3A_21 = arith.constant 0 : i32
      %dma_wait3A_22 = tpu.memref_slice %arg2[%mul3A_2, %dma_wait3A_21] : memref<2560x128xi32, #tpu.memory_space<hbm>> -> memref<80x128xi32, #tpu.memory_space<hbm>>
      tpu.wait_dma2 semaphore(%run_scoped3A : memref<!tpu.dma_semaphore, #tpu.memory_space<semaphore_mem>>) src(%dma_wait3A_22 : memref<80x128xi32, #tpu.memory_space<hbm>>) dst(%arg8 : memref<80x128xi32, #tpu.memory_space<vmem>>)
      tpu.yield
    }) : () -> ()
    %scan3A = arith.constant 0 : i32
    %scan3A_3 = arith.constant 5 : i32
    %scan3A_4 = arith.addi %scan3A, %scan3A_3 : i32
    %scan3A_5 = arith.constant 1 : i32
    scf.for %scan3A_17 = %scan3A to %scan3A_4 step %scan3A_5  : i32 {
      %mul3A_18 = arith.constant 1 : i32
      %mul3A_19 = arith.muli %scan3A_17, %mul3A_18 : i32
      %add3A_20 = arith.constant 0 : i32
      %add3A_21 = arith.addi %add3A_20, %mul3A_19 : i32
      %mul3A_22 = arith.constant 640 : i32
      %mul3A_23 = arith.muli %arg1, %mul3A_22 : i32
      %mul3A_24 = arith.constant 128 : i32
      %mul3A_25 = arith.muli %add3A_21, %mul3A_24 : i32
      %add3A_26 = arith.addi %mul3A_23, %mul3A_25 : i32
      "tpu.region"() ({
        %run_scoped3A = tpu.sem_alloc : memref<!tpu.dma_semaphore, #tpu.memory_space<semaphore_mem>>
        %dma_start3A = arith.constant 0 : i32
        %dma_start3A_27 = tpu.memref_slice %arg6[%add3A_26, %dma_start3A] : memref<10240x128xf32, #tpu.memory_space<vmem_shared>> -> memref<128x128xf32, #tpu.memory_space<vmem_shared>>
        tpu.enqueue_dma source(%arg4 : memref<128x128xf32, #tpu.memory_space<hbm>>) target(%dma_start3A_27 : memref<128x128xf32, #tpu.memory_space<vmem_shared>>) target_semaphore(%run_scoped3A : memref<!tpu.dma_semaphore, #tpu.memory_space<semaphore_mem>>)
        %dma_wait3A = arith.constant 0 : i32
        %dma_wait3A_28 = tpu.memref_slice %arg6[%add3A_26, %dma_wait3A] : memref<10240x128xf32, #tpu.memory_space<vmem_shared>> -> memref<128x128xf32, #tpu.memory_space<vmem_shared>>
        tpu.wait_dma2 semaphore(%run_scoped3A : memref<!tpu.dma_semaphore, #tpu.memory_space<semaphore_mem>>) src(%arg4 : memref<128x128xf32, #tpu.memory_space<hbm>>) dst(%dma_wait3A_28 : memref<128x128xf32, #tpu.memory_space<vmem_shared>>)
        tpu.yield
      }) : () -> ()
    }
    %scan3A_6 = arith.constant 5 : i32
    %barrier3A = arith.constant 0 : index
    tpu.barrier barrier_id(%barrier3A)
    %scan3A_7 = arith.constant 0 : i32
    %scan3A_8 = arith.constant 10 : i32
    %scan3A_9 = arith.addi %scan3A_7, %scan3A_8 : i32
    %scan3A_10 = arith.constant 1 : i32
    scf.for %scan3A_17 = %scan3A_7 to %scan3A_9 step %scan3A_10  : i32 {
      %mul3A_18 = arith.constant 8 : i32
      %mul3A_19 = arith.muli %scan3A_17, %mul3A_18 : i32
      %add3A_20 = arith.constant 0 : i32
      %add3A_21 = arith.addi %add3A_20, %mul3A_19 : i32
      %scan3A_22 = arith.constant 0 : i32
      %scan3A_23 = arith.constant 8 : i32
      %scan3A_24 = arith.addi %scan3A_22, %scan3A_23 : i32
      %scan3A_25 = arith.constant 1 : i32
      scf.for %scan3A_32 = %scan3A_22 to %scan3A_24 step %scan3A_25  : i32 {
        %mul3A_33 = arith.constant 1 : i32
        %mul3A_34 = arith.muli %scan3A_32, %mul3A_33 : i32
        %add3A_35 = arith.constant 0 : i32
        %add3A_36 = arith.addi %add3A_35, %mul3A_34 : i32
        %add3A_37 = arith.addi %add3A_21, %add3A_36 : i32
        %dma_start3A = arith.constant 0 : i32
        %dma_start3A_38 = tpu.memref_slice %arg8[%add3A_37, %dma_start3A] : memref<80x128xi32, #tpu.memory_space<vmem>> -> memref<1x128xi32, #tpu.memory_space<vmem>>
        %dma_start3A_39 = tpu.memref_squeeze %dma_start3A_38 : memref<1x128xi32, #tpu.memory_space<vmem>> -> memref<128xi32, #tpu.memory_space<vmem>>
        %dma_start3A_40 = arith.constant 0 : i32
        %dma_start3A_41 = arith.constant 0 : i32
        %dma_start3A_42 = tpu.memref_slice %arg6[%dma_start3A_40, %dma_start3A_41] : memref<10240x128xf32, #tpu.memory_space<vmem_shared>> -> memref<10240x128xf32, #tpu.memory_space<vmem_shared>>
        tpu.enqueue_indirect_dma source(%arg7 : memref<128x128xf32, #tpu.memory_space<vmem>>) target(%dma_start3A_42 : memref<10240x128xf32, #tpu.memory_space<vmem_shared>>) offsets(%dma_start3A_39 : memref<128xi32, #tpu.memory_space<vmem>>) semaphore(%arg9 : memref<!tpu.dma_semaphore, #tpu.memory_space<semaphore_mem>>) {add = true}
      }
      %scan3A_26 = arith.constant 8 : i32
      %scan3A_27 = arith.constant 0 : i32
      %scan3A_28 = arith.constant 8 : i32
      %scan3A_29 = arith.addi %scan3A_27, %scan3A_28 : i32
      %scan3A_30 = arith.constant 1 : i32
      scf.for %scan3A_32 = %scan3A_27 to %scan3A_29 step %scan3A_30  : i32 {
        %mul3A_33 = arith.constant 1 : i32
        %mul3A_34 = arith.muli %scan3A_32, %mul3A_33 : i32
        %add3A_35 = arith.constant 0 : i32
        %add3A_36 = arith.addi %add3A_35, %mul3A_34 : i32
        %dma_wait3A = arith.constant 0 : i32
        %dma_wait3A_37 = tpu.memref_slice %arg8[%add3A_21, %dma_wait3A] : memref<80x128xi32, #tpu.memory_space<vmem>> -> memref<1x128xi32, #tpu.memory_space<vmem>>
        %dma_wait3A_38 = tpu.memref_squeeze %dma_wait3A_37 : memref<1x128xi32, #tpu.memory_space<vmem>> -> memref<128xi32, #tpu.memory_space<vmem>>
        %dma_wait3A_39 = arith.constant 0 : i32
        %dma_wait3A_40 = arith.constant 0 : i32
        %dma_wait3A_41 = tpu.memref_slice %arg6[%dma_wait3A_39, %dma_wait3A_40] : memref<10240x128xf32, #tpu.memory_space<vmem_shared>> -> memref<10240x128xf32, #tpu.memory_space<vmem_shared>>
        tpu.wait_indirect_dma semaphore(%arg9 : memref<!tpu.dma_semaphore, #tpu.memory_space<semaphore_mem>>) src(%arg7 : memref<128x128xf32, #tpu.memory_space<vmem>>) dst(%dma_wait3A_41 : memref<10240x128xf32, #tpu.memory_space<vmem_shared>>)
      }
      %scan3A_31 = arith.constant 8 : i32
    }
    %scan3A_11 = arith.constant 10 : i32
    %barrier3A_12 = arith.constant 0 : index
    tpu.barrier barrier_id(%barrier3A_12)
    %mul3A_13 = arith.constant 640 : i32
    %mul3A_14 = arith.muli %arg1, %mul3A_13 : i32
    %mul3A_15 = arith.constant 640 : i32
    %mul3A_16 = arith.muli %arg1, %mul3A_15 : i32
    "tpu.region"() ({
      %run_scoped3A = tpu.sem_alloc : memref<!tpu.dma_semaphore, #tpu.memory_space<semaphore_mem>>
      %dma_start3A = arith.constant 0 : i32
      %dma_start3A_17 = tpu.memref_slice %arg5[%arg0, %mul3A_16, %dma_start3A] : memref<2x10240x128xf32, #tpu.memory_space<hbm>> -> memref<1x640x128xf32, #tpu.memory_space<hbm>>
      %dma_start3A_18 = tpu.memref_squeeze %dma_start3A_17 : memref<1x640x128xf32, #tpu.memory_space<hbm>> -> memref<640x128xf32, #tpu.memory_space<hbm>>
      %dma_start3A_19 = arith.constant 0 : i32
      %dma_start3A_20 = tpu.memref_slice %arg6[%mul3A_14, %dma_start3A_19] : memref<10240x128xf32, #tpu.memory_space<vmem_shared>> -> memref<640x128xf32, #tpu.memory_space<vmem_shared>>
      tpu.enqueue_dma source(%dma_start3A_20 : memref<640x128xf32, #tpu.memory_space<vmem_shared>>) target(%dma_start3A_18 : memref<640x128xf32, #tpu.memory_space<hbm>>) target_semaphore(%run_scoped3A : memref<!tpu.dma_semaphore, #tpu.memory_space<semaphore_mem>>)
      %dma_wait3A = arith.constant 0 : i32
      %dma_wait3A_21 = tpu.memref_slice %arg5[%arg0, %mul3A_16, %dma_wait3A] : memref<2x10240x128xf32, #tpu.memory_space<hbm>> -> memref<1x640x128xf32, #tpu.memory_space<hbm>>
      %dma_wait3A_22 = tpu.memref_squeeze %dma_wait3A_21 : memref<1x640x128xf32, #tpu.memory_space<hbm>> -> memref<640x128xf32, #tpu.memory_space<hbm>>
      %dma_wait3A_23 = arith.constant 0 : i32
      %dma_wait3A_24 = tpu.memref_slice %arg6[%mul3A_14, %dma_wait3A_23] : memref<10240x128xf32, #tpu.memory_space<vmem_shared>> -> memref<640x128xf32, #tpu.memory_space<vmem_shared>>
      tpu.wait_dma2 semaphore(%run_scoped3A : memref<!tpu.dma_semaphore, #tpu.memory_space<semaphore_mem>>) src(%dma_wait3A_24 : memref<640x128xf32, #tpu.memory_space<vmem_shared>>) dst(%dma_wait3A_22 : memref<640x128xf32, #tpu.memory_space<hbm>>)
      tpu.yield
    }) : () -> ()
    return
  }
}

#map = affine_map<(d0, d1) -> (0, 0)>
#map1 = affine_map<(d0, d1) -> (0, 0, 0)>
module attributes {stable_mosaic.version = 14 : i64} {
  func.func @scat_kernel(%arg0: i32, %arg1: i32, %arg2: memref<2560x128xi32, #tpu.memory_space<hbm>>, %arg3: memref<2560x128xi32, #tpu.memory_space<hbm>>, %arg4: memref<10000x128xf32, #tpu.memory_space<hbm>>, %arg5: memref<128x128xf32, #tpu.memory_space<hbm>>, %arg6: memref<2x10240x128xf32, #tpu.memory_space<hbm>>, %arg7: memref<10240x128xf32, #tpu.memory_space<vmem_shared>>, %arg8: memref<128x128xf32, #tpu.memory_space<vmem>>, %arg9: memref<128x128xf32, #tpu.memory_space<vmem>>, %arg10: memref<16x128xi32, #tpu.memory_space<vmem>>, %arg11: memref<16x128xi32, #tpu.memory_space<vmem>>, %arg12: memref<!tpu.dma_semaphore, #tpu.memory_space<semaphore_mem>>, %arg13: memref<!tpu.dma_semaphore, #tpu.memory_space<semaphore_mem>>, %arg14: memref<!tpu.dma_semaphore, #tpu.memory_space<semaphore_mem>>, %arg15: memref<!tpu.dma_semaphore, #tpu.memory_space<semaphore_mem>>) attributes {dimension_semantics = [#tpu.dimension_semantics<core_parallel>, #tpu.dimension_semantics<subcore_parallel>], iteration_bounds = array<i64: 2, 16>, scalar_prefetch = 0 : i64, scratch_operands = 9 : i64, tpu.core_type = #tpu.core_type<sc_vector_subcore>, window_params = [{transform_indices = #map}, {transform_indices = #map}, {transform_indices = #map}, {transform_indices = #map}, {transform_indices = #map1}]} {
    %mul3A = arith.constant 16 : i32
    %mul3A_0 = arith.muli %arg0, %mul3A : i32
    %add3A = arith.addi %mul3A_0, %arg1 : i32
    %scan3A = arith.constant 0 : i32
    %scan3A_1 = arith.constant 5 : i32
    %scan3A_2 = arith.addi %scan3A, %scan3A_1 : i32
    %scan3A_3 = arith.constant 1 : i32
    scf.for %scan3A_15 = %scan3A to %scan3A_2 step %scan3A_3  : i32 {
      %mul3A_16 = arith.constant 1 : i32
      %mul3A_17 = arith.muli %scan3A_15, %mul3A_16 : i32
      %add3A_18 = arith.constant 0 : i32
      %add3A_19 = arith.addi %add3A_18, %mul3A_17 : i32
      %mul3A_20 = arith.constant 640 : i32
      %mul3A_21 = arith.muli %arg1, %mul3A_20 : i32
      %mul3A_22 = arith.constant 128 : i32
      %mul3A_23 = arith.muli %add3A_19, %mul3A_22 : i32
      %add3A_24 = arith.addi %mul3A_21, %mul3A_23 : i32
      "tpu.region"() ({
        %run_scoped3A = tpu.sem_alloc : memref<!tpu.dma_semaphore, #tpu.memory_space<semaphore_mem>>
        %dma_start3A = arith.constant 0 : i32
        %dma_start3A_25 = tpu.memref_slice %arg7[%add3A_24, %dma_start3A] : memref<10240x128xf32, #tpu.memory_space<vmem_shared>> -> memref<128x128xf32, #tpu.memory_space<vmem_shared>>
        tpu.enqueue_dma source(%arg5 : memref<128x128xf32, #tpu.memory_space<hbm>>) target(%dma_start3A_25 : memref<128x128xf32, #tpu.memory_space<vmem_shared>>) target_semaphore(%run_scoped3A : memref<!tpu.dma_semaphore, #tpu.memory_space<semaphore_mem>>)
        %dma_wait3A = arith.constant 0 : i32
        %dma_wait3A_26 = tpu.memref_slice %arg7[%add3A_24, %dma_wait3A] : memref<10240x128xf32, #tpu.memory_space<vmem_shared>> -> memref<128x128xf32, #tpu.memory_space<vmem_shared>>
        tpu.wait_dma2 semaphore(%run_scoped3A : memref<!tpu.dma_semaphore, #tpu.memory_space<semaphore_mem>>) src(%arg5 : memref<128x128xf32, #tpu.memory_space<hbm>>) dst(%dma_wait3A_26 : memref<128x128xf32, #tpu.memory_space<vmem_shared>>)
        tpu.yield
      }) : () -> ()
    }
    %scan3A_4 = arith.constant 5 : i32
    %barrier3A = arith.constant 0 : index
    tpu.barrier barrier_id(%barrier3A)
    %scan3A_5 = arith.constant 0 : i32
    %scan3A_6 = arith.constant 5 : i32
    %scan3A_7 = arith.addi %scan3A_5, %scan3A_6 : i32
    %scan3A_8 = arith.constant 1 : i32
    scf.for %scan3A_15 = %scan3A_5 to %scan3A_7 step %scan3A_8  : i32 {
      %mul3A_16 = arith.constant 1 : i32
      %mul3A_17 = arith.muli %scan3A_15, %mul3A_16 : i32
      %add3A_18 = arith.constant 0 : i32
      %add3A_19 = arith.addi %add3A_18, %mul3A_17 : i32
      %mul3A_20 = arith.constant 80 : i32
      %mul3A_21 = arith.muli %add3A, %mul3A_20 : i32
      %mul3A_22 = arith.constant 16 : i32
      %mul3A_23 = arith.muli %add3A_19, %mul3A_22 : i32
      %add3A_24 = arith.addi %mul3A_21, %mul3A_23 : i32
      "tpu.region"() ({
        %run_scoped3A = tpu.sem_alloc : memref<!tpu.dma_semaphore, #tpu.memory_space<semaphore_mem>>
        %dma_start3A_56 = arith.constant 0 : i32
        %dma_start3A_57 = tpu.memref_slice %arg2[%add3A_24, %dma_start3A_56] : memref<2560x128xi32, #tpu.memory_space<hbm>> -> memref<16x128xi32, #tpu.memory_space<hbm>>
        %dma_start3A_58 = arith.constant 0 : i32
        %dma_start3A_59 = tpu.memref_slice %arg2[%add3A_24, %dma_start3A_58] : memref<2560x128xi32, #tpu.memory_space<hbm>> -> memref<16x128xi32, #tpu.memory_space<hbm>>
        tpu.enqueue_dma source(%dma_start3A_59 : memref<16x128xi32, #tpu.memory_space<hbm>>) target(%arg10 : memref<16x128xi32, #tpu.memory_space<vmem>>) target_semaphore(%run_scoped3A : memref<!tpu.dma_semaphore, #tpu.memory_space<semaphore_mem>>)
        %dma_wait3A_60 = arith.constant 0 : i32
        %dma_wait3A_61 = tpu.memref_slice %arg2[%add3A_24, %dma_wait3A_60] : memref<2560x128xi32, #tpu.memory_space<hbm>> -> memref<16x128xi32, #tpu.memory_space<hbm>>
        %dma_wait3A_62 = arith.constant 0 : i32
        %dma_wait3A_63 = tpu.memref_slice %arg2[%add3A_24, %dma_wait3A_62] : memref<2560x128xi32, #tpu.memory_space<hbm>> -> memref<16x128xi32, #tpu.memory_space<hbm>>
        tpu.wait_dma2 semaphore(%run_scoped3A : memref<!tpu.dma_semaphore, #tpu.memory_space<semaphore_mem>>) src(%dma_wait3A_63 : memref<16x128xi32, #tpu.memory_space<hbm>>) dst(%arg10 : memref<16x128xi32, #tpu.memory_space<vmem>>)
        tpu.yield
      }) : () -> ()
      "tpu.region"() ({
        %run_scoped3A = tpu.sem_alloc : memref<!tpu.dma_semaphore, #tpu.memory_space<semaphore_mem>>
        %dma_start3A_56 = arith.constant 0 : i32
        %dma_start3A_57 = tpu.memref_slice %arg3[%add3A_24, %dma_start3A_56] : memref<2560x128xi32, #tpu.memory_space<hbm>> -> memref<16x128xi32, #tpu.memory_space<hbm>>
        %dma_start3A_58 = arith.constant 0 : i32
        %dma_start3A_59 = tpu.memref_slice %arg3[%add3A_24, %dma_start3A_58] : memref<2560x128xi32, #tpu.memory_space<hbm>> -> memref<16x128xi32, #tpu.memory_space<hbm>>
        tpu.enqueue_dma source(%dma_start3A_59 : memref<16x128xi32, #tpu.memory_space<hbm>>) target(%arg11 : memref<16x128xi32, #tpu.memory_space<vmem>>) target_semaphore(%run_scoped3A : memref<!tpu.dma_semaphore, #tpu.memory_space<semaphore_mem>>)
        %dma_wait3A_60 = arith.constant 0 : i32
        %dma_wait3A_61 = tpu.memref_slice %arg3[%add3A_24, %dma_wait3A_60] : memref<2560x128xi32, #tpu.memory_space<hbm>> -> memref<16x128xi32, #tpu.memory_space<hbm>>
        %dma_wait3A_62 = arith.constant 0 : i32
        %dma_wait3A_63 = tpu.memref_slice %arg3[%add3A_24, %dma_wait3A_62] : memref<2560x128xi32, #tpu.memory_space<hbm>> -> memref<16x128xi32, #tpu.memory_space<hbm>>
        tpu.wait_dma2 semaphore(%run_scoped3A : memref<!tpu.dma_semaphore, #tpu.memory_space<semaphore_mem>>) src(%dma_wait3A_63 : memref<16x128xi32, #tpu.memory_space<hbm>>) dst(%arg11 : memref<16x128xi32, #tpu.memory_space<vmem>>)
        tpu.yield
      }) : () -> ()
      %dma_start3A = arith.constant 0 : i32
      %dma_start3A_25 = arith.constant 0 : i32
      %dma_start3A_26 = tpu.memref_slice %arg10[%dma_start3A, %dma_start3A_25] : memref<16x128xi32, #tpu.memory_space<vmem>> -> memref<1x128xi32, #tpu.memory_space<vmem>>
      %dma_start3A_27 = tpu.memref_squeeze %dma_start3A_26 : memref<1x128xi32, #tpu.memory_space<vmem>> -> memref<128xi32, #tpu.memory_space<vmem>>
      %dma_start3A_28 = arith.constant 0 : i32
      %dma_start3A_29 = arith.constant 0 : i32
      %dma_start3A_30 = tpu.memref_slice %arg4[%dma_start3A_28, %dma_start3A_29] : memref<10000x128xf32, #tpu.memory_space<hbm>> -> memref<10000x128xf32, #tpu.memory_space<hbm>>
      tpu.enqueue_indirect_dma source(%dma_start3A_30 : memref<10000x128xf32, #tpu.memory_space<hbm>>) target(%arg8 : memref<128x128xf32, #tpu.memory_space<vmem>>) offsets(%dma_start3A_27 : memref<128xi32, #tpu.memory_space<vmem>>) semaphore(%arg12 : memref<!tpu.dma_semaphore, #tpu.memory_space<semaphore_mem>>)
      %dma_start3A_31 = arith.constant 1 : i32
      %dma_start3A_32 = arith.constant 0 : i32
      %dma_start3A_33 = tpu.memref_slice %arg10[%dma_start3A_31, %dma_start3A_32] : memref<16x128xi32, #tpu.memory_space<vmem>> -> memref<1x128xi32, #tpu.memory_space<vmem>>
      %dma_start3A_34 = tpu.memref_squeeze %dma_start3A_33 : memref<1x128xi32, #tpu.memory_space<vmem>> -> memref<128xi32, #tpu.memory_space<vmem>>
      %dma_start3A_35 = arith.constant 0 : i32
      %dma_start3A_36 = arith.constant 0 : i32
      %dma_start3A_37 = tpu.memref_slice %arg4[%dma_start3A_35, %dma_start3A_36] : memref<10000x128xf32, #tpu.memory_space<hbm>> -> memref<10000x128xf32, #tpu.memory_space<hbm>>
      tpu.enqueue_indirect_dma source(%dma_start3A_37 : memref<10000x128xf32, #tpu.memory_space<hbm>>) target(%arg9 : memref<128x128xf32, #tpu.memory_space<vmem>>) offsets(%dma_start3A_34 : memref<128xi32, #tpu.memory_space<vmem>>) semaphore(%arg13 : memref<!tpu.dma_semaphore, #tpu.memory_space<semaphore_mem>>)
      %scan3A_38 = arith.constant 0 : i32
      %scan3A_39 = arith.constant 8 : i32
      %scan3A_40 = arith.addi %scan3A_38, %scan3A_39 : i32
      %scan3A_41 = arith.constant 1 : i32
      scf.for %scan3A_56 = %scan3A_38 to %scan3A_40 step %scan3A_41  : i32 {
        %mul3A_57 = arith.constant 2 : i32
        %mul3A_58 = arith.muli %scan3A_56, %mul3A_57 : i32
        %add3A_59 = arith.constant 0 : i32
        %add3A_60 = arith.addi %add3A_59, %mul3A_58 : i32
        %add3A_61 = arith.constant 0 : i32
        %add3A_62 = arith.addi %add3A_60, %add3A_61 : i32
        %dma_wait3A_63 = arith.constant 0 : i32
        %dma_wait3A_64 = tpu.memref_slice %arg10[%add3A_62, %dma_wait3A_63] : memref<16x128xi32, #tpu.memory_space<vmem>> -> memref<1x128xi32, #tpu.memory_space<vmem>>
        %dma_wait3A_65 = tpu.memref_squeeze %dma_wait3A_64 : memref<1x128xi32, #tpu.memory_space<vmem>> -> memref<128xi32, #tpu.memory_space<vmem>>
        %dma_wait3A_66 = arith.constant 0 : i32
        %dma_wait3A_67 = arith.constant 0 : i32
        %dma_wait3A_68 = tpu.memref_slice %arg4[%dma_wait3A_66, %dma_wait3A_67] : memref<10000x128xf32, #tpu.memory_space<hbm>> -> memref<10000x128xf32, #tpu.memory_space<hbm>>
        tpu.wait_indirect_dma semaphore(%arg12 : memref<!tpu.dma_semaphore, #tpu.memory_space<semaphore_mem>>) src(%dma_wait3A_68 : memref<10000x128xf32, #tpu.memory_space<hbm>>) dst(%arg8 : memref<128x128xf32, #tpu.memory_space<vmem>>)
        %dma_start3A_69 = arith.constant 0 : i32
        %dma_start3A_70 = tpu.memref_slice %arg11[%add3A_62, %dma_start3A_69] : memref<16x128xi32, #tpu.memory_space<vmem>> -> memref<1x128xi32, #tpu.memory_space<vmem>>
        %dma_start3A_71 = tpu.memref_squeeze %dma_start3A_70 : memref<1x128xi32, #tpu.memory_space<vmem>> -> memref<128xi32, #tpu.memory_space<vmem>>
        %dma_start3A_72 = arith.constant 0 : i32
        %dma_start3A_73 = arith.constant 0 : i32
        %dma_start3A_74 = tpu.memref_slice %arg7[%dma_start3A_72, %dma_start3A_73] : memref<10240x128xf32, #tpu.memory_space<vmem_shared>> -> memref<10240x128xf32, #tpu.memory_space<vmem_shared>>
        tpu.enqueue_indirect_dma source(%arg8 : memref<128x128xf32, #tpu.memory_space<vmem>>) target(%dma_start3A_74 : memref<10240x128xf32, #tpu.memory_space<vmem_shared>>) offsets(%dma_start3A_71 : memref<128xi32, #tpu.memory_space<vmem>>) semaphore(%arg14 : memref<!tpu.dma_semaphore, #tpu.memory_space<semaphore_mem>>) {add = true}
        %add3A_75 = arith.constant 2 : i32
        %add3A_76 = arith.addi %add3A_62, %add3A_75 : i32
        %lt3A = arith.constant 16 : i32
        %lt3A_77 = arith.cmpi slt, %add3A_76, %lt3A : i32
        %convert_element_type3A = arith.extui %lt3A_77 : i1 to i32
        %cond3A = arith.constant 0 : i32
        %cond3A_78 = arith.cmpi ne, %convert_element_type3A, %cond3A : i32
        scf.if %cond3A_78 {
          %dma_wait3A_100 = arith.constant 0 : i32
          %dma_wait3A_101 = tpu.memref_slice %arg11[%add3A_62, %dma_wait3A_100] : memref<16x128xi32, #tpu.memory_space<vmem>> -> memref<1x128xi32, #tpu.memory_space<vmem>>
          %dma_wait3A_102 = tpu.memref_squeeze %dma_wait3A_101 : memref<1x128xi32, #tpu.memory_space<vmem>> -> memref<128xi32, #tpu.memory_space<vmem>>
          %dma_wait3A_103 = arith.constant 0 : i32
          %dma_wait3A_104 = arith.constant 0 : i32
          %dma_wait3A_105 = tpu.memref_slice %arg7[%dma_wait3A_103, %dma_wait3A_104] : memref<10240x128xf32, #tpu.memory_space<vmem_shared>> -> memref<10240x128xf32, #tpu.memory_space<vmem_shared>>
          tpu.wait_indirect_dma semaphore(%arg14 : memref<!tpu.dma_semaphore, #tpu.memory_space<semaphore_mem>>) src(%arg8 : memref<128x128xf32, #tpu.memory_space<vmem>>) dst(%dma_wait3A_105 : memref<10240x128xf32, #tpu.memory_space<vmem_shared>>)
          %add3A_106 = arith.constant 2 : i32
          %add3A_107 = arith.addi %add3A_62, %add3A_106 : i32
          %dma_start3A_108 = arith.constant 0 : i32
          %dma_start3A_109 = tpu.memref_slice %arg10[%add3A_107, %dma_start3A_108] : memref<16x128xi32, #tpu.memory_space<vmem>> -> memref<1x128xi32, #tpu.memory_space<vmem>>
          %dma_start3A_110 = tpu.memref_squeeze %dma_start3A_109 : memref<1x128xi32, #tpu.memory_space<vmem>> -> memref<128xi32, #tpu.memory_space<vmem>>
          %dma_start3A_111 = arith.constant 0 : i32
          %dma_start3A_112 = arith.constant 0 : i32
          %dma_start3A_113 = tpu.memref_slice %arg4[%dma_start3A_111, %dma_start3A_112] : memref<10000x128xf32, #tpu.memory_space<hbm>> -> memref<10000x128xf32, #tpu.memory_space<hbm>>
          tpu.enqueue_indirect_dma source(%dma_start3A_113 : memref<10000x128xf32, #tpu.memory_space<hbm>>) target(%arg8 : memref<128x128xf32, #tpu.memory_space<vmem>>) offsets(%dma_start3A_110 : memref<128xi32, #tpu.memory_space<vmem>>) semaphore(%arg12 : memref<!tpu.dma_semaphore, #tpu.memory_space<semaphore_mem>>)
        } else {
        }
        %add3A_79 = arith.constant 1 : i32
        %add3A_80 = arith.addi %add3A_60, %add3A_79 : i32
        %dma_wait3A_81 = arith.constant 0 : i32
        %dma_wait3A_82 = tpu.memref_slice %arg10[%add3A_80, %dma_wait3A_81] : memref<16x128xi32, #tpu.memory_space<vmem>> -> memref<1x128xi32, #tpu.memory_space<vmem>>
        %dma_wait3A_83 = tpu.memref_squeeze %dma_wait3A_82 : memref<1x128xi32, #tpu.memory_space<vmem>> -> memref<128xi32, #tpu.memory_space<vmem>>
        %dma_wait3A_84 = arith.constant 0 : i32
        %dma_wait3A_85 = arith.constant 0 : i32
        %dma_wait3A_86 = tpu.memref_slice %arg4[%dma_wait3A_84, %dma_wait3A_85] : memref<10000x128xf32, #tpu.memory_space<hbm>> -> memref<10000x128xf32, #tpu.memory_space<hbm>>
        tpu.wait_indirect_dma semaphore(%arg13 : memref<!tpu.dma_semaphore, #tpu.memory_space<semaphore_mem>>) src(%dma_wait3A_86 : memref<10000x128xf32, #tpu.memory_space<hbm>>) dst(%arg9 : memref<128x128xf32, #tpu.memory_space<vmem>>)
        %dma_start3A_87 = arith.constant 0 : i32
        %dma_start3A_88 = tpu.memref_slice %arg11[%add3A_80, %dma_start3A_87] : memref<16x128xi32, #tpu.memory_space<vmem>> -> memref<1x128xi32, #tpu.memory_space<vmem>>
        %dma_start3A_89 = tpu.memref_squeeze %dma_start3A_88 : memref<1x128xi32, #tpu.memory_space<vmem>> -> memref<128xi32, #tpu.memory_space<vmem>>
        %dma_start3A_90 = arith.constant 0 : i32
        %dma_start3A_91 = arith.constant 0 : i32
        %dma_start3A_92 = tpu.memref_slice %arg7[%dma_start3A_90, %dma_start3A_91] : memref<10240x128xf32, #tpu.memory_space<vmem_shared>> -> memref<10240x128xf32, #tpu.memory_space<vmem_shared>>
        tpu.enqueue_indirect_dma source(%arg9 : memref<128x128xf32, #tpu.memory_space<vmem>>) target(%dma_start3A_92 : memref<10240x128xf32, #tpu.memory_space<vmem_shared>>) offsets(%dma_start3A_89 : memref<128xi32, #tpu.memory_space<vmem>>) semaphore(%arg15 : memref<!tpu.dma_semaphore, #tpu.memory_space<semaphore_mem>>) {add = true}
        %add3A_93 = arith.constant 2 : i32
        %add3A_94 = arith.addi %add3A_80, %add3A_93 : i32
        %lt3A_95 = arith.constant 16 : i32
        %lt3A_96 = arith.cmpi slt, %add3A_94, %lt3A_95 : i32
        %convert_element_type3A_97 = arith.extui %lt3A_96 : i1 to i32
        %cond3A_98 = arith.constant 0 : i32
        %cond3A_99 = arith.cmpi ne, %convert_element_type3A_97, %cond3A_98 : i32
        scf.if %cond3A_99 {
          %dma_wait3A_100 = arith.constant 0 : i32
          %dma_wait3A_101 = tpu.memref_slice %arg11[%add3A_80, %dma_wait3A_100] : memref<16x128xi32, #tpu.memory_space<vmem>> -> memref<1x128xi32, #tpu.memory_space<vmem>>
          %dma_wait3A_102 = tpu.memref_squeeze %dma_wait3A_101 : memref<1x128xi32, #tpu.memory_space<vmem>> -> memref<128xi32, #tpu.memory_space<vmem>>
          %dma_wait3A_103 = arith.constant 0 : i32
          %dma_wait3A_104 = arith.constant 0 : i32
          %dma_wait3A_105 = tpu.memref_slice %arg7[%dma_wait3A_103, %dma_wait3A_104] : memref<10240x128xf32, #tpu.memory_space<vmem_shared>> -> memref<10240x128xf32, #tpu.memory_space<vmem_shared>>
          tpu.wait_indirect_dma semaphore(%arg15 : memref<!tpu.dma_semaphore, #tpu.memory_space<semaphore_mem>>) src(%arg9 : memref<128x128xf32, #tpu.memory_space<vmem>>) dst(%dma_wait3A_105 : memref<10240x128xf32, #tpu.memory_space<vmem_shared>>)
          %add3A_106 = arith.constant 2 : i32
          %add3A_107 = arith.addi %add3A_80, %add3A_106 : i32
          %dma_start3A_108 = arith.constant 0 : i32
          %dma_start3A_109 = tpu.memref_slice %arg10[%add3A_107, %dma_start3A_108] : memref<16x128xi32, #tpu.memory_space<vmem>> -> memref<1x128xi32, #tpu.memory_space<vmem>>
          %dma_start3A_110 = tpu.memref_squeeze %dma_start3A_109 : memref<1x128xi32, #tpu.memory_space<vmem>> -> memref<128xi32, #tpu.memory_space<vmem>>
          %dma_start3A_111 = arith.constant 0 : i32
          %dma_start3A_112 = arith.constant 0 : i32
          %dma_start3A_113 = tpu.memref_slice %arg4[%dma_start3A_111, %dma_start3A_112] : memref<10000x128xf32, #tpu.memory_space<hbm>> -> memref<10000x128xf32, #tpu.memory_space<hbm>>
          tpu.enqueue_indirect_dma source(%dma_start3A_113 : memref<10000x128xf32, #tpu.memory_space<hbm>>) target(%arg9 : memref<128x128xf32, #tpu.memory_space<vmem>>) offsets(%dma_start3A_110 : memref<128xi32, #tpu.memory_space<vmem>>) semaphore(%arg13 : memref<!tpu.dma_semaphore, #tpu.memory_space<semaphore_mem>>)
        } else {
        }
      }
      %scan3A_42 = arith.constant 8 : i32
      %dma_wait3A = arith.constant 0 : i32
      %dma_wait3A_43 = arith.constant 0 : i32
      %dma_wait3A_44 = tpu.memref_slice %arg11[%dma_wait3A, %dma_wait3A_43] : memref<16x128xi32, #tpu.memory_space<vmem>> -> memref<1x128xi32, #tpu.memory_space<vmem>>
      %dma_wait3A_45 = tpu.memref_squeeze %dma_wait3A_44 : memref<1x128xi32, #tpu.memory_space<vmem>> -> memref<128xi32, #tpu.memory_space<vmem>>
      %dma_wait3A_46 = arith.constant 0 : i32
      %dma_wait3A_47 = arith.constant 0 : i32
      %dma_wait3A_48 = tpu.memref_slice %arg7[%dma_wait3A_46, %dma_wait3A_47] : memref<10240x128xf32, #tpu.memory_space<vmem_shared>> -> memref<10240x128xf32, #tpu.memory_space<vmem_shared>>
      tpu.wait_indirect_dma semaphore(%arg14 : memref<!tpu.dma_semaphore, #tpu.memory_space<semaphore_mem>>) src(%arg8 : memref<128x128xf32, #tpu.memory_space<vmem>>) dst(%dma_wait3A_48 : memref<10240x128xf32, #tpu.memory_space<vmem_shared>>)
      %dma_wait3A_49 = arith.constant 0 : i32
      %dma_wait3A_50 = arith.constant 0 : i32
      %dma_wait3A_51 = tpu.memref_slice %arg11[%dma_wait3A_49, %dma_wait3A_50] : memref<16x128xi32, #tpu.memory_space<vmem>> -> memref<1x128xi32, #tpu.memory_space<vmem>>
      %dma_wait3A_52 = tpu.memref_squeeze %dma_wait3A_51 : memref<1x128xi32, #tpu.memory_space<vmem>> -> memref<128xi32, #tpu.memory_space<vmem>>
      %dma_wait3A_53 = arith.constant 0 : i32
      %dma_wait3A_54 = arith.constant 0 : i32
      %dma_wait3A_55 = tpu.memref_slice %arg7[%dma_wait3A_53, %dma_wait3A_54] : memref<10240x128xf32, #tpu.memory_space<vmem_shared>> -> memref<10240x128xf32, #tpu.memory_space<vmem_shared>>
      tpu.wait_indirect_dma semaphore(%arg15 : memref<!tpu.dma_semaphore, #tpu.memory_space<semaphore_mem>>) src(%arg9 : memref<128x128xf32, #tpu.memory_space<vmem>>) dst(%dma_wait3A_55 : memref<10240x128xf32, #tpu.memory_space<vmem_shared>>)
    }
    %scan3A_9 = arith.constant 5 : i32
    %barrier3A_10 = arith.constant 0 : index
    tpu.barrier barrier_id(%barrier3A_10)
    %mul3A_11 = arith.constant 640 : i32
    %mul3A_12 = arith.muli %arg1, %mul3A_11 : i32
    %mul3A_13 = arith.constant 640 : i32
    %mul3A_14 = arith.muli %arg1, %mul3A_13 : i32
    "tpu.region"() ({
      %run_scoped3A = tpu.sem_alloc : memref<!tpu.dma_semaphore, #tpu.memory_space<semaphore_mem>>
      %dma_start3A = arith.constant 0 : i32
      %dma_start3A_15 = tpu.memref_slice %arg6[%arg0, %mul3A_14, %dma_start3A] : memref<2x10240x128xf32, #tpu.memory_space<hbm>> -> memref<1x640x128xf32, #tpu.memory_space<hbm>>
      %dma_start3A_16 = tpu.memref_squeeze %dma_start3A_15 : memref<1x640x128xf32, #tpu.memory_space<hbm>> -> memref<640x128xf32, #tpu.memory_space<hbm>>
      %dma_start3A_17 = arith.constant 0 : i32
      %dma_start3A_18 = tpu.memref_slice %arg7[%mul3A_12, %dma_start3A_17] : memref<10240x128xf32, #tpu.memory_space<vmem_shared>> -> memref<640x128xf32, #tpu.memory_space<vmem_shared>>
      tpu.enqueue_dma source(%dma_start3A_18 : memref<640x128xf32, #tpu.memory_space<vmem_shared>>) target(%dma_start3A_16 : memref<640x128xf32, #tpu.memory_space<hbm>>) target_semaphore(%run_scoped3A : memref<!tpu.dma_semaphore, #tpu.memory_space<semaphore_mem>>)
      %dma_wait3A = arith.constant 0 : i32
      %dma_wait3A_19 = tpu.memref_slice %arg6[%arg0, %mul3A_14, %dma_wait3A] : memref<2x10240x128xf32, #tpu.memory_space<hbm>> -> memref<1x640x128xf32, #tpu.memory_space<hbm>>
      %dma_wait3A_20 = tpu.memref_squeeze %dma_wait3A_19 : memref<1x640x128xf32, #tpu.memory_space<hbm>> -> memref<640x128xf32, #tpu.memory_space<hbm>>
      %dma_wait3A_21 = arith.constant 0 : i32
      %dma_wait3A_22 = tpu.memref_slice %arg7[%mul3A_12, %dma_wait3A_21] : memref<10240x128xf32, #tpu.memory_space<vmem_shared>> -> memref<640x128xf32, #tpu.memory_space<vmem_shared>>
      tpu.wait_dma2 semaphore(%run_scoped3A : memref<!tpu.dma_semaphore, #tpu.memory_space<semaphore_mem>>) src(%dma_wait3A_22 : memref<640x128xf32, #tpu.memory_space<vmem_shared>>) dst(%dma_wait3A_20 : memref<640x128xf32, #tpu.memory_space<hbm>>)
      tpu.yield
    }) : () -> ()
    return
  }
}

module attributes {stable_mosaic.version = 14 : i64} {
  func.func @_tc1_body(%arg0: i32, %arg1: memref<1000x128xf32, #tpu.memory_space<vmem>>, %arg2: memref<2x1000x128xf32, #tpu.memory_space<vmem>>, %arg3: memref<128x128xf32, #tpu.memory_space<vmem>>, %arg4: memref<128x128xf32, #tpu.memory_space<vmem>>, %arg5: memref<1x128xf32, #tpu.memory_space<vmem>>, %arg6: memref<1000x128xf32, #tpu.memory_space<vmem>>, %arg7: memref<1000x128xf32, #tpu.memory_space<vmem>>, %arg8: memref<1000x128xf32, #tpu.memory_space<vmem>>) attributes {dimension_semantics = [#tpu.dimension_semantics<arbitrary>], iteration_bounds = array<i64: 10>, scalar_prefetch = 0 : i64, scratch_operands = 0 : i64, tpu.core_type = #tpu.core_type<tc>, window_params = [{transform_indices = @transform_0, window_bounds = array<i64: 1000, 128>}, {transform_indices = @transform_1, window_bounds = array<i64: 2, 1000, 128>}, {pipeline_mode = #tpu.pipeline_mode<synchronous>, transform_indices = @transform_2, window_bounds = array<i64: 128, 128>}, {pipeline_mode = #tpu.pipeline_mode<synchronous>, transform_indices = @transform_3, window_bounds = array<i64: 128, 128>}, {pipeline_mode = #tpu.pipeline_mode<synchronous>, transform_indices = @transform_4, window_bounds = array<i64: 1, 128>}, {transform_indices = @transform_5, window_bounds = array<i64: 1000, 128>}, {transform_indices = @transform_6, window_bounds = array<i64: 1000, 128>}, {transform_indices = @transform_7, window_bounds = array<i64: 1000, 128>}]} {
    %get3A = arith.constant 0 : index
    %get3A_0 = arith.constant 0 : index
    %get3A_1 = arith.constant 0 : index
    %get3A_2 = vector.load %arg2[%get3A, %get3A_0, %get3A_1] : memref<2x1000x128xf32, #tpu.memory_space<vmem>>, vector<1x1000x128xf32>
    %get3A_3 = vector.shape_cast %get3A_2 : vector<1x1000x128xf32> to vector<1000x128xf32>
    %slice3A = vector.extract_strided_slice %get3A_3 {offsets = [0, 0], sizes = [1000, 1], strides = [1, 1]} : vector<1000x128xf32> to vector<1000x1xf32>
    %get3A_4 = arith.constant 1 : index
    %get3A_5 = arith.constant 0 : index
    %get3A_6 = arith.constant 0 : index
    %get3A_7 = vector.load %arg2[%get3A_4, %get3A_5, %get3A_6] : memref<2x1000x128xf32, #tpu.memory_space<vmem>>, vector<1x1000x128xf32>
    %get3A_8 = vector.shape_cast %get3A_7 : vector<1x1000x128xf32> to vector<1000x128xf32>
    %slice3A_9 = vector.extract_strided_slice %get3A_8 {offsets = [0, 0], sizes = [1000, 1], strides = [1, 1]} : vector<1000x128xf32> to vector<1000x1xf32>
    %add3A = arith.addf %slice3A, %slice3A_9 : vector<1000x1xf32>
    %add3A_10 = arith.constant 1.000000e+00 : f32
    %add3A_11 = vector.broadcast %add3A_10 : f32 to vector<1000x1xf32>
    %add3A_12 = arith.addf %add3A, %add3A_11 : vector<1000x1xf32>
    %rsqrt3A = math.rsqrt %add3A_12 : vector<1000x1xf32>
    %get3A_13 = arith.constant 0 : index
    %get3A_14 = arith.constant 0 : index
    %get3A_15 = vector.load %arg1[%get3A_13, %get3A_14] : memref<1000x128xf32, #tpu.memory_space<vmem>>, vector<1000x128xf32>
    %get3A_16 = arith.constant 0 : index
    %get3A_17 = arith.constant 0 : index
    %get3A_18 = vector.load %arg3[%get3A_16, %get3A_17] : memref<128x128xf32, #tpu.memory_space<vmem>>, vector<128x128xf32>
    %dot_general3A = arith.constant dense<0.000000e+00> : vector<1000x128xf32>
    %dot_general3A_19 = tpu.matmul %get3A_15, %get3A_18, %dot_general3A {dimension_numbers = #tpu.dot_dimension_numbers<[1], [0], [0], [1], [0, 0, 1, 1], [], []>, transpose_lhs_hint = false} : vector<1000x128xf32>, vector<128x128xf32>, vector<1000x128xf32> -> vector<1000x128xf32>
    %broadcast_in_dim3A = vector.shape_cast %rsqrt3A : vector<1000x1xf32> to vector<1000x1xf32>
    %broadcast_in_dim3A_20 = vector.broadcast %broadcast_in_dim3A : vector<1000x1xf32> to vector<1000x128xf32>
    %mul3A = arith.mulf %dot_general3A_19, %broadcast_in_dim3A_20 : vector<1000x128xf32>
    %swap3A = arith.constant 0 : index
    %swap3A_21 = arith.constant 0 : index
    %swap3A_22 = vector.load %arg6[%swap3A, %swap3A_21] : memref<1000x128xf32, #tpu.memory_space<vmem>>, vector<1000x128xf32>
    tpu.vector_store %arg6[%swap3A, %swap3A_21], %mul3A {strides = array<i32>} : memref<1000x128xf32, #tpu.memory_space<vmem>>, vector<1000x128xf32>,
    %get3A_23 = arith.constant 0 : index
    %get3A_24 = arith.constant 0 : index
    %get3A_25 = vector.load %arg4[%get3A_23, %get3A_24] : memref<128x128xf32, #tpu.memory_space<vmem>>, vector<128x128xf32>
    %dot_general3A_26 = arith.constant dense<0.000000e+00> : vector<1000x128xf32>
    %dot_general3A_27 = tpu.matmul %get3A_15, %get3A_25, %dot_general3A_26 {dimension_numbers = #tpu.dot_dimension_numbers<[1], [0], [0], [1], [0, 0, 1, 1], [], []>, transpose_lhs_hint = false} : vector<1000x128xf32>, vector<128x128xf32>, vector<1000x128xf32> -> vector<1000x128xf32>
    %get3A_28 = arith.constant 0 : index
    %get3A_29 = arith.constant 0 : index
    %get3A_30 = vector.load %arg5[%get3A_28, %get3A_29] : memref<1x128xf32, #tpu.memory_space<vmem>>, vector<1x128xf32>
    %add3A_31 = vector.broadcast %get3A_30 : vector<1x128xf32> to vector<1000x128xf32>
    %add3A_32 = arith.addf %dot_general3A_27, %add3A_31 : vector<1000x128xf32>
    %swap3A_33 = arith.constant 0 : index
    %swap3A_34 = arith.constant 0 : index
    %swap3A_35 = vector.load %arg7[%swap3A_33, %swap3A_34] : memref<1000x128xf32, #tpu.memory_space<vmem>>, vector<1000x128xf32>
    tpu.vector_store %arg7[%swap3A_33, %swap3A_34], %add3A_32 {strides = array<i32>} : memref<1000x128xf32, #tpu.memory_space<vmem>>, vector<1000x128xf32>,
    %swap3A_36 = arith.constant 0 : index
    %swap3A_37 = arith.constant 0 : index
    %swap3A_38 = vector.load %arg8[%swap3A_36, %swap3A_37] : memref<1000x128xf32, #tpu.memory_space<vmem>>, vector<1000x128xf32>
    tpu.vector_store %arg8[%swap3A_36, %swap3A_37], %broadcast_in_dim3A_20 {strides = array<i32>} : memref<1000x128xf32, #tpu.memory_space<vmem>>, vector<1000x128xf32>,
    return
  }
  func.func @transform_0(%arg0: i32) -> (i32, i32) {
    %c0_i32 = arith.constant 0 : i32
    %c0_i32_0 = arith.constant 0 : i32
    return %arg0, %c0_i32 : i32, i32
  }
  func.func @transform_1(%arg0: i32) -> (i32, i32, i32) {
    %c0_i32 = arith.constant 0 : i32
    %c0_i32_0 = arith.constant 0 : i32
    %c0_i32_1 = arith.constant 0 : i32
    return %c0_i32, %arg0, %c0_i32_0 : i32, i32, i32
  }
  func.func @transform_2(%arg0: i32) -> (i32, i32) {
    %c0_i32 = arith.constant 0 : i32
    %c0_i32_0 = arith.constant 0 : i32
    %c0_i32_1 = arith.constant 0 : i32
    return %c0_i32, %c0_i32_0 : i32, i32
  }
  func.func @transform_3(%arg0: i32) -> (i32, i32) {
    %c0_i32 = arith.constant 0 : i32
    %c0_i32_0 = arith.constant 0 : i32
    %c0_i32_1 = arith.constant 0 : i32
    return %c0_i32, %c0_i32_0 : i32, i32
  }
  func.func @transform_4(%arg0: i32) -> (i32, i32) {
    %c0_i32 = arith.constant 0 : i32
    %c0_i32_0 = arith.constant 0 : i32
    %c0_i32_1 = arith.constant 0 : i32
    return %c0_i32, %c0_i32_0 : i32, i32
  }
  func.func @transform_5(%arg0: i32) -> (i32, i32) {
    %c0_i32 = arith.constant 0 : i32
    %c0_i32_0 = arith.constant 0 : i32
    return %arg0, %c0_i32 : i32, i32
  }
  func.func @transform_6(%arg0: i32) -> (i32, i32) {
    %c0_i32 = arith.constant 0 : i32
    %c0_i32_0 = arith.constant 0 : i32
    return %arg0, %c0_i32 : i32, i32
  }
  func.func @transform_7(%arg0: i32) -> (i32, i32) {
    %c0_i32 = arith.constant 0 : i32
    %c0_i32_0 = arith.constant 0 : i32
    return %arg0, %c0_i32 : i32, i32
  }
}

module attributes {stable_mosaic.version = 14 : i64} {
  func.func @_tc2_body(%arg0: i32, %arg1: memref<2x1000x128xf32, #tpu.memory_space<vmem>>, %arg2: memref<1000x128xf32, #tpu.memory_space<vmem>>, %arg3: memref<1000x128xf32, #tpu.memory_space<vmem>>, %arg4: memref<1000x128xf32, #tpu.memory_space<vmem>>, %arg5: memref<1x128xf32, #tpu.memory_space<vmem>>, %arg6: memref<1x128xf32, #tpu.memory_space<vmem>>, %arg7: memref<1x128xf32, #tpu.memory_space<vmem>>, %arg8: memref<128x128xf32, #tpu.memory_space<vmem>>, %arg9: memref<128x128xf32, #tpu.memory_space<vmem>>, %arg10: memref<1x128xf32, #tpu.memory_space<vmem>>, %arg11: memref<1000x128xf32, #tpu.memory_space<vmem>>, %arg12: memref<1000x128xf32, #tpu.memory_space<vmem>>) attributes {dimension_semantics = [#tpu.dimension_semantics<arbitrary>], iteration_bounds = array<i64: 10>, scalar_prefetch = 0 : i64, scratch_operands = 0 : i64, tpu.core_type = #tpu.core_type<tc>, window_params = [{transform_indices = @transform_0, window_bounds = array<i64: 2, 1000, 128>}, {transform_indices = @transform_1, window_bounds = array<i64: 1000, 128>}, {transform_indices = @transform_2, window_bounds = array<i64: 1000, 128>}, {transform_indices = @transform_3, window_bounds = array<i64: 1000, 128>}, {pipeline_mode = #tpu.pipeline_mode<synchronous>, transform_indices = @transform_4, window_bounds = array<i64: 1, 128>}, {pipeline_mode = #tpu.pipeline_mode<synchronous>, transform_indices = @transform_5, window_bounds = array<i64: 1, 128>}, {pipeline_mode = #tpu.pipeline_mode<synchronous>, transform_indices = @transform_6, window_bounds = array<i64: 1, 128>}, {pipeline_mode = #tpu.pipeline_mode<synchronous>, transform_indices = @transform_7, window_bounds = array<i64: 128, 128>}, {pipeline_mode = #tpu.pipeline_mode<synchronous>, transform_indices = @transform_8, window_bounds = array<i64: 128, 128>}, {pipeline_mode = #tpu.pipeline_mode<synchronous>, transform_indices = @transform_9, window_bounds = array<i64: 1, 128>}, {transform_indices = @transform_10, window_bounds = array<i64: 1000, 128>}, {transform_indices = @transform_11, window_bounds = array<i64: 1000, 128>}]} {
    %get3A = arith.constant 0 : index
    %get3A_0 = arith.constant 0 : index
    %get3A_1 = vector.load %arg4[%get3A, %get3A_0] : memref<1000x128xf32, #tpu.memory_space<vmem>>, vector<1000x128xf32>
    %get3A_2 = arith.constant 0 : index
    %get3A_3 = arith.constant 0 : index
    %get3A_4 = arith.constant 0 : index
    %get3A_5 = vector.load %arg1[%get3A_2, %get3A_3, %get3A_4] : memref<2x1000x128xf32, #tpu.memory_space<vmem>>, vector<1x1000x128xf32>
    %get3A_6 = vector.shape_cast %get3A_5 : vector<1x1000x128xf32> to vector<1000x128xf32>
    %get3A_7 = arith.constant 1 : index
    %get3A_8 = arith.constant 0 : index
    %get3A_9 = arith.constant 0 : index
    %get3A_10 = vector.load %arg1[%get3A_7, %get3A_8, %get3A_9] : memref<2x1000x128xf32, #tpu.memory_space<vmem>>, vector<1x1000x128xf32>
    %get3A_11 = vector.shape_cast %get3A_10 : vector<1x1000x128xf32> to vector<1000x128xf32>
    %add3A = arith.addf %get3A_6, %get3A_11 : vector<1000x128xf32>
    %get3A_12 = arith.constant 0 : index
    %get3A_13 = arith.constant 0 : index
    %get3A_14 = vector.load %arg2[%get3A_12, %get3A_13] : memref<1000x128xf32, #tpu.memory_space<vmem>>, vector<1000x128xf32>
    %add3A_15 = arith.addf %add3A, %get3A_14 : vector<1000x128xf32>
    %mul3A = arith.mulf %add3A_15, %get3A_1 : vector<1000x128xf32>
    %get3A_16 = arith.constant 0 : index
    %get3A_17 = arith.constant 0 : index
    %get3A_18 = vector.load %arg5[%get3A_16, %get3A_17] : memref<1x128xf32, #tpu.memory_space<vmem>>, vector<1x128xf32>
    %add3A_19 = vector.broadcast %get3A_18 : vector<1x128xf32> to vector<1000x128xf32>
    %add3A_20 = arith.addf %mul3A, %add3A_19 : vector<1000x128xf32>
    %get3A_21 = arith.constant 0 : index
    %get3A_22 = arith.constant 0 : index
    %get3A_23 = vector.load %arg3[%get3A_21, %get3A_22] : memref<1000x128xf32, #tpu.memory_space<vmem>>, vector<1000x128xf32>
    %add3A_24 = arith.addf %add3A_20, %get3A_23 : vector<1000x128xf32>
    %get3A_25 = arith.constant 0 : index
    %get3A_26 = arith.constant 0 : index
    %get3A_27 = vector.load %arg6[%get3A_25, %get3A_26] : memref<1x128xf32, #tpu.memory_space<vmem>>, vector<1x128xf32>
    %get3A_28 = arith.constant 0 : index
    %get3A_29 = arith.constant 0 : index
    %get3A_30 = vector.load %arg7[%get3A_28, %get3A_29] : memref<1x128xf32, #tpu.memory_space<vmem>>, vector<1x128xf32>
    %reduce_sum3A = arith.constant dense<0.000000e+00> : vector<1000xf32>
    %reduce_sum3A_31 = vector.multi_reduction <add>, %add3A_24, %reduce_sum3A [1] : vector<1000x128xf32> to vector<1000xf32>
    %broadcast_in_dim3A = vector.shape_cast %reduce_sum3A_31 : vector<1000xf32> to vector<1000x1xf32>
    %div3A = arith.constant 1.280000e+02 : f32
    %div3A_32 = vector.broadcast %div3A : f32 to vector<1000x1xf32>
    %div3A_33 = arith.divf %broadcast_in_dim3A, %div3A_32 : vector<1000x1xf32>
    %sub3A = vector.broadcast %div3A_33 : vector<1000x1xf32> to vector<1000x128xf32>
    %sub3A_34 = arith.subf %add3A_24, %sub3A : vector<1000x128xf32>
    %integer_pow3A = arith.mulf %sub3A_34, %sub3A_34 : vector<1000x128xf32>
    %reduce_sum3A_35 = arith.constant dense<0.000000e+00> : vector<1000xf32>
    %reduce_sum3A_36 = vector.multi_reduction <add>, %integer_pow3A, %reduce_sum3A_35 [1] : vector<1000x128xf32> to vector<1000xf32>
    %broadcast_in_dim3A_37 = vector.shape_cast %reduce_sum3A_36 : vector<1000xf32> to vector<1000x1xf32>
    %div3A_38 = arith.constant 1.280000e+02 : f32
    %div3A_39 = vector.broadcast %div3A_38 : f32 to vector<1000x1xf32>
    %div3A_40 = arith.divf %broadcast_in_dim3A_37, %div3A_39 : vector<1000x1xf32>
    %sub3A_41 = vector.broadcast %div3A_33 : vector<1000x1xf32> to vector<1000x128xf32>
    %sub3A_42 = arith.subf %add3A_24, %sub3A_41 : vector<1000x128xf32>
    %add3A_43 = arith.constant 9.99999974E-6 : f32
    %add3A_44 = vector.broadcast %add3A_43 : f32 to vector<1000x1xf32>
    %add3A_45 = arith.addf %div3A_40, %add3A_44 : vector<1000x1xf32>
    %rsqrt3A = math.rsqrt %add3A_45 : vector<1000x1xf32>
    %mul3A_46 = vector.broadcast %rsqrt3A : vector<1000x1xf32> to vector<1000x128xf32>
    %mul3A_47 = arith.mulf %sub3A_42, %mul3A_46 : vector<1000x128xf32>
    %mul3A_48 = vector.broadcast %get3A_27 : vector<1x128xf32> to vector<1000x128xf32>
    %mul3A_49 = arith.mulf %mul3A_47, %mul3A_48 : vector<1000x128xf32>
    %add3A_50 = vector.broadcast %get3A_30 : vector<1x128xf32> to vector<1000x128xf32>
    %add3A_51 = arith.addf %mul3A_49, %add3A_50 : vector<1000x128xf32>
    %max3A = arith.constant 0.000000e+00 : f32
    %max3A_52 = vector.broadcast %max3A : f32 to vector<1000x128xf32>
    %max3A_53 = arith.maximumf %add3A_51, %max3A_52 : vector<1000x128xf32>
    %get3A_54 = arith.constant 0 : index
    %get3A_55 = arith.constant 0 : index
    %get3A_56 = vector.load %arg8[%get3A_54, %get3A_55] : memref<128x128xf32, #tpu.memory_space<vmem>>, vector<128x128xf32>
    %dot_general3A = arith.constant dense<0.000000e+00> : vector<1000x128xf32>
    %dot_general3A_57 = tpu.matmul %max3A_53, %get3A_56, %dot_general3A {dimension_numbers = #tpu.dot_dimension_numbers<[1], [0], [0], [1], [0, 0, 1, 1], [], []>, transpose_lhs_hint = false} : vector<1000x128xf32>, vector<128x128xf32>, vector<1000x128xf32> -> vector<1000x128xf32>
    %mul3A_58 = arith.mulf %dot_general3A_57, %get3A_1 : vector<1000x128xf32>
    %swap3A = arith.constant 0 : index
    %swap3A_59 = arith.constant 0 : index
    %swap3A_60 = vector.load %arg11[%swap3A, %swap3A_59] : memref<1000x128xf32, #tpu.memory_space<vmem>>, vector<1000x128xf32>
    tpu.vector_store %arg11[%swap3A, %swap3A_59], %mul3A_58 {strides = array<i32>} : memref<1000x128xf32, #tpu.memory_space<vmem>>, vector<1000x128xf32>,
    %get3A_61 = arith.constant 0 : index
    %get3A_62 = arith.constant 0 : index
    %get3A_63 = vector.load %arg9[%get3A_61, %get3A_62] : memref<128x128xf32, #tpu.memory_space<vmem>>, vector<128x128xf32>
    %dot_general3A_64 = arith.constant dense<0.000000e+00> : vector<1000x128xf32>
    %dot_general3A_65 = tpu.matmul %max3A_53, %get3A_63, %dot_general3A_64 {dimension_numbers = #tpu.dot_dimension_numbers<[1], [0], [0], [1], [0, 0, 1, 1], [], []>, transpose_lhs_hint = false} : vector<1000x128xf32>, vector<128x128xf32>, vector<1000x128xf32> -> vector<1000x128xf32>
    %get3A_66 = arith.constant 0 : index
    %get3A_67 = arith.constant 0 : index
    %get3A_68 = vector.load %arg10[%get3A_66, %get3A_67] : memref<1x128xf32, #tpu.memory_space<vmem>>, vector<1x128xf32>
    %add3A_69 = vector.broadcast %get3A_68 : vector<1x128xf32> to vector<1000x128xf32>
    %add3A_70 = arith.addf %dot_general3A_65, %add3A_69 : vector<1000x128xf32>
    %swap3A_71 = arith.constant 0 : index
    %swap3A_72 = arith.constant 0 : index
    %swap3A_73 = vector.load %arg12[%swap3A_71, %swap3A_72] : memref<1000x128xf32, #tpu.memory_space<vmem>>, vector<1000x128xf32>
    tpu.vector_store %arg12[%swap3A_71, %swap3A_72], %add3A_70 {strides = array<i32>} : memref<1000x128xf32, #tpu.memory_space<vmem>>, vector<1000x128xf32>,
    return
  }
  func.func @transform_0(%arg0: i32) -> (i32, i32, i32) {
    %c0_i32 = arith.constant 0 : i32
    %c0_i32_0 = arith.constant 0 : i32
    %c0_i32_1 = arith.constant 0 : i32
    return %c0_i32, %arg0, %c0_i32_0 : i32, i32, i32
  }
  func.func @transform_1(%arg0: i32) -> (i32, i32) {
    %c0_i32 = arith.constant 0 : i32
    %c0_i32_0 = arith.constant 0 : i32
    return %arg0, %c0_i32 : i32, i32
  }
  func.func @transform_2(%arg0: i32) -> (i32, i32) {
    %c0_i32 = arith.constant 0 : i32
    %c0_i32_0 = arith.constant 0 : i32
    return %arg0, %c0_i32 : i32, i32
  }
  func.func @transform_3(%arg0: i32) -> (i32, i32) {
    %c0_i32 = arith.constant 0 : i32
    %c0_i32_0 = arith.constant 0 : i32
    return %arg0, %c0_i32 : i32, i32
  }
  func.func @transform_4(%arg0: i32) -> (i32, i32) {
    %c0_i32 = arith.constant 0 : i32
    %c0_i32_0 = arith.constant 0 : i32
    %c0_i32_1 = arith.constant 0 : i32
    return %c0_i32, %c0_i32_0 : i32, i32
  }
  func.func @transform_5(%arg0: i32) -> (i32, i32) {
    %c0_i32 = arith.constant 0 : i32
    %c0_i32_0 = arith.constant 0 : i32
    %c0_i32_1 = arith.constant 0 : i32
    return %c0_i32, %c0_i32_0 : i32, i32
  }
  func.func @transform_6(%arg0: i32) -> (i32, i32) {
    %c0_i32 = arith.constant 0 : i32
    %c0_i32_0 = arith.constant 0 : i32
    %c0_i32_1 = arith.constant 0 : i32
    return %c0_i32, %c0_i32_0 : i32, i32
  }
  func.func @transform_7(%arg0: i32) -> (i32, i32) {
    %c0_i32 = arith.constant 0 : i32
    %c0_i32_0 = arith.constant 0 : i32
    %c0_i32_1 = arith.constant 0 : i32
    return %c0_i32, %c0_i32_0 : i32, i32
  }
  func.func @transform_8(%arg0: i32) -> (i32, i32) {
    %c0_i32 = arith.constant 0 : i32
    %c0_i32_0 = arith.constant 0 : i32
    %c0_i32_1 = arith.constant 0 : i32
    return %c0_i32, %c0_i32_0 : i32, i32
  }
  func.func @transform_9(%arg0: i32) -> (i32, i32) {
    %c0_i32 = arith.constant 0 : i32
    %c0_i32_0 = arith.constant 0 : i32
    %c0_i32_1 = arith.constant 0 : i32
    return %c0_i32, %c0_i32_0 : i32, i32
  }
  func.func @transform_10(%arg0: i32) -> (i32, i32) {
    %c0_i32 = arith.constant 0 : i32
    %c0_i32_0 = arith.constant 0 : i32
    return %arg0, %c0_i32 : i32, i32
  }
  func.func @transform_11(%arg0: i32) -> (i32, i32) {
    %c0_i32 = arith.constant 0 : i32
    %c0_i32_0 = arith.constant 0 : i32
    return %arg0, %c0_i32 : i32, i32
  }
}

module attributes {stable_mosaic.version = 14 : i64} {
  func.func @_tc3_body(%arg0: i32, %arg1: memref<2x1000x128xf32, #tpu.memory_space<vmem>>, %arg2: memref<1000x128xf32, #tpu.memory_space<vmem>>, %arg3: memref<1000x128xf32, #tpu.memory_space<vmem>>, %arg4: memref<1000x128xf32, #tpu.memory_space<vmem>>, %arg5: memref<1x128xf32, #tpu.memory_space<vmem>>, %arg6: memref<1x128xf32, #tpu.memory_space<vmem>>, %arg7: memref<1x128xf32, #tpu.memory_space<vmem>>, %arg8: memref<1000x128xf32, #tpu.memory_space<vmem>>) attributes {dimension_semantics = [#tpu.dimension_semantics<arbitrary>], iteration_bounds = array<i64: 10>, scalar_prefetch = 0 : i64, scratch_operands = 0 : i64, tpu.core_type = #tpu.core_type<tc>, window_params = [{transform_indices = @transform_0, window_bounds = array<i64: 2, 1000, 128>}, {transform_indices = @transform_1, window_bounds = array<i64: 1000, 128>}, {transform_indices = @transform_2, window_bounds = array<i64: 1000, 128>}, {transform_indices = @transform_3, window_bounds = array<i64: 1000, 128>}, {pipeline_mode = #tpu.pipeline_mode<synchronous>, transform_indices = @transform_4, window_bounds = array<i64: 1, 128>}, {pipeline_mode = #tpu.pipeline_mode<synchronous>, transform_indices = @transform_5, window_bounds = array<i64: 1, 128>}, {pipeline_mode = #tpu.pipeline_mode<synchronous>, transform_indices = @transform_6, window_bounds = array<i64: 1, 128>}, {transform_indices = @transform_7, window_bounds = array<i64: 1000, 128>}]} {
    %get3A = arith.constant 0 : index
    %get3A_0 = arith.constant 0 : index
    %get3A_1 = arith.constant 0 : index
    %get3A_2 = vector.load %arg1[%get3A, %get3A_0, %get3A_1] : memref<2x1000x128xf32, #tpu.memory_space<vmem>>, vector<1x1000x128xf32>
    %get3A_3 = vector.shape_cast %get3A_2 : vector<1x1000x128xf32> to vector<1000x128xf32>
    %get3A_4 = arith.constant 1 : index
    %get3A_5 = arith.constant 0 : index
    %get3A_6 = arith.constant 0 : index
    %get3A_7 = vector.load %arg1[%get3A_4, %get3A_5, %get3A_6] : memref<2x1000x128xf32, #tpu.memory_space<vmem>>, vector<1x1000x128xf32>
    %get3A_8 = vector.shape_cast %get3A_7 : vector<1x1000x128xf32> to vector<1000x128xf32>
    %add3A = arith.addf %get3A_3, %get3A_8 : vector<1000x128xf32>
    %get3A_9 = arith.constant 0 : index
    %get3A_10 = arith.constant 0 : index
    %get3A_11 = vector.load %arg2[%get3A_9, %get3A_10] : memref<1000x128xf32, #tpu.memory_space<vmem>>, vector<1000x128xf32>
    %add3A_12 = arith.addf %add3A, %get3A_11 : vector<1000x128xf32>
    %get3A_13 = arith.constant 0 : index
    %get3A_14 = arith.constant 0 : index
    %get3A_15 = vector.load %arg4[%get3A_13, %get3A_14] : memref<1000x128xf32, #tpu.memory_space<vmem>>, vector<1000x128xf32>
    %mul3A = arith.mulf %add3A_12, %get3A_15 : vector<1000x128xf32>
    %get3A_16 = arith.constant 0 : index
    %get3A_17 = arith.constant 0 : index
    %get3A_18 = vector.load %arg5[%get3A_16, %get3A_17] : memref<1x128xf32, #tpu.memory_space<vmem>>, vector<1x128xf32>
    %add3A_19 = vector.broadcast %get3A_18 : vector<1x128xf32> to vector<1000x128xf32>
    %add3A_20 = arith.addf %mul3A, %add3A_19 : vector<1000x128xf32>
    %get3A_21 = arith.constant 0 : index
    %get3A_22 = arith.constant 0 : index
    %get3A_23 = vector.load %arg3[%get3A_21, %get3A_22] : memref<1000x128xf32, #tpu.memory_space<vmem>>, vector<1000x128xf32>
    %add3A_24 = arith.addf %add3A_20, %get3A_23 : vector<1000x128xf32>
    %get3A_25 = arith.constant 0 : index
    %get3A_26 = arith.constant 0 : index
    %get3A_27 = vector.load %arg6[%get3A_25, %get3A_26] : memref<1x128xf32, #tpu.memory_space<vmem>>, vector<1x128xf32>
    %get3A_28 = arith.constant 0 : index
    %get3A_29 = arith.constant 0 : index
    %get3A_30 = vector.load %arg7[%get3A_28, %get3A_29] : memref<1x128xf32, #tpu.memory_space<vmem>>, vector<1x128xf32>
    %reduce_sum3A = arith.constant dense<0.000000e+00> : vector<1000xf32>
    %reduce_sum3A_31 = vector.multi_reduction <add>, %add3A_24, %reduce_sum3A [1] : vector<1000x128xf32> to vector<1000xf32>
    %broadcast_in_dim3A = vector.shape_cast %reduce_sum3A_31 : vector<1000xf32> to vector<1000x1xf32>
    %div3A = arith.constant 1.280000e+02 : f32
    %div3A_32 = vector.broadcast %div3A : f32 to vector<1000x1xf32>
    %div3A_33 = arith.divf %broadcast_in_dim3A, %div3A_32 : vector<1000x1xf32>
    %sub3A = vector.broadcast %div3A_33 : vector<1000x1xf32> to vector<1000x128xf32>
    %sub3A_34 = arith.subf %add3A_24, %sub3A : vector<1000x128xf32>
    %integer_pow3A = arith.mulf %sub3A_34, %sub3A_34 : vector<1000x128xf32>
    %reduce_sum3A_35 = arith.constant dense<0.000000e+00> : vector<1000xf32>
    %reduce_sum3A_36 = vector.multi_reduction <add>, %integer_pow3A, %reduce_sum3A_35 [1] : vector<1000x128xf32> to vector<1000xf32>
    %broadcast_in_dim3A_37 = vector.shape_cast %reduce_sum3A_36 : vector<1000xf32> to vector<1000x1xf32>
    %div3A_38 = arith.constant 1.280000e+02 : f32
    %div3A_39 = vector.broadcast %div3A_38 : f32 to vector<1000x1xf32>
    %div3A_40 = arith.divf %broadcast_in_dim3A_37, %div3A_39 : vector<1000x1xf32>
    %sub3A_41 = vector.broadcast %div3A_33 : vector<1000x1xf32> to vector<1000x128xf32>
    %sub3A_42 = arith.subf %add3A_24, %sub3A_41 : vector<1000x128xf32>
    %add3A_43 = arith.constant 9.99999974E-6 : f32
    %add3A_44 = vector.broadcast %add3A_43 : f32 to vector<1000x1xf32>
    %add3A_45 = arith.addf %div3A_40, %add3A_44 : vector<1000x1xf32>
    %rsqrt3A = math.rsqrt %add3A_45 : vector<1000x1xf32>
    %mul3A_46 = vector.broadcast %rsqrt3A : vector<1000x1xf32> to vector<1000x128xf32>
    %mul3A_47 = arith.mulf %sub3A_42, %mul3A_46 : vector<1000x128xf32>
    %mul3A_48 = vector.broadcast %get3A_27 : vector<1x128xf32> to vector<1000x128xf32>
    %mul3A_49 = arith.mulf %mul3A_47, %mul3A_48 : vector<1000x128xf32>
    %add3A_50 = vector.broadcast %get3A_30 : vector<1x128xf32> to vector<1000x128xf32>
    %add3A_51 = arith.addf %mul3A_49, %add3A_50 : vector<1000x128xf32>
    %max3A = arith.constant 0.000000e+00 : f32
    %max3A_52 = vector.broadcast %max3A : f32 to vector<1000x128xf32>
    %max3A_53 = arith.maximumf %add3A_51, %max3A_52 : vector<1000x128xf32>
    %swap3A = arith.constant 0 : index
    %swap3A_54 = arith.constant 0 : index
    %swap3A_55 = vector.load %arg8[%swap3A, %swap3A_54] : memref<1000x128xf32, #tpu.memory_space<vmem>>, vector<1000x128xf32>
    tpu.vector_store %arg8[%swap3A, %swap3A_54], %max3A_53 {strides = array<i32>} : memref<1000x128xf32, #tpu.memory_space<vmem>>, vector<1000x128xf32>,
    return
  }
  func.func @transform_0(%arg0: i32) -> (i32, i32, i32) {
    %c0_i32 = arith.constant 0 : i32
    %c0_i32_0 = arith.constant 0 : i32
    %c0_i32_1 = arith.constant 0 : i32
    return %c0_i32, %arg0, %c0_i32_0 : i32, i32, i32
  }
  func.func @transform_1(%arg0: i32) -> (i32, i32) {
    %c0_i32 = arith.constant 0 : i32
    %c0_i32_0 = arith.constant 0 : i32
    return %arg0, %c0_i32 : i32, i32
  }
  func.func @transform_2(%arg0: i32) -> (i32, i32) {
    %c0_i32 = arith.constant 0 : i32
    %c0_i32_0 = arith.constant 0 : i32
    return %arg0, %c0_i32 : i32, i32
  }
  func.func @transform_3(%arg0: i32) -> (i32, i32) {
    %c0_i32 = arith.constant 0 : i32
    %c0_i32_0 = arith.constant 0 : i32
    return %arg0, %c0_i32 : i32, i32
  }
  func.func @transform_4(%arg0: i32) -> (i32, i32) {
    %c0_i32 = arith.constant 0 : i32
    %c0_i32_0 = arith.constant 0 : i32
    %c0_i32_1 = arith.constant 0 : i32
    return %c0_i32, %c0_i32_0 : i32, i32
  }
  func.func @transform_5(%arg0: i32) -> (i32, i32) {
    %c0_i32 = arith.constant 0 : i32
    %c0_i32_0 = arith.constant 0 : i32
    %c0_i32_1 = arith.constant 0 : i32
    return %c0_i32, %c0_i32_0 : i32, i32
  }
  func.func @transform_6(%arg0: i32) -> (i32, i32) {
    %c0_i32 = arith.constant 0 : i32
    %c0_i32_0 = arith.constant 0 : i32
    %c0_i32_1 = arith.constant 0 : i32
    return %c0_i32, %c0_i32_0 : i32, i32
  }
  func.func @transform_7(%arg0: i32) -> (i32, i32) {
    %c0_i32 = arith.constant 0 : i32
    %c0_i32_0 = arith.constant 0 : i32
    return %arg0, %c0_i32 : i32, i32
  }
}

</mosaic_0001>

<sc_bundles>
// kernel: kernel.11.cloned.1.call-start
scs
__scs_entry_jumppad:
0x0: {  	(pc) =	sbr.rel $0x88, $3  }
0x1: {  	(tag) =	ssettag $0x0;
	lr =	simm.s32 $0x1  }
0x2: {  	[smem:$0x3F93] =	sst lr;
	_ =	strace $0xD0000000  }
0x3: {  	_ = 	snop  }
0x4: {  	_ = 	snop  }
0x5: {  	_ = 	snop  }
0x6: {  	_ = 	snop  }
0x7: {  	_ = 	snop  }
__scs_overlays_trampoline_lowered:
0x8: {  	[smem:$0x3FA2] =	sst s0  }
0x9: {  	[smem:$0x3FA3] =	sst s1  }
0xa: {  	[smem:$0x3FA4] =	sst s2  }
0xb: {  	[smem:$0x3FA5] =	sst s3  }
0xc: {  	[smem:$0x3FA6] =	sst s4  }
0xd: {  	[smem:$0x3FA7] =	sst s5  }
0xe: {  	[smem:$0x3FA8] =	sst s6  }
0xf: {  	[smem:$0x3FA9] =	sst s7  }
0x10: {  	[smem:$0x3FAA] =	sst s8  }
0x11: {  	[smem:$0x3FAB] =	sst s9;
	s0 =	simm.s32 @!p0 $0x0  }
0x12: {  	s1 =	sld [smem:$0x3F91];
	s0 =	simm.s32 @p0 $0x1  }
0x13: {  	[smem:$0x3FAC] =	sst s0;
	s0 =	simm.s32 @!p1 $0x0  }
0x14: {  	s2 =	sld [smem:$0x3F90];
	s0 =	simm.s32 @p1 $0x1  }
0x15: {  	[smem:$0x3FAD] =	sst s0;
	s0 =	simm.s32 @!p2 $0x0  }
0x16: {  	s3 =	sld [smem:$0x3FDB];
	s0 =	simm.s32 @p2 $0x1  }
0x17: {  	s4 =	simm.s32 $0x1BF5;
	[smem:$0x3FAF] =	sst s0  }
0x18: {  	s0 =	sld [smem:$0x3F92];
	_ =	swait.ge [sflag:s4], $0x0  }
0x19: {  	s7 =	sld [smem:$0x3F93]  }
0x1a: {  	s8 =	sadd.s32 $0xFFFFE003, lr  }
0x1b: {  	s9 =	sadd.s32 $0xFFFFFEF7, lr;
	s5 =	simm.s32 $0xFFFFFFFF;
	p2 =	slt.u32 s8, $0xFFFFF086  }
0x1c: {  	p1 =	slt.u32 s9, $0xF7A;
	s5 =	simm.s32 @!p2 $0x0  }
0x1d: {  	s5 =	simm.s32 @p1 $0x1;
	p0 =	seq.s32 s7, s2  }
0x1e: {  	s7 =	smul.u32 @!p0 $0xF7A, s2;
	p2 =	seq.s32 @!p0 s5, $0x0  }
0x1f: {  	s9 =	smul.u32 $0xF7A, s1;
	s8 =	simm.s32 @!p0 $0x1BF5;
	p2 =	por !p2, p0  }
0x20: {  	[sflag:s8] =	ssyncset.s32 @!p0 $0xFFFFF086;
	s6 =	sadd.s32 @!p0 s3, s7;
	s7 =	simm.s32 @!p0 $0x108  }
0x21: {  	s3 =	sadd.s32 s3, s9;
	s6 =	sadd.s32 @!p0 $0x88, s6;
	s7 =	simm.s32 @p2 $0x1082  }
0x22: {  	[simem:s7], [sflag:s8] =	dma.local @!p0 [hbm:s6], $0xF7A  }
0x23: {  	s9 =	sor.u32 $0xD0000000, s2;
	s6 =	simm.s32 $0x108;
	_ =	swait.ge @!p0 [sflag:s8], $0x0  }
0x24: {  	s3 =	sadd.s32 $0x88, s3;
	s6 =	simm.s32 @!p1 $0x1082;
	[sflag:s4] =	ssyncset.s32 $0xFFFFF086  }
0x25: {  	[simem:s6], [sflag:s4] =	dma.local [hbm:s3], $0xF7A  }
0x26: {  	[smem:$0x3F93] =	sst s1;
	(tag) =	ssettag s2;
	_ =	strace s9  }
0x27: {  	s1 =	sld [smem:$0x3FA3]  }
0x28: {  	s2 =	sld [smem:$0x3FA4]  }
0x29: {  	s4 =	sld [smem:$0x3FA6]  }
0x2a: {  	p0 =	seq.s32 s5, $0x0;
	s5 =	sld [smem:$0x3FA7]  }
0x2b: {  	s6 =	sld [smem:$0x3FA8]  }
0x2c: {  	s7 =	sld [smem:$0x3FA9]  }
0x2d: {  	s3 =	simm.s32 $0x108;
	s8 =	sld [smem:$0x3FAA]  }
0x2e: {  	s3 =	simm.s32 @!p0 $0x1082;
	s9 =	sld [smem:$0x3FAB]  }
0x2f: {  	lr =	sadd.s32 s0, s3;
	s0 =	sld [smem:$0x3FA2]  }
0x30: {  	s3 =	sld [smem:$0x3FA5]  }
0x31: {  	[smem:$0x3FAE] =	sst s10  }
0x32: {  	s10 =	sld [smem:$0x3FAC];
	_ =	sdelay $0x3  }
0x33: {  	p0 =	seq.s32 s10, $0x1;
	s10 =	sld [smem:$0x3FAE];
	_ =	sdelay $0x3  }
0x34: {  	[smem:$0x3FAE] =	sst s10  }
0x35: {  	s10 =	sld [smem:$0x3FAD];
	_ =	sdelay $0x3  }
0x36: {  	p1 =	seq.s32 s10, $0x1;
	s10 =	sld [smem:$0x3FAE];
	_ =	sdelay $0x3  }
0x37: {  	[smem:$0x3FAE] =	sst s10  }
0x38: {  	s10 =	sld [smem:$0x3FAF]  }
0x39: {  	_ = 	snop;
	(pc) =	sbr.ind lr, $3  }
0x3a: {  	_ = 	snop  }
0x3b: {  	_ = 	snop  }
0x3c: {  	p2 =	seq.s32 s10, $0x1;
	s10 =	sld [smem:$0x3FAE]  }
0x3d: {  	_ =	shalt  }
0x3e: {  	_ =	shalt  }
0x3f: {  	_ =	shalt  }
0x40: {  	_ =	shalt  }
0x41: {  	_ =	shalt  }
0x42: {  	_ =	shalt  }
0x43: {  	_ =	shalt  }
0x44: {  	_ =	shalt  }
0x45: {  	_ =	shalt  }
0x46: {  	_ =	shalt  }
0x47: {  	_ =	shalt  }
0x48: {  	_ =	shalt  }
0x49: {  	_ =	shalt  }
0x4a: {  	_ =	shalt  }
0x4b: {  	_ =	shalt  }
0x4c: {  	_ =	shalt  }
0x4d: {  	_ =	shalt  }
0x4e: {  	_ =	shalt  }
0x4f: {  	_ =	shalt  }
0x50: {  	_ =	shalt  }
0x51: {  	_ =	shalt  }
0x52: {  	_ =	shalt  }
0x53: {  	_ =	shalt  }
0x54: {  	_ =	shalt  }
0x55: {  	_ =	shalt  }
0x56: {  	_ =	shalt  }
0x57: {  	_ =	shalt  }
0x58: {  	_ =	shalt  }
0x59: {  	_ =	shalt  }
0x5a: {  	_ =	shalt  }
0x5b: {  	_ =	shalt  }
0x5c: {  	_ =	shalt  }
0x5d: {  	_ =	shalt  }
0x5e: {  	_ =	shalt  }
0x5f: {  	_ =	shalt  }
0x60: {  	_ =	shalt  }
0x61: {  	_ =	shalt  }
0x62: {  	_ =	shalt  }
0x63: {  	_ =	shalt  }
0x64: {  	_ =	shalt  }
0x65: {  	_ =	shalt  }
0x66: {  	_ =	shalt  }
0x67: {  	_ =	shalt  }
0x68: {  	_ =	shalt  }
0x69: {  	_ =	shalt  }
0x6a: {  	_ =	shalt  }
0x6b: {  	_ =	shalt  }
0x6c: {  	_ =	shalt  }
0x6d: {  	_ =	shalt  }
0x6e: {  	_ =	shalt  }
0x6f: {  	_ =	shalt  }
0x70: {  	_ =	shalt  }
0x71: {  	_ =	shalt  }
0x72: {  	_ =	shalt  }
0x73: {  	_ =	shalt  }
0x74: {  	_ =	shalt  }
0x75: {  	_ =	shalt  }
0x76: {  	_ =	shalt  }
0x77: {  	_ =	shalt  }
0x78: {  	_ =	shalt  }
0x79: {  	_ =	shalt  }
0x7a: {  	_ =	shalt  }
0x7b: {  	_ =	shalt  }
0x7c: {  	_ =	shalt  }
0x7d: {  	_ =	shalt  }
0x7e: {  	_ =	shalt  }
0x7f: {  	_ =	shalt  }
0x80: {  	_ =	shalt  }
0x81: {  	_ =	shalt  }
0x82: {  	_ =	shalt  }
0x83: {  	_ =	shalt  }
0x84: {  	_ =	shalt  }
0x85: {  	_ =	shalt  }
0x86: {  	_ =	shalt  }
0x87: {  	_ =	shalt  }
.Lfunc_end0:
.L_simem_size_0:
called_computation.1_lowered:
.L_overlay_start_0:
0x88: {  	s2 =	sld [smem:$0x3FD9]  }
0x89: {  	s3 =	sld [smem:$0x3FFE];
	_ =	sdelay $0x1  }
0x8a: {  	s1 =	srdreg.scid  }
0x8b: {  	s0 =	sand.u32 $0x1, s1  }
0x8c: {  	s17 =	sshll.u32 s0, $0xA;
	s2 =	sadd.s32 s3, s2  }
0x8d: {  	s2 =	sadd.s32 s2, s17  }
0x8e: {  	[smem:$0x3FBA] =	sst s2  }
0x8f: {  	_ = 	snop  }
0x90: {  	s2 =	sld [smem:$0x3FD0];
	(tm) =	ssettm $0x1  }
0x91: {  	s18 =	sld [smem:$0x3FFB];
	_ =	sdelay $0x3  }
0x92: {  	_ =	strace s18  }
0x93: {  	s3 =	sld [smem:$0x3FFC];
	_ =	sdelay $0x3  }
0x94: {  	_ =	strace s3  }
0x95: {  	s3 =	sld [smem:$0x3FFD];
	_ =	sdelay $0x3  }
0x96: {  	_ =	strace s3  }
0x97: {  	_ =	strace $0x8FFFFFFF  }
0x98: {  	s19 =	sld [smem:$0x3FDB];
	_ =	sdelay $0x1  }
0x99: {  	s4 =	simm.s32 $_scs_section_size  }
0x9a: {  	s5 =	simm.s32 $_size__tile_overlayer_lowered;
	s6 =	simm.s32 $_tile_overlayer_lowered  }
0x9b: {  	s22 =	simm.s32 $0x1BFF;
	s21 =	sshll.u32 s6, $0x1;
	s3 =	sadd.s32 s4, s19  }
0x9c: {  	s7 =	simm.s32 $0x0;
	s20 =	sshll.u32 s5, $0x1;
	s5 =	sadd.s32 s21, s3  }
0x9d: {  	[timem:s7], [sflag:s22] =	dma.local [hbm:s5], s20  }
0x9e: {  	_ =	swait.ge [sflag:s22], s20  }
0x9f: {  	s4 =	ssub.s32 $0x0, s20;
	[sflag:s22] =	ssyncset.done $0x0  }
0xa0: {  	[sflag:s22] =	ssyncadd.s32 s4;
	_ =	sdelay $0x1  }
0xa1: {  	s23 =	simm.s32 $0x1B8B  }
0xa2: {  	_ =	swait.ge [sflag:s23], $0x1  }
0xa3: {  	[sflag:s23] =	ssyncset.done $0x0  }
0xa4: {  	s25 =	simm.s32 $0x1B8E;
	s24 =	sld [smem:$0x3FFE];
	[sflag:s23] =	ssyncadd.s32 $0xFFFFFFFF  }
0xa5: {  	s26 =	simm.s32 $execute0_lowered;
	[smem:$0x3FD2] =	sst s25  }
0xa6: {  	s5 =	sshll.u32 s26, $0x1;
	_ =	strace $0x80000049;
	[dreg:$0x1] =	wrdreg $0xFFFFFFFF  }
0xa7: {  	s28 =	simm.s32 $_size_execute0_lowered;
	s3 =	sadd.s32 s3, s5;
	[dreg:$0x0] =	wrdreg $0x0  }
0xa8: {  	s5 =	sshll.u32 s28, $0x1;
	[dreg:$0x2] =	wrdreg s3  }
0xa9: {  	[dreg:$0x3] =	wrdreg s5  }
0xaa: {  	[dreg:$0x4] =	wrdreg $0xC0  }
0xab: {  	_ =	task [dreg:s7], $0x5FFFF  }
0xac: {  	[dreg:$0x1] =	wrdreg $0xFFFFFFFF  }
0xad: {  	[dreg:$0x0] =	wrdreg $0x60  }
0xae: {  	[dreg:$0x2] =	wrdreg s24  }
0xaf: {  	[dreg:$0x3] =	wrdreg s2  }
0xb0: {  	[dreg:$0x4] =	wrdreg $0x0  }
0xb1: {  	[dreg:$0x5] =	wrdreg $0x9  }
0xb2: {  	_ =	task.clear_ibuf [dreg:s7], $0x6FFFF;
	_ =	strace $0x90000049  }
0xb3: {  	s29 =	simm.s32 $0x9;
	_ =	strace $0x8000004B  }
0xb4: {  	_ =	swait.ge [sflag:s29], $0x1  }
0xb5: {  	[sflag:s29] =	ssyncadd.s32 $0xFFFFFFFF  }
0xb6: {  	_ =	strace $0x9000004B  }
0xb7: {  	_ =	sfence  }
0xb8: {  	s30 =	sld [smem:$0x0];
	_ =	sdelay $0x2  }
0xb9: {  	s31 =	sshll.u32 s1, $0xD;
	s1 =	sshrl.u32 s1, $0x2  }
0xba: {  	s3 =	sand.u32 $0x4000, s31;
	s1 =	sadd.s32 s1, s30  }
0xbb: {  	s0 =	sor.u32 s3, s0;
	s1 =	sshll.u32 s1, $0x11  }
0xbc: {  	s0 =	sor.u32 s1, s0  }
0xbd: {  	s0 =	sadd.s32 $0x8F2B, s0  }
0xbe: {  	[sflag:s0] =	ssyncadd.remote.s32 $0x1  }
0xbf: {  	_ =	sfence.sel $0xFFFF  }
0xc0: {  	[dreg:$0x0] =	wrdreg $0xFFFFFFFF;
	(pc) =	sbr.abs _section_cstart, $3  }
0xc1: {  	[dreg:$0x1] =	wrdreg $0xFFFFFFFF  }
0xc2: {  	_ =	task.clear_ibuf [dreg:s7], $0x2FFFF;
	_ =	strace $0x9FFFFFFF  }
0xc3: {  	(tm) =	ssettm $0x7FFFFFFF  }
tec
execute0_lowered:
.L_overlay_start_1:
0x0: {  	(tag) =	ssettag $0x1  }
0x1: {  	s0 =	srdreg.scid;
	s1 =	rddreg [dreg:$0x0]  }
0x2: {  	s9 =	stileid.u32;
	s2 =	rddreg [dreg:$0x1]  }
0x3: {  	s3 =	rddreg [dreg:$0x2];
	s4 =	simm.s32 $0x0;
	s24 =	simm.s32 $0x1C080  }
0x4: {  	s25 =	simm.s32 $0x1C100;
	s10 =	simm.s32 $0x1C880;
	s11 =	simm.s32 $0x1C180  }
0x5: {  	s12 =	simm.s32 $0x1C900;
	[smem:$0x7FF] =	sst s4;
	s16 =	sadd.s32 $0xE600, s1  }
0x6: {  	s13 =	simm.s32 $0x1C200;
	_ =	strace $0x8000004A;
	[dreg:$0x16] =	wrdreg s16  }
0x7: {  	s28 =	simm.s32 $0x1C580;
	s29 =	simm.s32 $0x1CD00;
	[dreg:$0x6] =	wrdreg s24  }
0x8: {  	s30 =	simm.s32 $0x1C600;
	s6 =	smul.u32 $0x2800, s9;
	[dreg:$0x7] =	wrdreg s25  }
0x9: {  	s31 =	simm.s32 $0x1CD80;
	s8 =	smul.u32 $0x14000, s9;
	[dreg:$0x8] =	wrdreg s10  }
0xa: {  	s0 =	sand.u32 $0x1, s0;
	s15 =	smul.u32 $0x50000, s9;
	[dreg:$0x9] =	wrdreg s11  }
0xb: {  	s18 =	sshll.u32 s9, $0x6;
	s5 =	smul.u32 $0x28000, s0;
	[dreg:$0xa] =	wrdreg s12  }
0xc: {  	s7 =	smul.u32 $0x140000, s0;
	[dreg:$0xb] =	wrdreg s13;
	s24 =	simm.s32 $0x1C400  }
0xd: {  	s0 =	ssub.s32 $0x2, s0;
	s25 =	simm.s32 $0x1CB80;
	[dreg:$0x13] =	wrdreg s24  }
0xe: {  	s9 =	sor.u32 $0x1C05, s18;
	s10 =	simm.s32 $0x5;
	[dreg:$0x14] =	wrdreg s25  }
0xf: {  	s11 =	simm.s32 $0x1C780;
	s17 =	sshrl.u32 s0, $0x1;
	[dreg:$0x17] =	wrdreg s9  }
0x10: {  	s5 =	sadd.s32 s6, s5;
	s14 =	sadd.s32 s8, s7;
	s7 =	sshrl.u32 s15, $0x2  }
0x11: {  	s0 =	ssub.s32 s0, s17;
	s15 =	simm.s32 $0x1C980;
	s17 =	simm.s32 $0x1C280  }
0x12: {  	s5 =	sshrl.u32 s5, $0x3;
	s6 =	sshrl.u32 s14, $0x3;
	[dreg:$0xc] =	wrdreg s15  }
0x13: {  	s19 =	sadd.s32 s7, s3;
	s0 =	smax.u32 s0, $0x1;
	[dreg:$0xd] =	wrdreg s17  }
0x14: {  	s5 =	sadd.s32 s5, s1;
	s1 =	sadd.s32 s6, s1;
	[dreg:$0x19] =	wrdreg s0  }
0x15: {  	s21 =	sadd.s32 $0x4000, s19;
	s23 =	sadd.s32 $0x8000, s19;
	s7 =	sadd.s32 $0xC000, s19  }
0x16: {  	s26 =	sadd.s32 $0x10000, s19;
	s6 =	sshrl.u32 s19, $0x3;
	s19 =	simm.s32 $0x1CA00  }
0x17: {  	s12 =	simm.s32 $0x1CF00;
	s13 =	simm.s32 $0x1CF80;
	[dreg:$0xe] =	wrdreg s19  }
0x18: {  	s24 =	simm.s32 $0x1CC00;
	s1 =	sadd.s32 $0x68E00, s1;
	[dreg:$0x1a] =	wrdreg s6  }
0x19: {  	s25 =	simm.s32 $0x1C500;
	s20 =	sadd.s32 $0x4600, s5;
	[dreg:$0x18] =	wrdreg s1  }
0x1a: {  	s8 =	simm.s32 $0x1CE80;
	s22 =	sadd.s32 $0x5EE00, s5;
	[dreg:$0x4] =	wrdreg s20  }
0x1b: {  	s15 =	simm.s32 $0x1C000;
	s14 =	sshrl.u32 s23, $0x3;
	[dreg:$0x5] =	wrdreg s22  }
0x1c: {  	s17 =	simm.s32 $0x80;
	s16 =	sshrl.u32 s7, $0x3;
	[dreg:$0x1c] =	wrdreg s14  }
0x1d: {  	s0 =	simm.s32 $0x1CE00;
	s18 =	sshrl.u32 s26, $0x3;
	[dreg:$0x1d] =	wrdreg s16  }
0x1e: {  	s23 =	simm.s32 $0x1CB00;
	s19 =	simm.s32 $0x18000;
	[dreg:$0x1e] =	wrdreg s18  }
0x1f: {  	s26 =	simm.s32 $0x1C480;
	s7 =	simm.s32 $0x1C700;
	[dreg:$0x12] =	wrdreg s23  }
0x20: {  	s1 =	sshrl.u32 s21, $0x3;
	s20 =	simm.s32 $0x1C300;
	[dreg:$0x15] =	wrdreg s26  }
0x21: {  	s16 =	simm.s32 $0x1C800;
	s21 =	simm.s32 $0x1CA80;
	[dreg:$0x1b] =	wrdreg s1  }
0x22: {  	s22 =	simm.s32 $0x1C380;
	s18 =	simm.s32 $0x14000;
	[dreg:$0xf] =	wrdreg s20  }
0x23: {  	s23 =	simm.s32 $0x4;
	s26 =	simm.s32 $0x1CC80;
	[dreg:$0x10] =	wrdreg s21  }
0x24: {  	s14 =	simm.s32 $0x0;
	[dreg:$0x11] =	wrdreg s22;
	s20 =	simm.s32 $0x1  }
0x25: {  	s21 =	simm.s32 $0x3;
	s22 =	simm.s32 $0x2;
	s1 =	simm.s32 $0x1C680  }
.LBB2_1:
0x26: {  	[dreg:$0x1f] =	wrdreg s14  }
0x27: {  	s5 =	rddreg [dreg:$0x16]  }
0x28: {  	[spmem:s6], [sflag:s9] =	dma.local [hbm:s5], $0x800  }
0x29: {  	_ =	swait.ge [sflag:s10], $0x800  }
0x2a: {  	[sflag:s10] =	ssyncset.done $0x0  }
0x2b: {  	s14 =	rddreg [dreg:$0x1b];
	[sflag:s10] =	ssyncadd.s32 $0xFFFFF800  }
0x2c: {  	[spmem:s14], [sflag:s9] =	dma.local [hbm:s5], $0x800  }
0x2d: {  	_ =	swait.ge [sflag:s10], $0x800  }
0x2e: {  	[sflag:s10] =	ssyncset.done $0x0  }
0x2f: {  	s14 =	rddreg [dreg:$0x1c];
	[sflag:s10] =	ssyncadd.s32 $0xFFFFF800  }
0x30: {  	[spmem:s14], [sflag:s9] =	dma.local [hbm:s5], $0x800  }
0x31: {  	_ =	swait.ge [sflag:s10], $0x800  }
0x32: {  	[sflag:s10] =	ssyncset.done $0x0  }
0x33: {  	s14 =	rddreg [dreg:$0x1d];
	[sflag:s10] =	ssyncadd.s32 $0xFFFFF800  }
0x34: {  	[spmem:s14], [sflag:s9] =	dma.local [hbm:s5], $0x800  }
0x35: {  	_ =	swait.ge [sflag:s10], $0x800  }
0x36: {  	[sflag:s10] =	ssyncset.done $0x0  }
0x37: {  	s14 =	rddreg [dreg:$0x1e];
	[sflag:s10] =	ssyncadd.s32 $0xFFFFF800  }
0x38: {  	[spmem:s14], [sflag:s9] =	dma.local [hbm:s5], $0x800  }
0x39: {  	_ =	swait.ge [sflag:s10], $0x800  }
0x3a: {  	[sflag:s10] =	ssyncset.done $0x0  }
0x3b: {  	[sflag:s10] =	ssyncadd.s32 $0xFFFFF800  }
0x3c: {  	[bflag:$0x0] =	sbarrier.arrive $0xFFFF  }
0x3d: {  	s6 =	rddreg [dreg:$0x5]  }
0x3e: {  	s5 =	sadd.s32 $0x0, s6  }
0x3f: {  	[tilespmem:s15], [sflag:$0x5] =	stream.linear.gather [hbm4b:s5+s4], $0x800, $0x38;
	[tilespmem:$0x1D000] =	vst v63  }
0x40: {  	_ =	swait.ge [sflag:s10], $0x800  }
0x41: {  	s9 =	rddreg [dreg:$0x4];
	[sflag:s10] =	ssyncset.done $0x0  }
0x42: {  	[sflag:s10] =	ssyncadd.s32 $0xFFFFF800;
	s5 =	sadd.s32 $0x0, s9  }
0x43: {  	[tilespmem:s16], [sflag:$0x5] =	stream.linear.gather [hbm4b:s5+s4], $0x800, $0x38;
	[tilespmem:$0x1D000] =	vst v63  }
0x44: {  	_ =	swait.ge [sflag:s10], $0x800  }
0x45: {  	[sflag:s10] =	ssyncset.done $0x0  }
0x46: {  	[sflag:s10] =	ssyncadd.s32 $0xFFFFF800  }
0x47: {  	[tilespmem:s18], [sflag:$0x1] =	stream.indirect.gather [hbm4b:s2+s17], $0x80, s15, s17, $0xb8;
	[tilespmem:$0x1D000] =	vst v63  }
0x48: {  	s14 =	rddreg [dreg:$0x6]  }
0x49: {  	[tilespmem:s19], [sflag:$0x2] =	stream.indirect.gather [hbm4b:s2+s17], $0x80, s14, s17, $0xb8;
	[tilespmem:$0x1D000] =	vst v63  }
0x4a: {  	_ =	swait.ge [sflag:s20], $0x4000  }
0x4b: {  	[sflag:s20] =	ssyncset.done $0x0  }
0x4c: {  	[sflag:s20] =	ssyncadd.s32 $0xFFFFC000  }
0x4d: {  	[spmem:s3] =	stream.indirect.scatter.add.f32 [tilespmem:s18], [sflag:$0x3], $0x80, s16, s17, $0xb8;
	[tilespmem:$0x1D000] =	vst v63  }
0x4e: {  	_ =	swait.ge [sflag:s21], $0x4000  }
0x4f: {  	[sflag:s21] =	ssyncset.done $0x0  }
0x50: {  	s6 =	rddreg [dreg:$0x7];
	[sflag:s21] =	ssyncadd.s32 $0xFFFFC000  }
0x51: {  	[tilespmem:s18], [sflag:$0x1] =	stream.indirect.gather [hbm4b:s2+s17], $0x80, s6, s17, $0xb8;
	[tilespmem:$0x1D000] =	vst v63  }
0x52: {  	_ =	swait.ge [sflag:s22], $0x4000  }
0x53: {  	[sflag:s22] =	ssyncset.done $0x0  }
0x54: {  	s9 =	rddreg [dreg:$0x8];
	[sflag:s22] =	ssyncadd.s32 $0xFFFFC000  }
0x55: {  	[spmem:s3] =	stream.indirect.scatter.add.f32 [tilespmem:s19], [sflag:$0x4], $0x80, s9, s17, $0xb8;
	[tilespmem:$0x1D000] =	vst v63  }
0x56: {  	_ =	swait.ge [sflag:s23], $0x4000  }
0x57: {  	[sflag:s23] =	ssyncset.done $0x0  }
0x58: {  	s14 =	rddreg [dreg:$0x9];
	[sflag:s23] =	ssyncadd.s32 $0xFFFFC000  }
0x59: {  	[tilespmem:s19], [sflag:$0x2] =	stream.indirect.gather [hbm4b:s2+s17], $0x80, s14, s17, $0xb8;
	[tilespmem:$0x1D000] =	vst v63  }
0x5a: {  	_ =	swait.ge [sflag:s20], $0x4000  }
0x5b: {  	[sflag:s20] =	ssyncset.done $0x0  }
0x5c: {  	s6 =	rddreg [dreg:$0xa];
	[sflag:s20] =	ssyncadd.s32 $0xFFFFC000  }
0x5d: {  	[spmem:s3] =	stream.indirect.scatter.add.f32 [tilespmem:s18], [sflag:$0x3], $0x80, s6, s17, $0xb8;
	[tilespmem:$0x1D000] =	vst v63  }
0x5e: {  	_ =	swait.ge [sflag:s21], $0x4000  }
0x5f: {  	[sflag:s21] =	ssyncset.done $0x0  }
0x60: {  	s9 =	rddreg [dreg:$0xb];
	[sflag:s21] =	ssyncadd.s32 $0xFFFFC000  }
0x61: {  	[tilespmem:s18], [sflag:$0x1] =	stream.indirect.gather [hbm4b:s2+s17], $0x80, s9, s17, $0xb8;
	[tilespmem:$0x1D000] =	vst v63  }
0x62: {  	_ =	swait.ge [sflag:s22], $0x4000  }
0x63: {  	[sflag:s22] =	ssyncset.done $0x0  }
0x64: {  	s14 =	rddreg [dreg:$0xc];
	[sflag:s22] =	ssyncadd.s32 $0xFFFFC000  }
0x65: {  	[spmem:s3] =	stream.indirect.scatter.add.f32 [tilespmem:s19], [sflag:$0x4], $0x80, s14, s17, $0xb8;
	[tilespmem:$0x1D000] =	vst v63  }
0x66: {  	_ =	swait.ge [sflag:s23], $0x4000  }
0x67: {  	[sflag:s23] =	ssyncset.done $0x0  }
0x68: {  	s6 =	rddreg [dreg:$0xd];
	[sflag:s23] =	ssyncadd.s32 $0xFFFFC000  }
0x69: {  	[tilespmem:s19], [sflag:$0x2] =	stream.indirect.gather [hbm4b:s2+s17], $0x80, s6, s17, $0xb8;
	[tilespmem:$0x1D000] =	vst v63  }
0x6a: {  	_ =	swait.ge [sflag:s20], $0x4000  }
0x6b: {  	[sflag:s20] =	ssyncset.done $0x0  }
0x6c: {  	s9 =	rddreg [dreg:$0xe];
	[sflag:s20] =	ssyncadd.s32 $0xFFFFC000  }
0x6d: {  	[spmem:s3] =	stream.indirect.scatter.add.f32 [tilespmem:s18], [sflag:$0x3], $0x80, s9, s17, $0xb8;
	[tilespmem:$0x1D000] =	vst v63  }
0x6e: {  	_ =	swait.ge [sflag:s21], $0x4000  }
0x6f: {  	[sflag:s21] =	ssyncset.done $0x0  }
0x70: {  	s14 =	rddreg [dreg:$0xf];
	[sflag:s21] =	ssyncadd.s32 $0xFFFFC000  }
0x71: {  	[tilespmem:s18], [sflag:$0x1] =	stream.indirect.gather [hbm4b:s2+s17], $0x80, s14, s17, $0xb8;
	[tilespmem:$0x1D000] =	vst v63  }
0x72: {  	_ =	swait.ge [sflag:s22], $0x4000  }
0x73: {  	[sflag:s22] =	ssyncset.done $0x0  }
0x74: {  	s6 =	rddreg [dreg:$0x10];
	[sflag:s22] =	ssyncadd.s32 $0xFFFFC000  }
0x75: {  	[spmem:s3] =	stream.indirect.scatter.add.f32 [tilespmem:s19], [sflag:$0x4], $0x80, s6, s17, $0xb8;
	[tilespmem:$0x1D000] =	vst v63  }
0x76: {  	_ =	swait.ge [sflag:s23], $0x4000  }
0x77: {  	[sflag:s23] =	ssyncset.done $0x0  }
0x78: {  	s9 =	rddreg [dreg:$0x11];
	[sflag:s23] =	ssyncadd.s32 $0xFFFFC000  }
0x79: {  	[tilespmem:s19], [sflag:$0x2] =	stream.indirect.gather [hbm4b:s2+s17], $0x80, s9, s17, $0xb8;
	[tilespmem:$0x1D000] =	vst v63  }
0x7a: {  	_ =	swait.ge [sflag:s20], $0x4000  }
0x7b: {  	[sflag:s20] =	ssyncset.done $0x0  }
0x7c: {  	s14 =	rddreg [dreg:$0x12];
	[sflag:s20] =	ssyncadd.s32 $0xFFFFC000  }
0x7d: {  	[spmem:s3] =	stream.indirect.scatter.add.f32 [tilespmem:s18], [sflag:$0x3], $0x80, s14, s17, $0xb8;
	[tilespmem:$0x1D000] =	vst v63  }
0x7e: {  	_ =	swait.ge [sflag:s21], $0x4000  }
0x7f: {  	[sflag:s21] =	ssyncset.done $0x0  }
0x80: {  	s6 =	rddreg [dreg:$0x13];
	[sflag:s21] =	ssyncadd.s32 $0xFFFFC000  }
0x81: {  	[tilespmem:s18], [sflag:$0x1] =	stream.indirect.gather [hbm4b:s2+s17], $0x80, s6, s17, $0xb8;
	[tilespmem:$0x1D000] =	vst v63  }
0x82: {  	_ =	swait.ge [sflag:s22], $0x4000  }
0x83: {  	[sflag:s22] =	ssyncset.done $0x0  }
0x84: {  	s9 =	rddreg [dreg:$0x14];
	[sflag:s22] =	ssyncadd.s32 $0xFFFFC000  }
0x85: {  	[spmem:s3] =	stream.indirect.scatter.add.f32 [tilespmem:s19], [sflag:$0x4], $0x80, s9, s17, $0xb8;
	[tilespmem:$0x1D000] =	vst v63  }
0x86: {  	_ =	swait.ge [sflag:s23], $0x4000  }
0x87: {  	[sflag:s23] =	ssyncset.done $0x0  }
0x88: {  	s14 =	rddreg [dreg:$0x15];
	[sflag:s23] =	ssyncadd.s32 $0xFFFFC000  }
0x89: {  	[tilespmem:s19], [sflag:$0x2] =	stream.indirect.gather [hbm4b:s2+s17], $0x80, s14, s17, $0xb8;
	[tilespmem:$0x1D000] =	vst v63  }
0x8a: {  	_ =	swait.ge [sflag:s20], $0x4000  }
0x8b: {  	[sflag:s20] =	ssyncset.done $0x0  }
0x8c: {  	[sflag:s20] =	ssyncadd.s32 $0xFFFFC000  }
0x8d: {  	[spmem:s3] =	stream.indirect.scatter.add.f32 [tilespmem:s18], [sflag:$0x3], $0x80, s24, s17, $0xb8;
	[tilespmem:$0x1D000] =	vst v63  }
0x8e: {  	_ =	swait.ge [sflag:s21], $0x4000  }
0x8f: {  	[sflag:s21] =	ssyncset.done $0x0  }
0x90: {  	[sflag:s21] =	ssyncadd.s32 $0xFFFFC000  }
0x91: {  	[tilespmem:s18], [sflag:$0x1] =	stream.indirect.gather [hbm4b:s2+s17], $0x80, s25, s17, $0xb8;
	[tilespmem:$0x1D000] =	vst v63  }
0x92: {  	_ =	swait.ge [sflag:s22], $0x4000  }
0x93: {  	[sflag:s22] =	ssyncset.done $0x0  }
0x94: {  	[sflag:s22] =	ssyncadd.s32 $0xFFFFC000  }
0x95: {  	[spmem:s3] =	stream.indirect.scatter.add.f32 [tilespmem:s19], [sflag:$0x4], $0x80, s26, s17, $0xb8;
	[tilespmem:$0x1D000] =	vst v63  }
0x96: {  	_ =	swait.ge [sflag:s23], $0x4000  }
0x97: {  	[sflag:s23] =	ssyncset.done $0x0  }
0x98: {  	[sflag:s23] =	ssyncadd.s32 $0xFFFFC000  }
0x99: {  	[tilespmem:s19], [sflag:$0x2] =	stream.indirect.gather [hbm4b:s2+s17], $0x80, s28, s17, $0xb8;
	[tilespmem:$0x1D000] =	vst v63  }
0x9a: {  	_ =	swait.ge [sflag:s20], $0x4000  }
0x9b: {  	[sflag:s20] =	ssyncset.done $0x0  }
0x9c: {  	[sflag:s20] =	ssyncadd.s32 $0xFFFFC000  }
0x9d: {  	[spmem:s3] =	stream.indirect.scatter.add.f32 [tilespmem:s18], [sflag:$0x3], $0x80, s29, s17, $0xb8;
	[tilespmem:$0x1D000] =	vst v63  }
0x9e: {  	_ =	swait.ge [sflag:s21], $0x4000  }
0x9f: {  	[sflag:s21] =	ssyncset.done $0x0  }
0xa0: {  	[sflag:s21] =	ssyncadd.s32 $0xFFFFC000  }
0xa1: {  	[tilespmem:s18], [sflag:$0x1] =	stream.indirect.gather [hbm4b:s2+s17], $0x80, s30, s17, $0xb8;
	[tilespmem:$0x1D000] =	vst v63  }
0xa2: {  	_ =	swait.ge [sflag:s22], $0x4000  }
0xa3: {  	[sflag:s22] =	ssyncset.done $0x0  }
0xa4: {  	[sflag:s22] =	ssyncadd.s32 $0xFFFFC000  }
0xa5: {  	[spmem:s3] =	stream.indirect.scatter.add.f32 [tilespmem:s19], [sflag:$0x4], $0x80, s31, s17, $0xb8;
	[tilespmem:$0x1D000] =	vst v63  }
0xa6: {  	_ =	swait.ge [sflag:s23], $0x4000  }
0xa7: {  	[sflag:s23] =	ssyncset.done $0x0  }
0xa8: {  	[sflag:s23] =	ssyncadd.s32 $0xFFFFC000  }
0xa9: {  	[tilespmem:s19], [sflag:$0x2] =	stream.indirect.gather [hbm4b:s2+s17], $0x80, s1, s17, $0xb8;
	[tilespmem:$0x1D000] =	vst v63  }
0xaa: {  	_ =	swait.ge [sflag:s20], $0x4000  }
0xab: {  	[sflag:s20] =	ssyncset.done $0x0  }
0xac: {  	[sflag:s20] =	ssyncadd.s32 $0xFFFFC000  }
0xad: {  	[spmem:s3] =	stream.indirect.scatter.add.f32 [tilespmem:s18], [sflag:$0x3], $0x80, s0, s17, $0xb8;
	[tilespmem:$0x1D000] =	vst v63  }
0xae: {  	_ =	swait.ge [sflag:s21], $0x4000  }
0xaf: {  	[sflag:s21] =	ssyncset.done $0x0  }
0xb0: {  	[sflag:s21] =	ssyncadd.s32 $0xFFFFC000  }
0xb1: {  	[tilespmem:s18], [sflag:$0x1] =	stream.indirect.gather [hbm4b:s2+s17], $0x80, s7, s17, $0xb8;
	[tilespmem:$0x1D000] =	vst v63  }
0xb2: {  	_ =	swait.ge [sflag:s22], $0x4000  }
0xb3: {  	[sflag:s22] =	ssyncset.done $0x0  }
0xb4: {  	[sflag:s22] =	ssyncadd.s32 $0xFFFFC000  }
0xb5: {  	[spmem:s3] =	stream.indirect.scatter.add.f32 [tilespmem:s19], [sflag:$0x4], $0x80, s8, s17, $0xb8;
	[tilespmem:$0x1D000] =	vst v63  }
0xb6: {  	_ =	swait.ge [sflag:s23], $0x4000  }
0xb7: {  	[sflag:s23] =	ssyncset.done $0x0  }
0xb8: {  	[sflag:s23] =	ssyncadd.s32 $0xFFFFC000  }
0xb9: {  	[tilespmem:s19], [sflag:$0x2] =	stream.indirect.gather [hbm4b:s2+s17], $0x80, s11, s17, $0xb8;
	[tilespmem:$0x1D000] =	vst v63  }
0xba: {  	_ =	swait.ge [sflag:s20], $0x4000  }
0xbb: {  	[sflag:s20] =	ssyncset.done $0x0  }
0xbc: {  	[sflag:s20] =	ssyncadd.s32 $0xFFFFC000  }
0xbd: {  	[spmem:s3] =	stream.indirect.scatter.add.f32 [tilespmem:s18], [sflag:$0x3], $0x80, s12, s17, $0xb8;
	[tilespmem:$0x1D000] =	vst v63  }
0xbe: {  	_ =	swait.ge [sflag:s22], $0x4000  }
0xbf: {  	[sflag:s22] =	ssyncset.done $0x0  }
0xc0: {  	[sflag:s22] =	ssyncadd.s32 $0xFFFFC000  }
0xc1: {  	[spmem:s3] =	stream.indirect.scatter.add.f32 [tilespmem:s19], [sflag:$0x4], $0x80, s13, s17, $0xb8;
	[tilespmem:$0x1D000] =	vst v63  }
0xc2: {  	_ =	swait.ge [sflag:s21], $0x4000  }
0xc3: {  	[sflag:s21] =	ssyncset.done $0x0  }
0xc4: {  	[sflag:s21] =	ssyncadd.s32 $0xFFFFC000  }
0xc5: {  	s5 =	simm.s32 $0x200;
	_ =	swait.ge [sflag:s23], $0x4000  }
0xc6: {  	s9 =	simm.s32 $0x100;
	s6 =	rddreg [dreg:$0x5];
	[sflag:s23] =	ssyncset.done $0x0  }
.LBB2_2:
0xc7: {  	[sflag:s23] =	ssyncadd.s32 $0xFFFFC000;
	s6 =	sadd.s32 s9, s6  }
0xc8: {  	[tilespmem:s15], [sflag:$0x5] =	stream.linear.gather [hbm4b:s6+s4], $0x800, $0x38;
	[tilespmem:$0x1D000] =	vst v63  }
0xc9: {  	_ =	swait.ge [sflag:s10], $0x800  }
0xca: {  	s6 =	rddreg [dreg:$0x4];
	[sflag:s10] =	ssyncset.done $0x0  }
0xcb: {  	[sflag:s10] =	ssyncadd.s32 $0xFFFFF800;
	s6 =	sadd.s32 s9, s6  }
0xcc: {  	[tilespmem:s16], [sflag:$0x5] =	stream.linear.gather [hbm4b:s6+s4], $0x800, $0x38;
	[tilespmem:$0x1D000] =	vst v63  }
0xcd: {  	_ =	swait.ge [sflag:s10], $0x800  }
0xce: {  	[sflag:s10] =	ssyncset.done $0x0  }
0xcf: {  	s14 =	smov.u32 s5;
	[sflag:s10] =	ssyncadd.s32 $0xFFFFF800  }
0xd0: {  	[tilespmem:s18], [sflag:$0x1] =	stream.indirect.gather [hbm4b:s2+s17], $0x80, s15, s17, $0xb8;
	[tilespmem:$0x1D000] =	vst v63  }
0xd1: {  	s9 =	smov.u32 s14;
	s14 =	rddreg [dreg:$0x6]  }
0xd2: {  	[tilespmem:s19], [sflag:$0x2] =	stream.indirect.gather [hbm4b:s2+s17], $0x80, s14, s17, $0xb8;
	[tilespmem:$0x1D000] =	vst v63  }
0xd3: {  	_ =	swait.ge [sflag:s20], $0x4000  }
0xd4: {  	[sflag:s20] =	ssyncset.done $0x0  }
0xd5: {  	[sflag:s20] =	ssyncadd.s32 $0xFFFFC000  }
0xd6: {  	[spmem:s3] =	stream.indirect.scatter.add.f32 [tilespmem:s18], [sflag:$0x3], $0x80, s16, s17, $0xb8;
	[tilespmem:$0x1D000] =	vst v63  }
0xd7: {  	_ =	swait.ge [sflag:s21], $0x4000  }
0xd8: {  	[sflag:s21] =	ssyncset.done $0x0  }
0xd9: {  	s14 =	rddreg [dreg:$0x7];
	[sflag:s21] =	ssyncadd.s32 $0xFFFFC000  }
0xda: {  	[tilespmem:s18], [sflag:$0x1] =	stream.indirect.gather [hbm4b:s2+s17], $0x80, s14, s17, $0xb8;
	[tilespmem:$0x1D000] =	vst v63  }
0xdb: {  	_ =	swait.ge [sflag:s22], $0x4000  }
0xdc: {  	[sflag:s22] =	ssyncset.done $0x0  }
0xdd: {  	s14 =	rddreg [dreg:$0x8];
	[sflag:s22] =	ssyncadd.s32 $0xFFFFC000  }
0xde: {  	[spmem:s3] =	stream.indirect.scatter.add.f32 [tilespmem:s19], [sflag:$0x4], $0x80, s14, s17, $0xb8;
	[tilespmem:$0x1D000] =	vst v63  }
0xdf: {  	_ =	swait.ge [sflag:s23], $0x4000  }
0xe0: {  	[sflag:s23] =	ssyncset.done $0x0  }
0xe1: {  	s14 =	rddreg [dreg:$0x9];
	[sflag:s23] =	ssyncadd.s32 $0xFFFFC000  }
0xe2: {  	[tilespmem:s19], [sflag:$0x2] =	stream.indirect.gather [hbm4b:s2+s17], $0x80, s14, s17, $0xb8;
	[tilespmem:$0x1D000] =	vst v63  }
0xe3: {  	_ =	swait.ge [sflag:s20], $0x4000  }
0xe4: {  	[sflag:s20] =	ssyncset.done $0x0  }
0xe5: {  	s14 =	rddreg [dreg:$0xa];
	[sflag:s20] =	ssyncadd.s32 $0xFFFFC000  }
0xe6: {  	[spmem:s3] =	stream.indirect.scatter.add.f32 [tilespmem:s18], [sflag:$0x3], $0x80, s14, s17, $0xb8;
	[tilespmem:$0x1D000] =	vst v63  }
0xe7: {  	_ =	swait.ge [sflag:s21], $0x4000  }
0xe8: {  	[sflag:s21] =	ssyncset.done $0x0  }
0xe9: {  	s14 =	rddreg [dreg:$0xb];
	[sflag:s21] =	ssyncadd.s32 $0xFFFFC000  }
0xea: {  	[tilespmem:s18], [sflag:$0x1] =	stream.indirect.gather [hbm4b:s2+s17], $0x80, s14, s17, $0xb8;
	[tilespmem:$0x1D000] =	vst v63  }
0xeb: {  	_ =	swait.ge [sflag:s22], $0x4000  }
0xec: {  	[sflag:s22] =	ssyncset.done $0x0  }
0xed: {  	s14 =	rddreg [dreg:$0xc];
	[sflag:s22] =	ssyncadd.s32 $0xFFFFC000  }
0xee: {  	[spmem:s3] =	stream.indirect.scatter.add.f32 [tilespmem:s19], [sflag:$0x4], $0x80, s14, s17, $0xb8;
	[tilespmem:$0x1D000] =	vst v63  }
0xef: {  	_ =	swait.ge [sflag:s23], $0x4000  }
0xf0: {  	[sflag:s23] =	ssyncset.done $0x0  }
0xf1: {  	s14 =	rddreg [dreg:$0xd];
	[sflag:s23] =	ssyncadd.s32 $0xFFFFC000  }
0xf2: {  	[tilespmem:s19], [sflag:$0x2] =	stream.indirect.gather [hbm4b:s2+s17], $0x80, s14, s17, $0xb8;
	[tilespmem:$0x1D000] =	vst v63  }
0xf3: {  	_ =	swait.ge [sflag:s20], $0x4000  }
0xf4: {  	[sflag:s20] =	ssyncset.done $0x0  }
0xf5: {  	s14 =	rddreg [dreg:$0xe];
	[sflag:s20] =	ssyncadd.s32 $0xFFFFC000  }
0xf6: {  	[spmem:s3] =	stream.indirect.scatter.add.f32 [tilespmem:s18], [sflag:$0x3], $0x80, s14, s17, $0xb8;
	[tilespmem:$0x1D000] =	vst v63  }
0xf7: {  	_ =	swait.ge [sflag:s21], $0x4000  }
0xf8: {  	[sflag:s21] =	ssyncset.done $0x0  }
0xf9: {  	s14 =	rddreg [dreg:$0xf];
	[sflag:s21] =	ssyncadd.s32 $0xFFFFC000  }
0xfa: {  	[tilespmem:s18], [sflag:$0x1] =	stream.indirect.gather [hbm4b:s2+s17], $0x80, s14, s17, $0xb8;
	[tilespmem:$0x1D000] =	vst v63  }
0xfb: {  	_ =	swait.ge [sflag:s22], $0x4000  }
0xfc: {  	[sflag:s22] =	ssyncset.done $0x0  }
0xfd: {  	s14 =	rddreg [dreg:$0x10];
	[sflag:s22] =	ssyncadd.s32 $0xFFFFC000  }
0xfe: {  	[spmem:s3] =	stream.indirect.scatter.add.f32 [tilespmem:s19], [sflag:$0x4], $0x80, s14, s17, $0xb8;
	[tilespmem:$0x1D000] =	vst v63  }
0xff: {  	_ =	swait.ge [sflag:s23], $0x4000  }
0x100: {  	[sflag:s23] =	ssyncset.done $0x0  }
0x101: {  	s14 =	rddreg [dreg:$0x11];
	[sflag:s23] =	ssyncadd.s32 $0xFFFFC000  }
0x102: {  	[tilespmem:s19], [sflag:$0x2] =	stream.indirect.gather [hbm4b:s2+s17], $0x80, s14, s17, $0xb8;
	[tilespmem:$0x1D000] =	vst v63  }
0x103: {  	_ =	swait.ge [sflag:s20], $0x4000  }
0x104: {  	[sflag:s20] =	ssyncset.done $0x0  }
0x105: {  	s14 =	rddreg [dreg:$0x12];
	[sflag:s20] =	ssyncadd.s32 $0xFFFFC000  }
0x106: {  	[spmem:s3] =	stream.indirect.scatter.add.f32 [tilespmem:s18], [sflag:$0x3], $0x80, s14, s17, $0xb8;
	[tilespmem:$0x1D000] =	vst v63  }
0x107: {  	_ =	swait.ge [sflag:s21], $0x4000  }
0x108: {  	[sflag:s21] =	ssyncset.done $0x0  }
0x109: {  	s14 =	rddreg [dreg:$0x13];
	[sflag:s21] =	ssyncadd.s32 $0xFFFFC000  }
0x10a: {  	[tilespmem:s18], [sflag:$0x1] =	stream.indirect.gather [hbm4b:s2+s17], $0x80, s14, s17, $0xb8;
	[tilespmem:$0x1D000] =	vst v63  }
0x10b: {  	_ =	swait.ge [sflag:s22], $0x4000  }
0x10c: {  	[sflag:s22] =	ssyncset.done $0x0  }
0x10d: {  	s14 =	rddreg [dreg:$0x14];
	[sflag:s22] =	ssyncadd.s32 $0xFFFFC000  }
0x10e: {  	[spmem:s3] =	stream.indirect.scatter.add.f32 [tilespmem:s19], [sflag:$0x4], $0x80, s14, s17, $0xb8;
	[tilespmem:$0x1D000] =	vst v63  }
0x10f: {  	_ =	swait.ge [sflag:s23], $0x4000  }
0x110: {  	[sflag:s23] =	ssyncset.done $0x0  }
0x111: {  	s14 =	rddreg [dreg:$0x15];
	[sflag:s23] =	ssyncadd.s32 $0xFFFFC000  }
0x112: {  	[tilespmem:s19], [sflag:$0x2] =	stream.indirect.gather [hbm4b:s2+s17], $0x80, s14, s17, $0xb8;
	[tilespmem:$0x1D000] =	vst v63  }
0x113: {  	_ =	swait.ge [sflag:s20], $0x4000  }
0x114: {  	[sflag:s20] =	ssyncset.done $0x0  }
0x115: {  	[sflag:s20] =	ssyncadd.s32 $0xFFFFC000  }
0x116: {  	[spmem:s3] =	stream.indirect.scatter.add.f32 [tilespmem:s18], [sflag:$0x3], $0x80, s24, s17, $0xb8;
	[tilespmem:$0x1D000] =	vst v63  }
0x117: {  	_ =	swait.ge [sflag:s21], $0x4000  }
0x118: {  	[sflag:s21] =	ssyncset.done $0x0  }
0x119: {  	[sflag:s21] =	ssyncadd.s32 $0xFFFFC000  }
0x11a: {  	[tilespmem:s18], [sflag:$0x1] =	stream.indirect.gather [hbm4b:s2+s17], $0x80, s25, s17, $0xb8;
	[tilespmem:$0x1D000] =	vst v63  }
0x11b: {  	_ =	swait.ge [sflag:s22], $0x4000  }
0x11c: {  	[sflag:s22] =	ssyncset.done $0x0  }
0x11d: {  	[sflag:s22] =	ssyncadd.s32 $0xFFFFC000  }
0x11e: {  	[spmem:s3] =	stream.indirect.scatter.add.f32 [tilespmem:s19], [sflag:$0x4], $0x80, s26, s17, $0xb8;
	[tilespmem:$0x1D000] =	vst v63  }
0x11f: {  	_ =	swait.ge [sflag:s23], $0x4000  }
0x120: {  	[sflag:s23] =	ssyncset.done $0x0  }
0x121: {  	[sflag:s23] =	ssyncadd.s32 $0xFFFFC000  }
0x122: {  	[tilespmem:s19], [sflag:$0x2] =	stream.indirect.gather [hbm4b:s2+s17], $0x80, s28, s17, $0xb8;
	[tilespmem:$0x1D000] =	vst v63  }
0x123: {  	_ =	swait.ge [sflag:s20], $0x4000  }
0x124: {  	[sflag:s20] =	ssyncset.done $0x0  }
0x125: {  	[sflag:s20] =	ssyncadd.s32 $0xFFFFC000  }
0x126: {  	[spmem:s3] =	stream.indirect.scatter.add.f32 [tilespmem:s18], [sflag:$0x3], $0x80, s29, s17, $0xb8;
	[tilespmem:$0x1D000] =	vst v63  }
0x127: {  	_ =	swait.ge [sflag:s21], $0x4000  }
0x128: {  	[sflag:s21] =	ssyncset.done $0x0  }
0x129: {  	[sflag:s21] =	ssyncadd.s32 $0xFFFFC000  }
0x12a: {  	[tilespmem:s18], [sflag:$0x1] =	stream.indirect.gather [hbm4b:s2+s17], $0x80, s30, s17, $0xb8;
	[tilespmem:$0x1D000] =	vst v63  }
0x12b: {  	_ =	swait.ge [sflag:s22], $0x4000  }
0x12c: {  	[sflag:s22] =	ssyncset.done $0x0  }
0x12d: {  	[sflag:s22] =	ssyncadd.s32 $0xFFFFC000  }
0x12e: {  	[spmem:s3] =	stream.indirect.scatter.add.f32 [tilespmem:s19], [sflag:$0x4], $0x80, s31, s17, $0xb8;
	[tilespmem:$0x1D000] =	vst v63  }
0x12f: {  	_ =	swait.ge [sflag:s23], $0x4000  }
0x130: {  	[sflag:s23] =	ssyncset.done $0x0  }
0x131: {  	[sflag:s23] =	ssyncadd.s32 $0xFFFFC000  }
0x132: {  	[tilespmem:s19], [sflag:$0x2] =	stream.indirect.gather [hbm4b:s2+s17], $0x80, s1, s17, $0xb8;
	[tilespmem:$0x1D000] =	vst v63  }
0x133: {  	_ =	swait.ge [sflag:s20], $0x4000  }
0x134: {  	[sflag:s20] =	ssyncset.done $0x0  }
0x135: {  	[sflag:s20] =	ssyncadd.s32 $0xFFFFC000  }
0x136: {  	[spmem:s3] =	stream.indirect.scatter.add.f32 [tilespmem:s18], [sflag:$0x3], $0x80, s0, s17, $0xb8;
	[tilespmem:$0x1D000] =	vst v63  }
0x137: {  	_ =	swait.ge [sflag:s21], $0x4000  }
0x138: {  	[sflag:s21] =	ssyncset.done $0x0  }
0x139: {  	[sflag:s21] =	ssyncadd.s32 $0xFFFFC000  }
0x13a: {  	[tilespmem:s18], [sflag:$0x1] =	stream.indirect.gather [hbm4b:s2+s17], $0x80, s7, s17, $0xb8;
	[tilespmem:$0x1D000] =	vst v63  }
0x13b: {  	_ =	swait.ge [sflag:s22], $0x4000  }
0x13c: {  	[sflag:s22] =	ssyncset.done $0x0  }
0x13d: {  	[sflag:s22] =	ssyncadd.s32 $0xFFFFC000  }
0x13e: {  	[spmem:s3] =	stream.indirect.scatter.add.f32 [tilespmem:s19], [sflag:$0x4], $0x80, s8, s17, $0xb8;
	[tilespmem:$0x1D000] =	vst v63  }
0x13f: {  	_ =	swait.ge [sflag:s23], $0x4000  }
0x140: {  	[sflag:s23] =	ssyncset.done $0x0  }
0x141: {  	[sflag:s23] =	ssyncadd.s32 $0xFFFFC000  }
0x142: {  	[tilespmem:s19], [sflag:$0x2] =	stream.indirect.gather [hbm4b:s2+s17], $0x80, s11, s17, $0xb8;
	[tilespmem:$0x1D000] =	vst v63  }
0x143: {  	_ =	swait.ge [sflag:s20], $0x4000  }
0x144: {  	[sflag:s20] =	ssyncset.done $0x0  }
0x145: {  	[sflag:s20] =	ssyncadd.s32 $0xFFFFC000  }
0x146: {  	[spmem:s3] =	stream.indirect.scatter.add.f32 [tilespmem:s18], [sflag:$0x3], $0x80, s12, s17, $0xb8;
	[tilespmem:$0x1D000] =	vst v63  }
0x147: {  	_ =	swait.ge [sflag:s22], $0x4000  }
0x148: {  	[sflag:s22] =	ssyncset.done $0x0  }
0x149: {  	p0 =	sne.s32 s5, $0x400;
	[sflag:s22] =	ssyncadd.s32 $0xFFFFC000  }
0x14a: {  	[spmem:s3] =	stream.indirect.scatter.add.f32 [tilespmem:s19], [sflag:$0x4], $0x80, s13, s17, $0xb8;
	[tilespmem:$0x1D000] =	vst v63  }
.Ltmp0:
0x14b: {  	_ =	swait.ge [sflag:s21], $0x4000;
	(pc) =	sbr.rel @p0 .LBB2_2-.Ltmp0, $4  }
0x14c: {  	[sflag:s21] =	ssyncset.done $0x0  }
0x14d: {  	[sflag:s21] =	ssyncadd.s32 $0xFFFFC000  }
0x14e: {  	_ =	swait.ge [sflag:s23], $0x4000  }
0x14f: {  	s5 =	sadd.s32 $0x100, s5;
	s6 =	rddreg [dreg:$0x5];
	[sflag:s23] =	ssyncset.done $0x0  }
0x150: {  	[sflag:s23] =	ssyncadd.s32 $0xFFFFC000;
	s5 =	sadd.s32 s9, s6  }
0x151: {  	[tilespmem:s15], [sflag:$0x5] =	stream.linear.gather [hbm4b:s5+s4], $0x800, $0x38;
	[tilespmem:$0x1D000] =	vst v63  }
0x152: {  	_ =	swait.ge [sflag:s10], $0x800  }
0x153: {  	s6 =	rddreg [dreg:$0x4];
	[sflag:s10] =	ssyncset.done $0x0  }
0x154: {  	s5 =	sadd.s32 s9, s6;
	[sflag:s10] =	ssyncadd.s32 $0xFFFFF800  }
0x155: {  	[tilespmem:s16], [sflag:$0x5] =	stream.linear.gather [hbm4b:s5+s4], $0x800, $0x38;
	[tilespmem:$0x1D000] =	vst v63  }
0x156: {  	_ =	swait.ge [sflag:s10], $0x800  }
0x157: {  	[sflag:s10] =	ssyncset.done $0x0  }
0x158: {  	[sflag:s10] =	ssyncadd.s32 $0xFFFFF800  }
0x159: {  	[tilespmem:s18], [sflag:$0x1] =	stream.indirect.gather [hbm4b:s2+s17], $0x80, s15, s17, $0xb8;
	[tilespmem:$0x1D000] =	vst v63  }
0x15a: {  	s9 =	rddreg [dreg:$0x6]  }
0x15b: {  	[tilespmem:s19], [sflag:$0x2] =	stream.indirect.gather [hbm4b:s2+s17], $0x80, s9, s17, $0xb8;
	[tilespmem:$0x1D000] =	vst v63  }
0x15c: {  	_ =	swait.ge [sflag:s20], $0x4000  }
0x15d: {  	[sflag:s20] =	ssyncset.done $0x0  }
0x15e: {  	[sflag:s20] =	ssyncadd.s32 $0xFFFFC000  }
0x15f: {  	[spmem:s3] =	stream.indirect.scatter.add.f32 [tilespmem:s18], [sflag:$0x3], $0x80, s16, s17, $0xb8;
	[tilespmem:$0x1D000] =	vst v63  }
0x160: {  	_ =	swait.ge [sflag:s21], $0x4000  }
0x161: {  	[sflag:s21] =	ssyncset.done $0x0  }
0x162: {  	s14 =	rddreg [dreg:$0x7];
	[sflag:s21] =	ssyncadd.s32 $0xFFFFC000  }
0x163: {  	[tilespmem:s18], [sflag:$0x1] =	stream.indirect.gather [hbm4b:s2+s17], $0x80, s14, s17, $0xb8;
	[tilespmem:$0x1D000] =	vst v63  }
0x164: {  	_ =	swait.ge [sflag:s22], $0x4000  }
0x165: {  	[sflag:s22] =	ssyncset.done $0x0  }
0x166: {  	s6 =	rddreg [dreg:$0x8];
	[sflag:s22] =	ssyncadd.s32 $0xFFFFC000  }
0x167: {  	[spmem:s3] =	stream.indirect.scatter.add.f32 [tilespmem:s19], [sflag:$0x4], $0x80, s6, s17, $0xb8;
	[tilespmem:$0x1D000] =	vst v63  }
0x168: {  	_ =	swait.ge [sflag:s23], $0x4000  }
0x169: {  	[sflag:s23] =	ssyncset.done $0x0  }
0x16a: {  	s9 =	rddreg [dreg:$0x9];
	[sflag:s23] =	ssyncadd.s32 $0xFFFFC000  }
0x16b: {  	[tilespmem:s19], [sflag:$0x2] =	stream.indirect.gather [hbm4b:s2+s17], $0x80, s9, s17, $0xb8;
	[tilespmem:$0x1D000] =	vst v63  }
0x16c: {  	_ =	swait.ge [sflag:s20], $0x4000  }
0x16d: {  	[sflag:s20] =	ssyncset.done $0x0  }
0x16e: {  	s14 =	rddreg [dreg:$0xa];
	[sflag:s20] =	ssyncadd.s32 $0xFFFFC000  }
0x16f: {  	[spmem:s3] =	stream.indirect.scatter.add.f32 [tilespmem:s18], [sflag:$0x3], $0x80, s14, s17, $0xb8;
	[tilespmem:$0x1D000] =	vst v63  }
0x170: {  	_ =	swait.ge [sflag:s21], $0x4000  }
0x171: {  	[sflag:s21] =	ssyncset.done $0x0  }
0x172: {  	s6 =	rddreg [dreg:$0xb];
	[sflag:s21] =	ssyncadd.s32 $0xFFFFC000  }
0x173: {  	[tilespmem:s18], [sflag:$0x1] =	stream.indirect.gather [hbm4b:s2+s17], $0x80, s6, s17, $0xb8;
	[tilespmem:$0x1D000] =	vst v63  }
0x174: {  	_ =	swait.ge [sflag:s22], $0x4000  }
0x175: {  	[sflag:s22] =	ssyncset.done $0x0  }
0x176: {  	s9 =	rddreg [dreg:$0xc];
	[sflag:s22] =	ssyncadd.s32 $0xFFFFC000  }
0x177: {  	[spmem:s3] =	stream.indirect.scatter.add.f32 [tilespmem:s19], [sflag:$0x4], $0x80, s9, s17, $0xb8;
	[tilespmem:$0x1D000] =	vst v63  }
0x178: {  	_ =	swait.ge [sflag:s23], $0x4000  }
0x179: {  	[sflag:s23] =	ssyncset.done $0x0  }
0x17a: {  	s14 =	rddreg [dreg:$0xd];
	[sflag:s23] =	ssyncadd.s32 $0xFFFFC000  }
0x17b: {  	[tilespmem:s19], [sflag:$0x2] =	stream.indirect.gather [hbm4b:s2+s17], $0x80, s14, s17, $0xb8;
	[tilespmem:$0x1D000] =	vst v63  }
0x17c: {  	_ =	swait.ge [sflag:s20], $0x4000  }
0x17d: {  	[sflag:s20] =	ssyncset.done $0x0  }
0x17e: {  	s6 =	rddreg [dreg:$0xe];
	[sflag:s20] =	ssyncadd.s32 $0xFFFFC000  }
0x17f: {  	[spmem:s3] =	stream.indirect.scatter.add.f32 [tilespmem:s18], [sflag:$0x3], $0x80, s6, s17, $0xb8;
	[tilespmem:$0x1D000] =	vst v63  }
0x180: {  	_ =	swait.ge [sflag:s21], $0x4000  }
0x181: {  	[sflag:s21] =	ssyncset.done $0x0  }
0x182: {  	s9 =	rddreg [dreg:$0xf];
	[sflag:s21] =	ssyncadd.s32 $0xFFFFC000  }
0x183: {  	[tilespmem:s18], [sflag:$0x1] =	stream.indirect.gather [hbm4b:s2+s17], $0x80, s9, s17, $0xb8;
	[tilespmem:$0x1D000] =	vst v63  }
0x184: {  	_ =	swait.ge [sflag:s22], $0x4000  }
0x185: {  	[sflag:s22] =	ssyncset.done $0x0  }
0x186: {  	s14 =	rddreg [dreg:$0x10];
	[sflag:s22] =	ssyncadd.s32 $0xFFFFC000  }
0x187: {  	[spmem:s3] =	stream.indirect.scatter.add.f32 [tilespmem:s19], [sflag:$0x4], $0x80, s14, s17, $0xb8;
	[tilespmem:$0x1D000] =	vst v63  }
0x188: {  	_ =	swait.ge [sflag:s23], $0x4000  }
0x189: {  	[sflag:s23] =	ssyncset.done $0x0  }
0x18a: {  	s6 =	rddreg [dreg:$0x11];
	[sflag:s23] =	ssyncadd.s32 $0xFFFFC000  }
0x18b: {  	[tilespmem:s19], [sflag:$0x2] =	stream.indirect.gather [hbm4b:s2+s17], $0x80, s6, s17, $0xb8;
	[tilespmem:$0x1D000] =	vst v63  }
0x18c: {  	_ =	swait.ge [sflag:s20], $0x4000  }
0x18d: {  	[sflag:s20] =	ssyncset.done $0x0  }
0x18e: {  	s9 =	rddreg [dreg:$0x12];
	[sflag:s20] =	ssyncadd.s32 $0xFFFFC000  }
0x18f: {  	[spmem:s3] =	stream.indirect.scatter.add.f32 [tilespmem:s18], [sflag:$0x3], $0x80, s9, s17, $0xb8;
	[tilespmem:$0x1D000] =	vst v63  }
0x190: {  	_ =	swait.ge [sflag:s21], $0x4000  }
0x191: {  	[sflag:s21] =	ssyncset.done $0x0  }
0x192: {  	s14 =	rddreg [dreg:$0x13];
	[sflag:s21] =	ssyncadd.s32 $0xFFFFC000  }
0x193: {  	[tilespmem:s18], [sflag:$0x1] =	stream.indirect.gather [hbm4b:s2+s17], $0x80, s14, s17, $0xb8;
	[tilespmem:$0x1D000] =	vst v63  }
0x194: {  	_ =	swait.ge [sflag:s22], $0x4000  }
0x195: {  	[sflag:s22] =	ssyncset.done $0x0  }
0x196: {  	s6 =	rddreg [dreg:$0x14];
	[sflag:s22] =	ssyncadd.s32 $0xFFFFC000  }
0x197: {  	[spmem:s3] =	stream.indirect.scatter.add.f32 [tilespmem:s19], [sflag:$0x4], $0x80, s6, s17, $0xb8;
	[tilespmem:$0x1D000] =	vst v63  }
0x198: {  	_ =	swait.ge [sflag:s23], $0x4000  }
0x199: {  	[sflag:s23] =	ssyncset.done $0x0  }
0x19a: {  	s9 =	rddreg [dreg:$0x15];
	[sflag:s23] =	ssyncadd.s32 $0xFFFFC000  }
0x19b: {  	[tilespmem:s19], [sflag:$0x2] =	stream.indirect.gather [hbm4b:s2+s17], $0x80, s9, s17, $0xb8;
	[tilespmem:$0x1D000] =	vst v63  }
0x19c: {  	_ =	swait.ge [sflag:s20], $0x4000  }
0x19d: {  	[sflag:s20] =	ssyncset.done $0x0  }
0x19e: {  	[sflag:s20] =	ssyncadd.s32 $0xFFFFC000  }
0x19f: {  	[spmem:s3] =	stream.indirect.scatter.add.f32 [tilespmem:s18], [sflag:$0x3], $0x80, s24, s17, $0xb8;
	[tilespmem:$0x1D000] =	vst v63  }
0x1a0: {  	_ =	swait.ge [sflag:s21], $0x4000  }
0x1a1: {  	[sflag:s21] =	ssyncset.done $0x0  }
0x1a2: {  	[sflag:s21] =	ssyncadd.s32 $0xFFFFC000  }
0x1a3: {  	[tilespmem:s18], [sflag:$0x1] =	stream.indirect.gather [hbm4b:s2+s17], $0x80, s25, s17, $0xb8;
	[tilespmem:$0x1D000] =	vst v63  }
0x1a4: {  	_ =	swait.ge [sflag:s22], $0x4000  }
0x1a5: {  	[sflag:s22] =	ssyncset.done $0x0  }
0x1a6: {  	[sflag:s22] =	ssyncadd.s32 $0xFFFFC000  }
0x1a7: {  	[spmem:s3] =	stream.indirect.scatter.add.f32 [tilespmem:s19], [sflag:$0x4], $0x80, s26, s17, $0xb8;
	[tilespmem:$0x1D000] =	vst v63  }
0x1a8: {  	_ =	swait.ge [sflag:s23], $0x4000  }
0x1a9: {  	[sflag:s23] =	ssyncset.done $0x0  }
0x1aa: {  	[sflag:s23] =	ssyncadd.s32 $0xFFFFC000  }
0x1ab: {  	[tilespmem:s19], [sflag:$0x2] =	stream.indirect.gather [hbm4b:s2+s17], $0x80, s28, s17, $0xb8;
	[tilespmem:$0x1D000] =	vst v63  }
0x1ac: {  	_ =	swait.ge [sflag:s20], $0x4000  }
0x1ad: {  	[sflag:s20] =	ssyncset.done $0x0  }
0x1ae: {  	[sflag:s20] =	ssyncadd.s32 $0xFFFFC000  }
0x1af: {  	[spmem:s3] =	stream.indirect.scatter.add.f32 [tilespmem:s18], [sflag:$0x3], $0x80, s29, s17, $0xb8;
	[tilespmem:$0x1D000] =	vst v63  }
0x1b0: {  	_ =	swait.ge [sflag:s21], $0x4000  }
0x1b1: {  	[sflag:s21] =	ssyncset.done $0x0  }
0x1b2: {  	[sflag:s21] =	ssyncadd.s32 $0xFFFFC000  }
0x1b3: {  	[tilespmem:s18], [sflag:$0x1] =	stream.indirect.gather [hbm4b:s2+s17], $0x80, s30, s17, $0xb8;
	[tilespmem:$0x1D000] =	vst v63  }
0x1b4: {  	_ =	swait.ge [sflag:s22], $0x4000  }
0x1b5: {  	[sflag:s22] =	ssyncset.done $0x0  }
0x1b6: {  	[sflag:s22] =	ssyncadd.s32 $0xFFFFC000  }
0x1b7: {  	[spmem:s3] =	stream.indirect.scatter.add.f32 [tilespmem:s19], [sflag:$0x4], $0x80, s31, s17, $0xb8;
	[tilespmem:$0x1D000] =	vst v63  }
0x1b8: {  	_ =	swait.ge [sflag:s23], $0x4000  }
0x1b9: {  	[sflag:s23] =	ssyncset.done $0x0  }
0x1ba: {  	[sflag:s23] =	ssyncadd.s32 $0xFFFFC000  }
0x1bb: {  	[tilespmem:s19], [sflag:$0x2] =	stream.indirect.gather [hbm4b:s2+s17], $0x80, s1, s17, $0xb8;
	[tilespmem:$0x1D000] =	vst v63  }
0x1bc: {  	_ =	swait.ge [sflag:s20], $0x4000  }
0x1bd: {  	[sflag:s20] =	ssyncset.done $0x0  }
0x1be: {  	[sflag:s20] =	ssyncadd.s32 $0xFFFFC000  }
0x1bf: {  	[spmem:s3] =	stream.indirect.scatter.add.f32 [tilespmem:s18], [sflag:$0x3], $0x80, s0, s17, $0xb8;
	[tilespmem:$0x1D000] =	vst v63  }
0x1c0: {  	_ =	swait.ge [sflag:s21], $0x4000  }
0x1c1: {  	[sflag:s21] =	ssyncset.done $0x0  }
0x1c2: {  	[sflag:s21] =	ssyncadd.s32 $0xFFFFC000  }
0x1c3: {  	[tilespmem:s18], [sflag:$0x1] =	stream.indirect.gather [hbm4b:s2+s17], $0x80, s7, s17, $0xb8;
	[tilespmem:$0x1D000] =	vst v63  }
0x1c4: {  	_ =	swait.ge [sflag:s22], $0x4000  }
0x1c5: {  	[sflag:s22] =	ssyncset.done $0x0  }
0x1c6: {  	[sflag:s22] =	ssyncadd.s32 $0xFFFFC000  }
0x1c7: {  	[spmem:s3] =	stream.indirect.scatter.add.f32 [tilespmem:s19], [sflag:$0x4], $0x80, s8, s17, $0xb8;
	[tilespmem:$0x1D000] =	vst v63  }
0x1c8: {  	_ =	swait.ge [sflag:s23], $0x4000  }
0x1c9: {  	[sflag:s23] =	ssyncset.done $0x0  }
0x1ca: {  	[sflag:s23] =	ssyncadd.s32 $0xFFFFC000  }
0x1cb: {  	[tilespmem:s19], [sflag:$0x2] =	stream.indirect.gather [hbm4b:s2+s17], $0x80, s11, s17, $0xb8;
	[tilespmem:$0x1D000] =	vst v63  }
0x1cc: {  	_ =	swait.ge [sflag:s20], $0x4000  }
0x1cd: {  	[sflag:s20] =	ssyncset.done $0x0  }
0x1ce: {  	[sflag:s20] =	ssyncadd.s32 $0xFFFFC000  }
0x1cf: {  	[spmem:s3] =	stream.indirect.scatter.add.f32 [tilespmem:s18], [sflag:$0x3], $0x80, s12, s17, $0xb8;
	[tilespmem:$0x1D000] =	vst v63  }
0x1d0: {  	_ =	swait.ge [sflag:s22], $0x4000  }
0x1d1: {  	[sflag:s22] =	ssyncset.done $0x0  }
0x1d2: {  	[sflag:s22] =	ssyncadd.s32 $0xFFFFC000  }
0x1d3: {  	[spmem:s3] =	stream.indirect.scatter.add.f32 [tilespmem:s19], [sflag:$0x4], $0x80, s13, s17, $0xb8;
	[tilespmem:$0x1D000] =	vst v63  }
0x1d4: {  	_ =	swait.ge [sflag:s21], $0x4000  }
0x1d5: {  	[sflag:s21] =	ssyncset.done $0x0  }
0x1d6: {  	[sflag:s21] =	ssyncadd.s32 $0xFFFFC000  }
0x1d7: {  	_ =	swait.ge [sflag:s23], $0x4000  }
0x1d8: {  	[sflag:s23] =	ssyncset.done $0x0  }
0x1d9: {  	[sflag:s23] =	ssyncadd.s32 $0xFFFFC000  }
0x1da: {  	[bflag:$0x0] =	sbarrier.arrive $0xFFFF  }
0x1db: {  	s9 =	rddreg [dreg:$0x17]  }
0x1dc: {  	s14 =	rddreg [dreg:$0x18]  }
0x1dd: {  	s6 =	rddreg [dreg:$0x1a]  }
0x1de: {  	[hbm:s14], [sflag:s9] =	dma.local [spmem:s6], $0x2800  }
0x1df: {  	_ =	swait.ge [sflag:s10], $0x2800  }
0x1e0: {  	s14 =	rddreg [dreg:$0x1f]  }
0x1e1: {  	s5 =	rddreg [dreg:$0x19];
	s14 =	sadd.s32 $0x1, s14  }
0x1e2: {  	p0 =	sne.s32 s14, s5  }
.Ltmp1:
0x1e3: {  	_ = 	snop;
	(pc) =	sbr.rel @p0 .LBB2_1-.Ltmp1, $3  }
0x1e4: {  	_ =	sdelay $0x1  }
0x1e5: {  	[sflag:s10] =	ssyncset.done $0x0  }
0x1e6: {  	[sflag:s10] =	ssyncadd.s32 $0xFFFFD800  }
0x1e7: {  	_ =	sfence.sel $0x180000  }
0x1e8: {  	[bflag:$0x0] =	sbarrier.arrive $0xFFFF  }
0x1e9: {  	_ =	strace $0x9000004A  }
0x1ea: {  	s0 =	stileid.u32;
	[bflag:$0x2] =	sbarrier.arrive $0xFFFF  }
0x1eb: {  	p0 =	sne.s32 s0, $0x0;
	s0 =	rddreg [dreg:$0x3]  }
0x1ec: {  	s0 =	sadd.s32 @!p0 $0x100000, s0  }
0x1ed: {  	[sflag:s0] =	ssyncadd.tile.s32 @!p0 $0x1;
	_ =	shalt  }
.Lfunc_end2:
_tile_overlayer_lowered:
.L_overlay_start_2:
0x1ee: {  	(tag) =	ssettag $0x2  }
0x1ef: {  	s0 =	rddreg [dreg:$0x0];
	s2 =	stileid.u32  }
0x1f0: {  	s1 =	rddreg [dreg:$0x1];
	p0 =	sne.s32 s2, $0x0  }
0x1f1: {  	s3 =	rddreg [dreg:$0x2];
	[bflag:$0x3] =	sbarrier.arrive $0xFFFF;
	s2 =	simm.s32 @!p0 $0x1C05  }
0x1f2: {  	[timem:s3], [sflag:s2] =	dma.local @!p0 [hbm:s0], s1  }
0x1f3: {  	s0 =	simm.s32 @!p0 $0x5  }
0x1f4: {  	_ =	swait.ge @!p0 [sflag:s0], s1  }
0x1f5: {  	s1 =	ssub.s32 @!p0 $0x0, s1;
	[sflag:s0] =	ssyncset.done @!p0 $0x0  }
0x1f6: {  	[sflag:s0] =	ssyncadd.s32 @!p0 s1  }
0x1f7: {  	[bflag:$0x3] =	sbarrier.arrive $0xFFFF  }
0x1f8: {  	_ =	shalt  }

// kernel: kernel.14.cloned.1.call-start
scs
__scs_entry_jumppad:
0x0: {  	(pc) =	sbr.rel $0x88, $3  }
0x1: {  	(tag) =	ssettag $0x0;
	lr =	simm.s32 $0x1  }
0x2: {  	[smem:$0x3F93] =	sst lr;
	_ =	strace $0xD0000000  }
0x3: {  	_ = 	snop  }
0x4: {  	_ = 	snop  }
0x5: {  	_ = 	snop  }
0x6: {  	_ = 	snop  }
0x7: {  	_ = 	snop  }
__scs_overlays_trampoline_lowered:
0x8: {  	[smem:$0x3FA2] =	sst s0  }
0x9: {  	[smem:$0x3FA3] =	sst s1  }
0xa: {  	[smem:$0x3FA4] =	sst s2  }
0xb: {  	[smem:$0x3FA5] =	sst s3  }
0xc: {  	[smem:$0x3FA6] =	sst s4  }
0xd: {  	[smem:$0x3FA7] =	sst s5  }
0xe: {  	[smem:$0x3FA8] =	sst s6  }
0xf: {  	[smem:$0x3FA9] =	sst s7  }
0x10: {  	[smem:$0x3FAA] =	sst s8  }
0x11: {  	[smem:$0x3FAB] =	sst s9;
	s0 =	simm.s32 @!p0 $0x0  }
0x12: {  	s1 =	sld [smem:$0x3F91];
	s0 =	simm.s32 @p0 $0x1  }
0x13: {  	[smem:$0x3FAC] =	sst s0;
	s0 =	simm.s32 @!p1 $0x0  }
0x14: {  	s2 =	sld [smem:$0x3F90];
	s0 =	simm.s32 @p1 $0x1  }
0x15: {  	[smem:$0x3FAD] =	sst s0;
	s0 =	simm.s32 @!p2 $0x0  }
0x16: {  	s3 =	sld [smem:$0x3FDB];
	s0 =	simm.s32 @p2 $0x1  }
0x17: {  	s4 =	simm.s32 $0x1BF5;
	[smem:$0x3FAF] =	sst s0  }
0x18: {  	s0 =	sld [smem:$0x3F92];
	_ =	swait.ge [sflag:s4], $0x0  }
0x19: {  	s7 =	sld [smem:$0x3F93]  }
0x1a: {  	s8 =	sadd.s32 $0xFFFFE003, lr  }
0x1b: {  	s9 =	sadd.s32 $0xFFFFFEF7, lr;
	s5 =	simm.s32 $0xFFFFFFFF;
	p2 =	slt.u32 s8, $0xFFFFF086  }
0x1c: {  	p1 =	slt.u32 s9, $0xF7A;
	s5 =	simm.s32 @!p2 $0x0  }
0x1d: {  	s5 =	simm.s32 @p1 $0x1;
	p0 =	seq.s32 s7, s2  }
0x1e: {  	s7 =	smul.u32 @!p0 $0xF7A, s2;
	p2 =	seq.s32 @!p0 s5, $0x0  }
0x1f: {  	s9 =	smul.u32 $0xF7A, s1;
	s8 =	simm.s32 @!p0 $0x1BF5;
	p2 =	por !p2, p0  }
0x20: {  	[sflag:s8] =	ssyncset.s32 @!p0 $0xFFFFF086;
	s6 =	sadd.s32 @!p0 s3, s7;
	s7 =	simm.s32 @!p0 $0x108  }
0x21: {  	s3 =	sadd.s32 s3, s9;
	s6 =	sadd.s32 @!p0 $0x88, s6;
	s7 =	simm.s32 @p2 $0x1082  }
0x22: {  	[simem:s7], [sflag:s8] =	dma.local @!p0 [hbm:s6], $0xF7A  }
0x23: {  	s9 =	sor.u32 $0xD0000000, s2;
	s6 =	simm.s32 $0x108;
	_ =	swait.ge @!p0 [sflag:s8], $0x0  }
0x24: {  	s3 =	sadd.s32 $0x88, s3;
	s6 =	simm.s32 @!p1 $0x1082;
	[sflag:s4] =	ssyncset.s32 $0xFFFFF086  }
0x25: {  	[simem:s6], [sflag:s4] =	dma.local [hbm:s3], $0xF7A  }
0x26: {  	[smem:$0x3F93] =	sst s1;
	(tag) =	ssettag s2;
	_ =	strace s9  }
0x27: {  	s1 =	sld [smem:$0x3FA3]  }
0x28: {  	s2 =	sld [smem:$0x3FA4]  }
0x29: {  	s4 =	sld [smem:$0x3FA6]  }
0x2a: {  	p0 =	seq.s32 s5, $0x0;
	s5 =	sld [smem:$0x3FA7]  }
0x2b: {  	s6 =	sld [smem:$0x3FA8]  }
0x2c: {  	s7 =	sld [smem:$0x3FA9]  }
0x2d: {  	s3 =	simm.s32 $0x108;
	s8 =	sld [smem:$0x3FAA]  }
0x2e: {  	s3 =	simm.s32 @!p0 $0x1082;
	s9 =	sld [smem:$0x3FAB]  }
0x2f: {  	lr =	sadd.s32 s0, s3;
	s0 =	sld [smem:$0x3FA2]  }
0x30: {  	s3 =	sld [smem:$0x3FA5]  }
0x31: {  	[smem:$0x3FAE] =	sst s10  }
0x32: {  	s10 =	sld [smem:$0x3FAC];
	_ =	sdelay $0x3  }
0x33: {  	p0 =	seq.s32 s10, $0x1;
	s10 =	sld [smem:$0x3FAE];
	_ =	sdelay $0x3  }
0x34: {  	[smem:$0x3FAE] =	sst s10  }
0x35: {  	s10 =	sld [smem:$0x3FAD];
	_ =	sdelay $0x3  }
0x36: {  	p1 =	seq.s32 s10, $0x1;
	s10 =	sld [smem:$0x3FAE];
	_ =	sdelay $0x3  }
0x37: {  	[smem:$0x3FAE] =	sst s10  }
0x38: {  	s10 =	sld [smem:$0x3FAF]  }
0x39: {  	_ = 	snop;
	(pc) =	sbr.ind lr, $3  }
0x3a: {  	_ = 	snop  }
0x3b: {  	_ = 	snop  }
0x3c: {  	p2 =	seq.s32 s10, $0x1;
	s10 =	sld [smem:$0x3FAE]  }
0x3d: {  	_ =	shalt  }
0x3e: {  	_ =	shalt  }
0x3f: {  	_ =	shalt  }
0x40: {  	_ =	shalt  }
0x41: {  	_ =	shalt  }
0x42: {  	_ =	shalt  }
0x43: {  	_ =	shalt  }
0x44: {  	_ =	shalt  }
0x45: {  	_ =	shalt  }
0x46: {  	_ =	shalt  }
0x47: {  	_ =	shalt  }
0x48: {  	_ =	shalt  }
0x49: {  	_ =	shalt  }
0x4a: {  	_ =	shalt  }
0x4b: {  	_ =	shalt  }
0x4c: {  	_ =	shalt  }
0x4d: {  	_ =	shalt  }
0x4e: {  	_ =	shalt  }
0x4f: {  	_ =	shalt  }
0x50: {  	_ =	shalt  }
0x51: {  	_ =	shalt  }
0x52: {  	_ =	shalt  }
0x53: {  	_ =	shalt  }
0x54: {  	_ =	shalt  }
0x55: {  	_ =	shalt  }
0x56: {  	_ =	shalt  }
0x57: {  	_ =	shalt  }
0x58: {  	_ =	shalt  }
0x59: {  	_ =	shalt  }
0x5a: {  	_ =	shalt  }
0x5b: {  	_ =	shalt  }
0x5c: {  	_ =	shalt  }
0x5d: {  	_ =	shalt  }
0x5e: {  	_ =	shalt  }
0x5f: {  	_ =	shalt  }
0x60: {  	_ =	shalt  }
0x61: {  	_ =	shalt  }
0x62: {  	_ =	shalt  }
0x63: {  	_ =	shalt  }
0x64: {  	_ =	shalt  }
0x65: {  	_ =	shalt  }
0x66: {  	_ =	shalt  }
0x67: {  	_ =	shalt  }
0x68: {  	_ =	shalt  }
0x69: {  	_ =	shalt  }
0x6a: {  	_ =	shalt  }
0x6b: {  	_ =	shalt  }
0x6c: {  	_ =	shalt  }
0x6d: {  	_ =	shalt  }
0x6e: {  	_ =	shalt  }
0x6f: {  	_ =	shalt  }
0x70: {  	_ =	shalt  }
0x71: {  	_ =	shalt  }
0x72: {  	_ =	shalt  }
0x73: {  	_ =	shalt  }
0x74: {  	_ =	shalt  }
0x75: {  	_ =	shalt  }
0x76: {  	_ =	shalt  }
0x77: {  	_ =	shalt  }
0x78: {  	_ =	shalt  }
0x79: {  	_ =	shalt  }
0x7a: {  	_ =	shalt  }
0x7b: {  	_ =	shalt  }
0x7c: {  	_ =	shalt  }
0x7d: {  	_ =	shalt  }
0x7e: {  	_ =	shalt  }
0x7f: {  	_ =	shalt  }
0x80: {  	_ =	shalt  }
0x81: {  	_ =	shalt  }
0x82: {  	_ =	shalt  }
0x83: {  	_ =	shalt  }
0x84: {  	_ =	shalt  }
0x85: {  	_ =	shalt  }
0x86: {  	_ =	shalt  }
0x87: {  	_ =	shalt  }
.Lfunc_end0:
.L_simem_size_0:
called_computation.2_lowered:
.L_overlay_start_0:
0x88: {  	s2 =	sld [smem:$0x3FD9]  }
0x89: {  	s3 =	sld [smem:$0x3FFE];
	_ =	sdelay $0x1  }
0x8a: {  	s1 =	srdreg.scid  }
0x8b: {  	s0 =	sand.u32 $0x1, s1  }
0x8c: {  	s17 =	sshll.u32 s0, $0xA;
	s2 =	sadd.s32 s3, s2  }
0x8d: {  	s2 =	sadd.s32 s2, s17  }
0x8e: {  	[smem:$0x3FBA] =	sst s2  }
0x8f: {  	_ = 	snop  }
0x90: {  	s2 =	sld [smem:$0x3FD0];
	(tm) =	ssettm $0x1  }
0x91: {  	s18 =	sld [smem:$0x3FFB];
	_ =	sdelay $0x3  }
0x92: {  	_ =	strace s18  }
0x93: {  	s3 =	sld [smem:$0x3FFC];
	_ =	sdelay $0x3  }
0x94: {  	_ =	strace s3  }
0x95: {  	s3 =	sld [smem:$0x3FFD];
	_ =	sdelay $0x3  }
0x96: {  	_ =	strace s3  }
0x97: {  	_ =	strace $0x8FFFFFFF  }
0x98: {  	s19 =	sld [smem:$0x3FDB];
	_ =	sdelay $0x1  }
0x99: {  	s4 =	simm.s32 $_scs_section_size  }
0x9a: {  	s5 =	simm.s32 $_size__tile_overlayer_lowered;
	s6 =	simm.s32 $_tile_overlayer_lowered  }
0x9b: {  	s22 =	simm.s32 $0x1BFF;
	s21 =	sshll.u32 s6, $0x1;
	s3 =	sadd.s32 s4, s19  }
0x9c: {  	s7 =	simm.s32 $0x0;
	s20 =	sshll.u32 s5, $0x1;
	s5 =	sadd.s32 s21, s3  }
0x9d: {  	[timem:s7], [sflag:s22] =	dma.local [hbm:s5], s20  }
0x9e: {  	_ =	swait.ge [sflag:s22], s20  }
0x9f: {  	s4 =	ssub.s32 $0x0, s20;
	[sflag:s22] =	ssyncset.done $0x0  }
0xa0: {  	[sflag:s22] =	ssyncadd.s32 s4;
	_ =	sdelay $0x1  }
0xa1: {  	s23 =	simm.s32 $0x1B8B  }
0xa2: {  	_ =	swait.ge [sflag:s23], $0x1  }
0xa3: {  	[sflag:s23] =	ssyncset.done $0x0  }
0xa4: {  	s25 =	simm.s32 $0x1B8E;
	s24 =	sld [smem:$0x3FFE];
	[sflag:s23] =	ssyncadd.s32 $0xFFFFFFFF  }
0xa5: {  	s26 =	simm.s32 $execute0_lowered;
	[smem:$0x3FD2] =	sst s25  }
0xa6: {  	s5 =	sshll.u32 s26, $0x1;
	_ =	strace $0x8000004C;
	[dreg:$0x1] =	wrdreg $0xFFFFFFFF  }
0xa7: {  	s28 =	simm.s32 $_size_execute0_lowered;
	s3 =	sadd.s32 s3, s5;
	[dreg:$0x0] =	wrdreg $0x0  }
0xa8: {  	s5 =	sshll.u32 s28, $0x1;
	[dreg:$0x2] =	wrdreg s3  }
0xa9: {  	[dreg:$0x3] =	wrdreg s5  }
0xaa: {  	[dreg:$0x4] =	wrdreg $0xC0  }
0xab: {  	_ =	task [dreg:s7], $0x5FFFF  }
0xac: {  	[dreg:$0x1] =	wrdreg $0xFFFFFFFF  }
0xad: {  	[dreg:$0x0] =	wrdreg $0x60  }
0xae: {  	[dreg:$0x2] =	wrdreg s24  }
0xaf: {  	[dreg:$0x3] =	wrdreg s2  }
0xb0: {  	[dreg:$0x4] =	wrdreg $0x0  }
0xb1: {  	[dreg:$0x5] =	wrdreg $0x9  }
0xb2: {  	_ =	task.clear_ibuf [dreg:s7], $0x6FFFF;
	_ =	strace $0x9000004C  }
0xb3: {  	s29 =	simm.s32 $0x9;
	_ =	strace $0x8000004E  }
0xb4: {  	_ =	swait.ge [sflag:s29], $0x1  }
0xb5: {  	[sflag:s29] =	ssyncadd.s32 $0xFFFFFFFF  }
0xb6: {  	_ =	strace $0x9000004E  }
0xb7: {  	_ =	sfence  }
0xb8: {  	s30 =	sld [smem:$0x0];
	_ =	sdelay $0x2  }
0xb9: {  	s31 =	sshll.u32 s1, $0xD;
	s1 =	sshrl.u32 s1, $0x2  }
0xba: {  	s3 =	sand.u32 $0x4000, s31;
	s1 =	sadd.s32 s1, s30  }
0xbb: {  	s0 =	sor.u32 s3, s0;
	s1 =	sshll.u32 s1, $0x11  }
0xbc: {  	s0 =	sor.u32 s1, s0  }
0xbd: {  	s0 =	sadd.s32 $0x8F2B, s0  }
0xbe: {  	[sflag:s0] =	ssyncadd.remote.s32 $0x1  }
0xbf: {  	_ =	sfence.sel $0xFFFF  }
0xc0: {  	[dreg:$0x0] =	wrdreg $0xFFFFFFFF;
	(pc) =	sbr.abs _section_cstart, $3  }
0xc1: {  	[dreg:$0x1] =	wrdreg $0xFFFFFFFF  }
0xc2: {  	_ =	task.clear_ibuf [dreg:s7], $0x2FFFF;
	_ =	strace $0x9FFFFFFF  }
0xc3: {  	(tm) =	ssettm $0x7FFFFFFF  }
tec
execute0_lowered:
.L_overlay_start_1:
0x0: {  	(tag) =	ssettag $0x1  }
0x1: {  	s0 =	srdreg.scid;
	s1 =	rddreg [dreg:$0x0]  }
0x2: {  	s9 =	stileid.u32;
	s2 =	rddreg [dreg:$0x1]  }
0x3: {  	s3 =	rddreg [dreg:$0x2];
	s4 =	simm.s32 $0x0;
	s24 =	simm.s32 $0x1C080  }
0x4: {  	s25 =	simm.s32 $0x1C100;
	s10 =	simm.s32 $0x1C880;
	s11 =	simm.s32 $0x1C180  }
0x5: {  	s12 =	simm.s32 $0x1C900;
	[smem:$0x7FF] =	sst s4;
	s16 =	sadd.s32 $0xE600, s1  }
0x6: {  	s13 =	simm.s32 $0x1C200;
	_ =	strace $0x8000004D;
	[dreg:$0x16] =	wrdreg s16  }
0x7: {  	s28 =	simm.s32 $0x1C580;
	s29 =	simm.s32 $0x1CD00;
	[dreg:$0x6] =	wrdreg s24  }
0x8: {  	s30 =	simm.s32 $0x1C600;
	s6 =	smul.u32 $0x2800, s9;
	[dreg:$0x7] =	wrdreg s25  }
0x9: {  	s31 =	simm.s32 $0x1CD80;
	s8 =	smul.u32 $0x14000, s9;
	[dreg:$0x8] =	wrdreg s10  }
0xa: {  	s0 =	sand.u32 $0x1, s0;
	s15 =	smul.u32 $0x50000, s9;
	[dreg:$0x9] =	wrdreg s11  }
0xb: {  	s18 =	sshll.u32 s9, $0x6;
	s5 =	smul.u32 $0x28000, s0;
	[dreg:$0xa] =	wrdreg s12  }
0xc: {  	s7 =	smul.u32 $0x140000, s0;
	[dreg:$0xb] =	wrdreg s13;
	s24 =	simm.s32 $0x1C400  }
0xd: {  	s0 =	ssub.s32 $0x2, s0;
	s25 =	simm.s32 $0x1CB80;
	[dreg:$0x13] =	wrdreg s24  }
0xe: {  	s9 =	sor.u32 $0x1C05, s18;
	s10 =	simm.s32 $0x5;
	[dreg:$0x14] =	wrdreg s25  }
0xf: {  	s11 =	simm.s32 $0x1C780;
	s17 =	sshrl.u32 s0, $0x1;
	[dreg:$0x17] =	wrdreg s9  }
0x10: {  	s5 =	sadd.s32 s6, s5;
	s14 =	sadd.s32 s8, s7;
	s7 =	sshrl.u32 s15, $0x2  }
0x11: {  	s0 =	ssub.s32 s0, s17;
	s15 =	simm.s32 $0x1C980;
	s17 =	simm.s32 $0x1C280  }
0x12: {  	s5 =	sshrl.u32 s5, $0x3;
	s6 =	sshrl.u32 s14, $0x3;
	[dreg:$0xc] =	wrdreg s15  }
0x13: {  	s19 =	sadd.s32 s7, s3;
	s0 =	smax.u32 s0, $0x1;
	[dreg:$0xd] =	wrdreg s17  }
0x14: {  	s5 =	sadd.s32 s5, s1;
	s1 =	sadd.s32 s6, s1;
	[dreg:$0x19] =	wrdreg s0  }
0x15: {  	s21 =	sadd.s32 $0x4000, s19;
	s23 =	sadd.s32 $0x8000, s19;
	s7 =	sadd.s32 $0xC000, s19  }
0x16: {  	s26 =	sadd.s32 $0x10000, s19;
	s6 =	sshrl.u32 s19, $0x3;
	s19 =	simm.s32 $0x1CA00  }
0x17: {  	s12 =	simm.s32 $0x1CF00;
	s13 =	simm.s32 $0x1CF80;
	[dreg:$0xe] =	wrdreg s19  }
0x18: {  	s24 =	simm.s32 $0x1CC00;
	s1 =	sadd.s32 $0x68E00, s1;
	[dreg:$0x1a] =	wrdreg s6  }
0x19: {  	s25 =	simm.s32 $0x1C500;
	s20 =	sadd.s32 $0x4600, s5;
	[dreg:$0x18] =	wrdreg s1  }
0x1a: {  	s8 =	simm.s32 $0x1CE80;
	s22 =	sadd.s32 $0x5EE00, s5;
	[dreg:$0x4] =	wrdreg s20  }
0x1b: {  	s15 =	simm.s32 $0x1C000;
	s14 =	sshrl.u32 s23, $0x3;
	[dreg:$0x5] =	wrdreg s22  }
0x1c: {  	s17 =	simm.s32 $0x80;
	s16 =	sshrl.u32 s7, $0x3;
	[dreg:$0x1c] =	wrdreg s14  }
0x1d: {  	s0 =	simm.s32 $0x1CE00;
	s18 =	sshrl.u32 s26, $0x3;
	[dreg:$0x1d] =	wrdreg s16  }
0x1e: {  	s23 =	simm.s32 $0x1CB00;
	s19 =	simm.s32 $0x18000;
	[dreg:$0x1e] =	wrdreg s18  }
0x1f: {  	s26 =	simm.s32 $0x1C480;
	s7 =	simm.s32 $0x1C700;
	[dreg:$0x12] =	wrdreg s23  }
0x20: {  	s1 =	sshrl.u32 s21, $0x3;
	s20 =	simm.s32 $0x1C300;
	[dreg:$0x15] =	wrdreg s26  }
0x21: {  	s16 =	simm.s32 $0x1C800;
	s21 =	simm.s32 $0x1CA80;
	[dreg:$0x1b] =	wrdreg s1  }
0x22: {  	s22 =	simm.s32 $0x1C380;
	s18 =	simm.s32 $0x14000;
	[dreg:$0xf] =	wrdreg s20  }
0x23: {  	s23 =	simm.s32 $0x4;
	s26 =	simm.s32 $0x1CC80;
	[dreg:$0x10] =	wrdreg s21  }
0x24: {  	s14 =	simm.s32 $0x0;
	[dreg:$0x11] =	wrdreg s22;
	s20 =	simm.s32 $0x1  }
0x25: {  	s21 =	simm.s32 $0x3;
	s22 =	simm.s32 $0x2;
	s1 =	simm.s32 $0x1C680  }
.LBB2_1:
0x26: {  	[dreg:$0x1f] =	wrdreg s14  }
0x27: {  	s5 =	rddreg [dreg:$0x16]  }
0x28: {  	[spmem:s6], [sflag:s9] =	dma.local [hbm:s5], $0x800  }
0x29: {  	_ =	swait.ge [sflag:s10], $0x800  }
0x2a: {  	[sflag:s10] =	ssyncset.done $0x0  }
0x2b: {  	s14 =	rddreg [dreg:$0x1b];
	[sflag:s10] =	ssyncadd.s32 $0xFFFFF800  }
0x2c: {  	[spmem:s14], [sflag:s9] =	dma.local [hbm:s5], $0x800  }
0x2d: {  	_ =	swait.ge [sflag:s10], $0x800  }
0x2e: {  	[sflag:s10] =	ssyncset.done $0x0  }
0x2f: {  	s14 =	rddreg [dreg:$0x1c];
	[sflag:s10] =	ssyncadd.s32 $0xFFFFF800  }
0x30: {  	[spmem:s14], [sflag:s9] =	dma.local [hbm:s5], $0x800  }
0x31: {  	_ =	swait.ge [sflag:s10], $0x800  }
0x32: {  	[sflag:s10] =	ssyncset.done $0x0  }
0x33: {  	s14 =	rddreg [dreg:$0x1d];
	[sflag:s10] =	ssyncadd.s32 $0xFFFFF800  }
0x34: {  	[spmem:s14], [sflag:s9] =	dma.local [hbm:s5], $0x800  }
0x35: {  	_ =	swait.ge [sflag:s10], $0x800  }
0x36: {  	[sflag:s10] =	ssyncset.done $0x0  }
0x37: {  	s14 =	rddreg [dreg:$0x1e];
	[sflag:s10] =	ssyncadd.s32 $0xFFFFF800  }
0x38: {  	[spmem:s14], [sflag:s9] =	dma.local [hbm:s5], $0x800  }
0x39: {  	_ =	swait.ge [sflag:s10], $0x800  }
0x3a: {  	[sflag:s10] =	ssyncset.done $0x0  }
0x3b: {  	[sflag:s10] =	ssyncadd.s32 $0xFFFFF800  }
0x3c: {  	[bflag:$0x0] =	sbarrier.arrive $0xFFFF  }
0x3d: {  	s6 =	rddreg [dreg:$0x5]  }
0x3e: {  	s5 =	sadd.s32 $0x0, s6  }
0x3f: {  	[tilespmem:s15], [sflag:$0x5] =	stream.linear.gather [hbm4b:s5+s4], $0x800, $0x38;
	[tilespmem:$0x1D000] =	vst v63  }
0x40: {  	_ =	swait.ge [sflag:s10], $0x800  }
0x41: {  	s9 =	rddreg [dreg:$0x4];
	[sflag:s10] =	ssyncset.done $0x0  }
0x42: {  	[sflag:s10] =	ssyncadd.s32 $0xFFFFF800;
	s5 =	sadd.s32 $0x0, s9  }
0x43: {  	[tilespmem:s16], [sflag:$0x5] =	stream.linear.gather [hbm4b:s5+s4], $0x800, $0x38;
	[tilespmem:$0x1D000] =	vst v63  }
0x44: {  	_ =	swait.ge [sflag:s10], $0x800  }
0x45: {  	[sflag:s10] =	ssyncset.done $0x0  }
0x46: {  	[sflag:s10] =	ssyncadd.s32 $0xFFFFF800  }
0x47: {  	[tilespmem:s18], [sflag:$0x1] =	stream.indirect.gather [hbm4b:s2+s17], $0x80, s15, s17, $0xb8;
	[tilespmem:$0x1D000] =	vst v63  }
0x48: {  	s14 =	rddreg [dreg:$0x6]  }
0x49: {  	[tilespmem:s19], [sflag:$0x2] =	stream.indirect.gather [hbm4b:s2+s17], $0x80, s14, s17, $0xb8;
	[tilespmem:$0x1D000] =	vst v63  }
0x4a: {  	_ =	swait.ge [sflag:s20], $0x4000  }
0x4b: {  	[sflag:s20] =	ssyncset.done $0x0  }
0x4c: {  	[sflag:s20] =	ssyncadd.s32 $0xFFFFC000  }
0x4d: {  	[spmem:s3] =	stream.indirect.scatter.add.f32 [tilespmem:s18], [sflag:$0x3], $0x80, s16, s17, $0xb8;
	[tilespmem:$0x1D000] =	vst v63  }
0x4e: {  	_ =	swait.ge [sflag:s21], $0x4000  }
0x4f: {  	[sflag:s21] =	ssyncset.done $0x0  }
0x50: {  	s6 =	rddreg [dreg:$0x7];
	[sflag:s21] =	ssyncadd.s32 $0xFFFFC000  }
0x51: {  	[tilespmem:s18], [sflag:$0x1] =	stream.indirect.gather [hbm4b:s2+s17], $0x80, s6, s17, $0xb8;
	[tilespmem:$0x1D000] =	vst v63  }
0x52: {  	_ =	swait.ge [sflag:s22], $0x4000  }
0x53: {  	[sflag:s22] =	ssyncset.done $0x0  }
0x54: {  	s9 =	rddreg [dreg:$0x8];
	[sflag:s22] =	ssyncadd.s32 $0xFFFFC000  }
0x55: {  	[spmem:s3] =	stream.indirect.scatter.add.f32 [tilespmem:s19], [sflag:$0x4], $0x80, s9, s17, $0xb8;
	[tilespmem:$0x1D000] =	vst v63  }
0x56: {  	_ =	swait.ge [sflag:s23], $0x4000  }
0x57: {  	[sflag:s23] =	ssyncset.done $0x0  }
0x58: {  	s14 =	rddreg [dreg:$0x9];
	[sflag:s23] =	ssyncadd.s32 $0xFFFFC000  }
0x59: {  	[tilespmem:s19], [sflag:$0x2] =	stream.indirect.gather [hbm4b:s2+s17], $0x80, s14, s17, $0xb8;
	[tilespmem:$0x1D000] =	vst v63  }
0x5a: {  	_ =	swait.ge [sflag:s20], $0x4000  }
0x5b: {  	[sflag:s20] =	ssyncset.done $0x0  }
0x5c: {  	s6 =	rddreg [dreg:$0xa];
	[sflag:s20] =	ssyncadd.s32 $0xFFFFC000  }
0x5d: {  	[spmem:s3] =	stream.indirect.scatter.add.f32 [tilespmem:s18], [sflag:$0x3], $0x80, s6, s17, $0xb8;
	[tilespmem:$0x1D000] =	vst v63  }
0x5e: {  	_ =	swait.ge [sflag:s21], $0x4000  }
0x5f: {  	[sflag:s21] =	ssyncset.done $0x0  }
0x60: {  	s9 =	rddreg [dreg:$0xb];
	[sflag:s21] =	ssyncadd.s32 $0xFFFFC000  }
0x61: {  	[tilespmem:s18], [sflag:$0x1] =	stream.indirect.gather [hbm4b:s2+s17], $0x80, s9, s17, $0xb8;
	[tilespmem:$0x1D000] =	vst v63  }
0x62: {  	_ =	swait.ge [sflag:s22], $0x4000  }
0x63: {  	[sflag:s22] =	ssyncset.done $0x0  }
0x64: {  	s14 =	rddreg [dreg:$0xc];
	[sflag:s22] =	ssyncadd.s32 $0xFFFFC000  }
0x65: {  	[spmem:s3] =	stream.indirect.scatter.add.f32 [tilespmem:s19], [sflag:$0x4], $0x80, s14, s17, $0xb8;
	[tilespmem:$0x1D000] =	vst v63  }
0x66: {  	_ =	swait.ge [sflag:s23], $0x4000  }
0x67: {  	[sflag:s23] =	ssyncset.done $0x0  }
0x68: {  	s6 =	rddreg [dreg:$0xd];
	[sflag:s23] =	ssyncadd.s32 $0xFFFFC000  }
0x69: {  	[tilespmem:s19], [sflag:$0x2] =	stream.indirect.gather [hbm4b:s2+s17], $0x80, s6, s17, $0xb8;
	[tilespmem:$0x1D000] =	vst v63  }
0x6a: {  	_ =	swait.ge [sflag:s20], $0x4000  }
0x6b: {  	[sflag:s20] =	ssyncset.done $0x0  }
0x6c: {  	s9 =	rddreg [dreg:$0xe];
	[sflag:s20] =	ssyncadd.s32 $0xFFFFC000  }
0x6d: {  	[spmem:s3] =	stream.indirect.scatter.add.f32 [tilespmem:s18], [sflag:$0x3], $0x80, s9, s17, $0xb8;
	[tilespmem:$0x1D000] =	vst v63  }
0x6e: {  	_ =	swait.ge [sflag:s21], $0x4000  }
0x6f: {  	[sflag:s21] =	ssyncset.done $0x0  }
0x70: {  	s14 =	rddreg [dreg:$0xf];
	[sflag:s21] =	ssyncadd.s32 $0xFFFFC000  }
0x71: {  	[tilespmem:s18], [sflag:$0x1] =	stream.indirect.gather [hbm4b:s2+s17], $0x80, s14, s17, $0xb8;
	[tilespmem:$0x1D000] =	vst v63  }
0x72: {  	_ =	swait.ge [sflag:s22], $0x4000  }
0x73: {  	[sflag:s22] =	ssyncset.done $0x0  }
0x74: {  	s6 =	rddreg [dreg:$0x10];
	[sflag:s22] =	ssyncadd.s32 $0xFFFFC000  }
0x75: {  	[spmem:s3] =	stream.indirect.scatter.add.f32 [tilespmem:s19], [sflag:$0x4], $0x80, s6, s17, $0xb8;
	[tilespmem:$0x1D000] =	vst v63  }
0x76: {  	_ =	swait.ge [sflag:s23], $0x4000  }
0x77: {  	[sflag:s23] =	ssyncset.done $0x0  }
0x78: {  	s9 =	rddreg [dreg:$0x11];
	[sflag:s23] =	ssyncadd.s32 $0xFFFFC000  }
0x79: {  	[tilespmem:s19], [sflag:$0x2] =	stream.indirect.gather [hbm4b:s2+s17], $0x80, s9, s17, $0xb8;
	[tilespmem:$0x1D000] =	vst v63  }
0x7a: {  	_ =	swait.ge [sflag:s20], $0x4000  }
0x7b: {  	[sflag:s20] =	ssyncset.done $0x0  }
0x7c: {  	s14 =	rddreg [dreg:$0x12];
	[sflag:s20] =	ssyncadd.s32 $0xFFFFC000  }
0x7d: {  	[spmem:s3] =	stream.indirect.scatter.add.f32 [tilespmem:s18], [sflag:$0x3], $0x80, s14, s17, $0xb8;
	[tilespmem:$0x1D000] =	vst v63  }
0x7e: {  	_ =	swait.ge [sflag:s21], $0x4000  }
0x7f: {  	[sflag:s21] =	ssyncset.done $0x0  }
0x80: {  	s6 =	rddreg [dreg:$0x13];
	[sflag:s21] =	ssyncadd.s32 $0xFFFFC000  }
0x81: {  	[tilespmem:s18], [sflag:$0x1] =	stream.indirect.gather [hbm4b:s2+s17], $0x80, s6, s17, $0xb8;
	[tilespmem:$0x1D000] =	vst v63  }
0x82: {  	_ =	swait.ge [sflag:s22], $0x4000  }
0x83: {  	[sflag:s22] =	ssyncset.done $0x0  }
0x84: {  	s9 =	rddreg [dreg:$0x14];
	[sflag:s22] =	ssyncadd.s32 $0xFFFFC000  }
0x85: {  	[spmem:s3] =	stream.indirect.scatter.add.f32 [tilespmem:s19], [sflag:$0x4], $0x80, s9, s17, $0xb8;
	[tilespmem:$0x1D000] =	vst v63  }
0x86: {  	_ =	swait.ge [sflag:s23], $0x4000  }
0x87: {  	[sflag:s23] =	ssyncset.done $0x0  }
0x88: {  	s14 =	rddreg [dreg:$0x15];
	[sflag:s23] =	ssyncadd.s32 $0xFFFFC000  }
0x89: {  	[tilespmem:s19], [sflag:$0x2] =	stream.indirect.gather [hbm4b:s2+s17], $0x80, s14, s17, $0xb8;
	[tilespmem:$0x1D000] =	vst v63  }
0x8a: {  	_ =	swait.ge [sflag:s20], $0x4000  }
0x8b: {  	[sflag:s20] =	ssyncset.done $0x0  }
0x8c: {  	[sflag:s20] =	ssyncadd.s32 $0xFFFFC000  }
0x8d: {  	[spmem:s3] =	stream.indirect.scatter.add.f32 [tilespmem:s18], [sflag:$0x3], $0x80, s24, s17, $0xb8;
	[tilespmem:$0x1D000] =	vst v63  }
0x8e: {  	_ =	swait.ge [sflag:s21], $0x4000  }
0x8f: {  	[sflag:s21] =	ssyncset.done $0x0  }
0x90: {  	[sflag:s21] =	ssyncadd.s32 $0xFFFFC000  }
0x91: {  	[tilespmem:s18], [sflag:$0x1] =	stream.indirect.gather [hbm4b:s2+s17], $0x80, s25, s17, $0xb8;
	[tilespmem:$0x1D000] =	vst v63  }
0x92: {  	_ =	swait.ge [sflag:s22], $0x4000  }
0x93: {  	[sflag:s22] =	ssyncset.done $0x0  }
0x94: {  	[sflag:s22] =	ssyncadd.s32 $0xFFFFC000  }
0x95: {  	[spmem:s3] =	stream.indirect.scatter.add.f32 [tilespmem:s19], [sflag:$0x4], $0x80, s26, s17, $0xb8;
	[tilespmem:$0x1D000] =	vst v63  }
0x96: {  	_ =	swait.ge [sflag:s23], $0x4000  }
0x97: {  	[sflag:s23] =	ssyncset.done $0x0  }
0x98: {  	[sflag:s23] =	ssyncadd.s32 $0xFFFFC000  }
0x99: {  	[tilespmem:s19], [sflag:$0x2] =	stream.indirect.gather [hbm4b:s2+s17], $0x80, s28, s17, $0xb8;
	[tilespmem:$0x1D000] =	vst v63  }
0x9a: {  	_ =	swait.ge [sflag:s20], $0x4000  }
0x9b: {  	[sflag:s20] =	ssyncset.done $0x0  }
0x9c: {  	[sflag:s20] =	ssyncadd.s32 $0xFFFFC000  }
0x9d: {  	[spmem:s3] =	stream.indirect.scatter.add.f32 [tilespmem:s18], [sflag:$0x3], $0x80, s29, s17, $0xb8;
	[tilespmem:$0x1D000] =	vst v63  }
0x9e: {  	_ =	swait.ge [sflag:s21], $0x4000  }
0x9f: {  	[sflag:s21] =	ssyncset.done $0x0  }
0xa0: {  	[sflag:s21] =	ssyncadd.s32 $0xFFFFC000  }
0xa1: {  	[tilespmem:s18], [sflag:$0x1] =	stream.indirect.gather [hbm4b:s2+s17], $0x80, s30, s17, $0xb8;
	[tilespmem:$0x1D000] =	vst v63  }
0xa2: {  	_ =	swait.ge [sflag:s22], $0x4000  }
0xa3: {  	[sflag:s22] =	ssyncset.done $0x0  }
0xa4: {  	[sflag:s22] =	ssyncadd.s32 $0xFFFFC000  }
0xa5: {  	[spmem:s3] =	stream.indirect.scatter.add.f32 [tilespmem:s19], [sflag:$0x4], $0x80, s31, s17, $0xb8;
	[tilespmem:$0x1D000] =	vst v63  }
0xa6: {  	_ =	swait.ge [sflag:s23], $0x4000  }
0xa7: {  	[sflag:s23] =	ssyncset.done $0x0  }
0xa8: {  	[sflag:s23] =	ssyncadd.s32 $0xFFFFC000  }
0xa9: {  	[tilespmem:s19], [sflag:$0x2] =	stream.indirect.gather [hbm4b:s2+s17], $0x80, s1, s17, $0xb8;
	[tilespmem:$0x1D000] =	vst v63  }
0xaa: {  	_ =	swait.ge [sflag:s20], $0x4000  }
0xab: {  	[sflag:s20] =	ssyncset.done $0x0  }
0xac: {  	[sflag:s20] =	ssyncadd.s32 $0xFFFFC000  }
0xad: {  	[spmem:s3] =	stream.indirect.scatter.add.f32 [tilespmem:s18], [sflag:$0x3], $0x80, s0, s17, $0xb8;
	[tilespmem:$0x1D000] =	vst v63  }
0xae: {  	_ =	swait.ge [sflag:s21], $0x4000  }
0xaf: {  	[sflag:s21] =	ssyncset.done $0x0  }
0xb0: {  	[sflag:s21] =	ssyncadd.s32 $0xFFFFC000  }
0xb1: {  	[tilespmem:s18], [sflag:$0x1] =	stream.indirect.gather [hbm4b:s2+s17], $0x80, s7, s17, $0xb8;
	[tilespmem:$0x1D000] =	vst v63  }
0xb2: {  	_ =	swait.ge [sflag:s22], $0x4000  }
0xb3: {  	[sflag:s22] =	ssyncset.done $0x0  }
0xb4: {  	[sflag:s22] =	ssyncadd.s32 $0xFFFFC000  }
0xb5: {  	[spmem:s3] =	stream.indirect.scatter.add.f32 [tilespmem:s19], [sflag:$0x4], $0x80, s8, s17, $0xb8;
	[tilespmem:$0x1D000] =	vst v63  }
0xb6: {  	_ =	swait.ge [sflag:s23], $0x4000  }
0xb7: {  	[sflag:s23] =	ssyncset.done $0x0  }
0xb8: {  	[sflag:s23] =	ssyncadd.s32 $0xFFFFC000  }
0xb9: {  	[tilespmem:s19], [sflag:$0x2] =	stream.indirect.gather [hbm4b:s2+s17], $0x80, s11, s17, $0xb8;
	[tilespmem:$0x1D000] =	vst v63  }
0xba: {  	_ =	swait.ge [sflag:s20], $0x4000  }
0xbb: {  	[sflag:s20] =	ssyncset.done $0x0  }
0xbc: {  	[sflag:s20] =	ssyncadd.s32 $0xFFFFC000  }
0xbd: {  	[spmem:s3] =	stream.indirect.scatter.add.f32 [tilespmem:s18], [sflag:$0x3], $0x80, s12, s17, $0xb8;
	[tilespmem:$0x1D000] =	vst v63  }
0xbe: {  	_ =	swait.ge [sflag:s22], $0x4000  }
0xbf: {  	[sflag:s22] =	ssyncset.done $0x0  }
0xc0: {  	[sflag:s22] =	ssyncadd.s32 $0xFFFFC000  }
0xc1: {  	[spmem:s3] =	stream.indirect.scatter.add.f32 [tilespmem:s19], [sflag:$0x4], $0x80, s13, s17, $0xb8;
	[tilespmem:$0x1D000] =	vst v63  }
0xc2: {  	_ =	swait.ge [sflag:s21], $0x4000  }
0xc3: {  	[sflag:s21] =	ssyncset.done $0x0  }
0xc4: {  	[sflag:s21] =	ssyncadd.s32 $0xFFFFC000  }
0xc5: {  	s5 =	simm.s32 $0x200;
	_ =	swait.ge [sflag:s23], $0x4000  }
0xc6: {  	s9 =	simm.s32 $0x100;
	s6 =	rddreg [dreg:$0x5];
	[sflag:s23] =	ssyncset.done $0x0  }
.LBB2_2:
0xc7: {  	[sflag:s23] =	ssyncadd.s32 $0xFFFFC000;
	s6 =	sadd.s32 s9, s6  }
0xc8: {  	[tilespmem:s15], [sflag:$0x5] =	stream.linear.gather [hbm4b:s6+s4], $0x800, $0x38;
	[tilespmem:$0x1D000] =	vst v63  }
0xc9: {  	_ =	swait.ge [sflag:s10], $0x800  }
0xca: {  	s6 =	rddreg [dreg:$0x4];
	[sflag:s10] =	ssyncset.done $0x0  }
0xcb: {  	[sflag:s10] =	ssyncadd.s32 $0xFFFFF800;
	s6 =	sadd.s32 s9, s6  }
0xcc: {  	[tilespmem:s16], [sflag:$0x5] =	stream.linear.gather [hbm4b:s6+s4], $0x800, $0x38;
	[tilespmem:$0x1D000] =	vst v63  }
0xcd: {  	_ =	swait.ge [sflag:s10], $0x800  }
0xce: {  	[sflag:s10] =	ssyncset.done $0x0  }
0xcf: {  	s14 =	smov.u32 s5;
	[sflag:s10] =	ssyncadd.s32 $0xFFFFF800  }
0xd0: {  	[tilespmem:s18], [sflag:$0x1] =	stream.indirect.gather [hbm4b:s2+s17], $0x80, s15, s17, $0xb8;
	[tilespmem:$0x1D000] =	vst v63  }
0xd1: {  	s9 =	smov.u32 s14;
	s14 =	rddreg [dreg:$0x6]  }
0xd2: {  	[tilespmem:s19], [sflag:$0x2] =	stream.indirect.gather [hbm4b:s2+s17], $0x80, s14, s17, $0xb8;
	[tilespmem:$0x1D000] =	vst v63  }
0xd3: {  	_ =	swait.ge [sflag:s20], $0x4000  }
0xd4: {  	[sflag:s20] =	ssyncset.done $0x0  }
0xd5: {  	[sflag:s20] =	ssyncadd.s32 $0xFFFFC000  }
0xd6: {  	[spmem:s3] =	stream.indirect.scatter.add.f32 [tilespmem:s18], [sflag:$0x3], $0x80, s16, s17, $0xb8;
	[tilespmem:$0x1D000] =	vst v63  }
0xd7: {  	_ =	swait.ge [sflag:s21], $0x4000  }
0xd8: {  	[sflag:s21] =	ssyncset.done $0x0  }
0xd9: {  	s14 =	rddreg [dreg:$0x7];
	[sflag:s21] =	ssyncadd.s32 $0xFFFFC000  }
0xda: {  	[tilespmem:s18], [sflag:$0x1] =	stream.indirect.gather [hbm4b:s2+s17], $0x80, s14, s17, $0xb8;
	[tilespmem:$0x1D000] =	vst v63  }
0xdb: {  	_ =	swait.ge [sflag:s22], $0x4000  }
0xdc: {  	[sflag:s22] =	ssyncset.done $0x0  }
0xdd: {  	s14 =	rddreg [dreg:$0x8];
	[sflag:s22] =	ssyncadd.s32 $0xFFFFC000  }
0xde: {  	[spmem:s3] =	stream.indirect.scatter.add.f32 [tilespmem:s19], [sflag:$0x4], $0x80, s14, s17, $0xb8;
	[tilespmem:$0x1D000] =	vst v63  }
0xdf: {  	_ =	swait.ge [sflag:s23], $0x4000  }
0xe0: {  	[sflag:s23] =	ssyncset.done $0x0  }
0xe1: {  	s14 =	rddreg [dreg:$0x9];
	[sflag:s23] =	ssyncadd.s32 $0xFFFFC000  }
0xe2: {  	[tilespmem:s19], [sflag:$0x2] =	stream.indirect.gather [hbm4b:s2+s17], $0x80, s14, s17, $0xb8;
	[tilespmem:$0x1D000] =	vst v63  }
0xe3: {  	_ =	swait.ge [sflag:s20], $0x4000  }
0xe4: {  	[sflag:s20] =	ssyncset.done $0x0  }
0xe5: {  	s14 =	rddreg [dreg:$0xa];
	[sflag:s20] =	ssyncadd.s32 $0xFFFFC000  }
0xe6: {  	[spmem:s3] =	stream.indirect.scatter.add.f32 [tilespmem:s18], [sflag:$0x3], $0x80, s14, s17, $0xb8;
	[tilespmem:$0x1D000] =	vst v63  }
0xe7: {  	_ =	swait.ge [sflag:s21], $0x4000  }
0xe8: {  	[sflag:s21] =	ssyncset.done $0x0  }
0xe9: {  	s14 =	rddreg [dreg:$0xb];
	[sflag:s21] =	ssyncadd.s32 $0xFFFFC000  }
0xea: {  	[tilespmem:s18], [sflag:$0x1] =	stream.indirect.gather [hbm4b:s2+s17], $0x80, s14, s17, $0xb8;
	[tilespmem:$0x1D000] =	vst v63  }
0xeb: {  	_ =	swait.ge [sflag:s22], $0x4000  }
0xec: {  	[sflag:s22] =	ssyncset.done $0x0  }
0xed: {  	s14 =	rddreg [dreg:$0xc];
	[sflag:s22] =	ssyncadd.s32 $0xFFFFC000  }
0xee: {  	[spmem:s3] =	stream.indirect.scatter.add.f32 [tilespmem:s19], [sflag:$0x4], $0x80, s14, s17, $0xb8;
	[tilespmem:$0x1D000] =	vst v63  }
0xef: {  	_ =	swait.ge [sflag:s23], $0x4000  }
0xf0: {  	[sflag:s23] =	ssyncset.done $0x0  }
0xf1: {  	s14 =	rddreg [dreg:$0xd];
	[sflag:s23] =	ssyncadd.s32 $0xFFFFC000  }
0xf2: {  	[tilespmem:s19], [sflag:$0x2] =	stream.indirect.gather [hbm4b:s2+s17], $0x80, s14, s17, $0xb8;
	[tilespmem:$0x1D000] =	vst v63  }
0xf3: {  	_ =	swait.ge [sflag:s20], $0x4000  }
0xf4: {  	[sflag:s20] =	ssyncset.done $0x0  }
0xf5: {  	s14 =	rddreg [dreg:$0xe];
	[sflag:s20] =	ssyncadd.s32 $0xFFFFC000  }
0xf6: {  	[spmem:s3] =	stream.indirect.scatter.add.f32 [tilespmem:s18], [sflag:$0x3], $0x80, s14, s17, $0xb8;
	[tilespmem:$0x1D000] =	vst v63  }
0xf7: {  	_ =	swait.ge [sflag:s21], $0x4000  }
0xf8: {  	[sflag:s21] =	ssyncset.done $0x0  }
0xf9: {  	s14 =	rddreg [dreg:$0xf];
	[sflag:s21] =	ssyncadd.s32 $0xFFFFC000  }
0xfa: {  	[tilespmem:s18], [sflag:$0x1] =	stream.indirect.gather [hbm4b:s2+s17], $0x80, s14, s17, $0xb8;
	[tilespmem:$0x1D000] =	vst v63  }
0xfb: {  	_ =	swait.ge [sflag:s22], $0x4000  }
0xfc: {  	[sflag:s22] =	ssyncset.done $0x0  }
0xfd: {  	s14 =	rddreg [dreg:$0x10];
	[sflag:s22] =	ssyncadd.s32 $0xFFFFC000  }
0xfe: {  	[spmem:s3] =	stream.indirect.scatter.add.f32 [tilespmem:s19], [sflag:$0x4], $0x80, s14, s17, $0xb8;
	[tilespmem:$0x1D000] =	vst v63  }
0xff: {  	_ =	swait.ge [sflag:s23], $0x4000  }
0x100: {  	[sflag:s23] =	ssyncset.done $0x0  }
0x101: {  	s14 =	rddreg [dreg:$0x11];
	[sflag:s23] =	ssyncadd.s32 $0xFFFFC000  }
0x102: {  	[tilespmem:s19], [sflag:$0x2] =	stream.indirect.gather [hbm4b:s2+s17], $0x80, s14, s17, $0xb8;
	[tilespmem:$0x1D000] =	vst v63  }
0x103: {  	_ =	swait.ge [sflag:s20], $0x4000  }
0x104: {  	[sflag:s20] =	ssyncset.done $0x0  }
0x105: {  	s14 =	rddreg [dreg:$0x12];
	[sflag:s20] =	ssyncadd.s32 $0xFFFFC000  }
0x106: {  	[spmem:s3] =	stream.indirect.scatter.add.f32 [tilespmem:s18], [sflag:$0x3], $0x80, s14, s17, $0xb8;
	[tilespmem:$0x1D000] =	vst v63  }
0x107: {  	_ =	swait.ge [sflag:s21], $0x4000  }
0x108: {  	[sflag:s21] =	ssyncset.done $0x0  }
0x109: {  	s14 =	rddreg [dreg:$0x13];
	[sflag:s21] =	ssyncadd.s32 $0xFFFFC000  }
0x10a: {  	[tilespmem:s18], [sflag:$0x1] =	stream.indirect.gather [hbm4b:s2+s17], $0x80, s14, s17, $0xb8;
	[tilespmem:$0x1D000] =	vst v63  }
0x10b: {  	_ =	swait.ge [sflag:s22], $0x4000  }
0x10c: {  	[sflag:s22] =	ssyncset.done $0x0  }
0x10d: {  	s14 =	rddreg [dreg:$0x14];
	[sflag:s22] =	ssyncadd.s32 $0xFFFFC000  }
0x10e: {  	[spmem:s3] =	stream.indirect.scatter.add.f32 [tilespmem:s19], [sflag:$0x4], $0x80, s14, s17, $0xb8;
	[tilespmem:$0x1D000] =	vst v63  }
0x10f: {  	_ =	swait.ge [sflag:s23], $0x4000  }
0x110: {  	[sflag:s23] =	ssyncset.done $0x0  }
0x111: {  	s14 =	rddreg [dreg:$0x15];
	[sflag:s23] =	ssyncadd.s32 $0xFFFFC000  }
0x112: {  	[tilespmem:s19], [sflag:$0x2] =	stream.indirect.gather [hbm4b:s2+s17], $0x80, s14, s17, $0xb8;
	[tilespmem:$0x1D000] =	vst v63  }
0x113: {  	_ =	swait.ge [sflag:s20], $0x4000  }
0x114: {  	[sflag:s20] =	ssyncset.done $0x0  }
0x115: {  	[sflag:s20] =	ssyncadd.s32 $0xFFFFC000  }
0x116: {  	[spmem:s3] =	stream.indirect.scatter.add.f32 [tilespmem:s18], [sflag:$0x3], $0x80, s24, s17, $0xb8;
	[tilespmem:$0x1D000] =	vst v63  }
0x117: {  	_ =	swait.ge [sflag:s21], $0x4000  }
0x118: {  	[sflag:s21] =	ssyncset.done $0x0  }
0x119: {  	[sflag:s21] =	ssyncadd.s32 $0xFFFFC000  }
0x11a: {  	[tilespmem:s18], [sflag:$0x1] =	stream.indirect.gather [hbm4b:s2+s17], $0x80, s25, s17, $0xb8;
	[tilespmem:$0x1D000] =	vst v63  }
0x11b: {  	_ =	swait.ge [sflag:s22], $0x4000  }
0x11c: {  	[sflag:s22] =	ssyncset.done $0x0  }
0x11d: {  	[sflag:s22] =	ssyncadd.s32 $0xFFFFC000  }
0x11e: {  	[spmem:s3] =	stream.indirect.scatter.add.f32 [tilespmem:s19], [sflag:$0x4], $0x80, s26, s17, $0xb8;
	[tilespmem:$0x1D000] =	vst v63  }
0x11f: {  	_ =	swait.ge [sflag:s23], $0x4000  }
0x120: {  	[sflag:s23] =	ssyncset.done $0x0  }
0x121: {  	[sflag:s23] =	ssyncadd.s32 $0xFFFFC000  }
0x122: {  	[tilespmem:s19], [sflag:$0x2] =	stream.indirect.gather [hbm4b:s2+s17], $0x80, s28, s17, $0xb8;
	[tilespmem:$0x1D000] =	vst v63  }
0x123: {  	_ =	swait.ge [sflag:s20], $0x4000  }
0x124: {  	[sflag:s20] =	ssyncset.done $0x0  }
0x125: {  	[sflag:s20] =	ssyncadd.s32 $0xFFFFC000  }
0x126: {  	[spmem:s3] =	stream.indirect.scatter.add.f32 [tilespmem:s18], [sflag:$0x3], $0x80, s29, s17, $0xb8;
	[tilespmem:$0x1D000] =	vst v63  }
0x127: {  	_ =	swait.ge [sflag:s21], $0x4000  }
0x128: {  	[sflag:s21] =	ssyncset.done $0x0  }
0x129: {  	[sflag:s21] =	ssyncadd.s32 $0xFFFFC000  }
0x12a: {  	[tilespmem:s18], [sflag:$0x1] =	stream.indirect.gather [hbm4b:s2+s17], $0x80, s30, s17, $0xb8;
	[tilespmem:$0x1D000] =	vst v63  }
0x12b: {  	_ =	swait.ge [sflag:s22], $0x4000  }
0x12c: {  	[sflag:s22] =	ssyncset.done $0x0  }
0x12d: {  	[sflag:s22] =	ssyncadd.s32 $0xFFFFC000  }
0x12e: {  	[spmem:s3] =	stream.indirect.scatter.add.f32 [tilespmem:s19], [sflag:$0x4], $0x80, s31, s17, $0xb8;
	[tilespmem:$0x1D000] =	vst v63  }
0x12f: {  	_ =	swait.ge [sflag:s23], $0x4000  }
0x130: {  	[sflag:s23] =	ssyncset.done $0x0  }
0x131: {  	[sflag:s23] =	ssyncadd.s32 $0xFFFFC000  }
0x132: {  	[tilespmem:s19], [sflag:$0x2] =	stream.indirect.gather [hbm4b:s2+s17], $0x80, s1, s17, $0xb8;
	[tilespmem:$0x1D000] =	vst v63  }
0x133: {  	_ =	swait.ge [sflag:s20], $0x4000  }
0x134: {  	[sflag:s20] =	ssyncset.done $0x0  }
0x135: {  	[sflag:s20] =	ssyncadd.s32 $0xFFFFC000  }
0x136: {  	[spmem:s3] =	stream.indirect.scatter.add.f32 [tilespmem:s18], [sflag:$0x3], $0x80, s0, s17, $0xb8;
	[tilespmem:$0x1D000] =	vst v63  }
0x137: {  	_ =	swait.ge [sflag:s21], $0x4000  }
0x138: {  	[sflag:s21] =	ssyncset.done $0x0  }
0x139: {  	[sflag:s21] =	ssyncadd.s32 $0xFFFFC000  }
0x13a: {  	[tilespmem:s18], [sflag:$0x1] =	stream.indirect.gather [hbm4b:s2+s17], $0x80, s7, s17, $0xb8;
	[tilespmem:$0x1D000] =	vst v63  }
0x13b: {  	_ =	swait.ge [sflag:s22], $0x4000  }
0x13c: {  	[sflag:s22] =	ssyncset.done $0x0  }
0x13d: {  	[sflag:s22] =	ssyncadd.s32 $0xFFFFC000  }
0x13e: {  	[spmem:s3] =	stream.indirect.scatter.add.f32 [tilespmem:s19], [sflag:$0x4], $0x80, s8, s17, $0xb8;
	[tilespmem:$0x1D000] =	vst v63  }
0x13f: {  	_ =	swait.ge [sflag:s23], $0x4000  }
0x140: {  	[sflag:s23] =	ssyncset.done $0x0  }
0x141: {  	[sflag:s23] =	ssyncadd.s32 $0xFFFFC000  }
0x142: {  	[tilespmem:s19], [sflag:$0x2] =	stream.indirect.gather [hbm4b:s2+s17], $0x80, s11, s17, $0xb8;
	[tilespmem:$0x1D000] =	vst v63  }
0x143: {  	_ =	swait.ge [sflag:s20], $0x4000  }
0x144: {  	[sflag:s20] =	ssyncset.done $0x0  }
0x145: {  	[sflag:s20] =	ssyncadd.s32 $0xFFFFC000  }
0x146: {  	[spmem:s3] =	stream.indirect.scatter.add.f32 [tilespmem:s18], [sflag:$0x3], $0x80, s12, s17, $0xb8;
	[tilespmem:$0x1D000] =	vst v63  }
0x147: {  	_ =	swait.ge [sflag:s22], $0x4000  }
0x148: {  	[sflag:s22] =	ssyncset.done $0x0  }
0x149: {  	p0 =	sne.s32 s5, $0x400;
	[sflag:s22] =	ssyncadd.s32 $0xFFFFC000  }
0x14a: {  	[spmem:s3] =	stream.indirect.scatter.add.f32 [tilespmem:s19], [sflag:$0x4], $0x80, s13, s17, $0xb8;
	[tilespmem:$0x1D000] =	vst v63  }
.Ltmp0:
0x14b: {  	_ =	swait.ge [sflag:s21], $0x4000;
	(pc) =	sbr.rel @p0 .LBB2_2-.Ltmp0, $4  }
0x14c: {  	[sflag:s21] =	ssyncset.done $0x0  }
0x14d: {  	[sflag:s21] =	ssyncadd.s32 $0xFFFFC000  }
0x14e: {  	_ =	swait.ge [sflag:s23], $0x4000  }
0x14f: {  	s5 =	sadd.s32 $0x100, s5;
	s6 =	rddreg [dreg:$0x5];
	[sflag:s23] =	ssyncset.done $0x0  }
0x150: {  	[sflag:s23] =	ssyncadd.s32 $0xFFFFC000;
	s5 =	sadd.s32 s9, s6  }
0x151: {  	[tilespmem:s15], [sflag:$0x5] =	stream.linear.gather [hbm4b:s5+s4], $0x800, $0x38;
	[tilespmem:$0x1D000] =	vst v63  }
0x152: {  	_ =	swait.ge [sflag:s10], $0x800  }
0x153: {  	s6 =	rddreg [dreg:$0x4];
	[sflag:s10] =	ssyncset.done $0x0  }
0x154: {  	s5 =	sadd.s32 s9, s6;
	[sflag:s10] =	ssyncadd.s32 $0xFFFFF800  }
0x155: {  	[tilespmem:s16], [sflag:$0x5] =	stream.linear.gather [hbm4b:s5+s4], $0x800, $0x38;
	[tilespmem:$0x1D000] =	vst v63  }
0x156: {  	_ =	swait.ge [sflag:s10], $0x800  }
0x157: {  	[sflag:s10] =	ssyncset.done $0x0  }
0x158: {  	[sflag:s10] =	ssyncadd.s32 $0xFFFFF800  }
0x159: {  	[tilespmem:s18], [sflag:$0x1] =	stream.indirect.gather [hbm4b:s2+s17], $0x80, s15, s17, $0xb8;
	[tilespmem:$0x1D000] =	vst v63  }
0x15a: {  	s9 =	rddreg [dreg:$0x6]  }
0x15b: {  	[tilespmem:s19], [sflag:$0x2] =	stream.indirect.gather [hbm4b:s2+s17], $0x80, s9, s17, $0xb8;
	[tilespmem:$0x1D000] =	vst v63  }
0x15c: {  	_ =	swait.ge [sflag:s20], $0x4000  }
0x15d: {  	[sflag:s20] =	ssyncset.done $0x0  }
0x15e: {  	[sflag:s20] =	ssyncadd.s32 $0xFFFFC000  }
0x15f: {  	[spmem:s3] =	stream.indirect.scatter.add.f32 [tilespmem:s18], [sflag:$0x3], $0x80, s16, s17, $0xb8;
	[tilespmem:$0x1D000] =	vst v63  }
0x160: {  	_ =	swait.ge [sflag:s21], $0x4000  }
0x161: {  	[sflag:s21] =	ssyncset.done $0x0  }
0x162: {  	s14 =	rddreg [dreg:$0x7];
	[sflag:s21] =	ssyncadd.s32 $0xFFFFC000  }
0x163: {  	[tilespmem:s18], [sflag:$0x1] =	stream.indirect.gather [hbm4b:s2+s17], $0x80, s14, s17, $0xb8;
	[tilespmem:$0x1D000] =	vst v63  }
0x164: {  	_ =	swait.ge [sflag:s22], $0x4000  }
0x165: {  	[sflag:s22] =	ssyncset.done $0x0  }
0x166: {  	s6 =	rddreg [dreg:$0x8];
	[sflag:s22] =	ssyncadd.s32 $0xFFFFC000  }
0x167: {  	[spmem:s3] =	stream.indirect.scatter.add.f32 [tilespmem:s19], [sflag:$0x4], $0x80, s6, s17, $0xb8;
	[tilespmem:$0x1D000] =	vst v63  }
0x168: {  	_ =	swait.ge [sflag:s23], $0x4000  }
0x169: {  	[sflag:s23] =	ssyncset.done $0x0  }
0x16a: {  	s9 =	rddreg [dreg:$0x9];
	[sflag:s23] =	ssyncadd.s32 $0xFFFFC000  }
0x16b: {  	[tilespmem:s19], [sflag:$0x2] =	stream.indirect.gather [hbm4b:s2+s17], $0x80, s9, s17, $0xb8;
	[tilespmem:$0x1D000] =	vst v63  }
0x16c: {  	_ =	swait.ge [sflag:s20], $0x4000  }
0x16d: {  	[sflag:s20] =	ssyncset.done $0x0  }
0x16e: {  	s14 =	rddreg [dreg:$0xa];
	[sflag:s20] =	ssyncadd.s32 $0xFFFFC000  }
0x16f: {  	[spmem:s3] =	stream.indirect.scatter.add.f32 [tilespmem:s18], [sflag:$0x3], $0x80, s14, s17, $0xb8;
	[tilespmem:$0x1D000] =	vst v63  }
0x170: {  	_ =	swait.ge [sflag:s21], $0x4000  }
0x171: {  	[sflag:s21] =	ssyncset.done $0x0  }
0x172: {  	s6 =	rddreg [dreg:$0xb];
	[sflag:s21] =	ssyncadd.s32 $0xFFFFC000  }
0x173: {  	[tilespmem:s18], [sflag:$0x1] =	stream.indirect.gather [hbm4b:s2+s17], $0x80, s6, s17, $0xb8;
	[tilespmem:$0x1D000] =	vst v63  }
0x174: {  	_ =	swait.ge [sflag:s22], $0x4000  }
0x175: {  	[sflag:s22] =	ssyncset.done $0x0  }
0x176: {  	s9 =	rddreg [dreg:$0xc];
	[sflag:s22] =	ssyncadd.s32 $0xFFFFC000  }
0x177: {  	[spmem:s3] =	stream.indirect.scatter.add.f32 [tilespmem:s19], [sflag:$0x4], $0x80, s9, s17, $0xb8;
	[tilespmem:$0x1D000] =	vst v63  }
0x178: {  	_ =	swait.ge [sflag:s23], $0x4000  }
0x179: {  	[sflag:s23] =	ssyncset.done $0x0  }
0x17a: {  	s14 =	rddreg [dreg:$0xd];
	[sflag:s23] =	ssyncadd.s32 $0xFFFFC000  }
0x17b: {  	[tilespmem:s19], [sflag:$0x2] =	stream.indirect.gather [hbm4b:s2+s17], $0x80, s14, s17, $0xb8;
	[tilespmem:$0x1D000] =	vst v63  }
0x17c: {  	_ =	swait.ge [sflag:s20], $0x4000  }
0x17d: {  	[sflag:s20] =	ssyncset.done $0x0  }
0x17e: {  	s6 =	rddreg [dreg:$0xe];
	[sflag:s20] =	ssyncadd.s32 $0xFFFFC000  }
0x17f: {  	[spmem:s3] =	stream.indirect.scatter.add.f32 [tilespmem:s18], [sflag:$0x3], $0x80, s6, s17, $0xb8;
	[tilespmem:$0x1D000] =	vst v63  }
0x180: {  	_ =	swait.ge [sflag:s21], $0x4000  }
0x181: {  	[sflag:s21] =	ssyncset.done $0x0  }
0x182: {  	s9 =	rddreg [dreg:$0xf];
	[sflag:s21] =	ssyncadd.s32 $0xFFFFC000  }
0x183: {  	[tilespmem:s18], [sflag:$0x1] =	stream.indirect.gather [hbm4b:s2+s17], $0x80, s9, s17, $0xb8;
	[tilespmem:$0x1D000] =	vst v63  }
0x184: {  	_ =	swait.ge [sflag:s22], $0x4000  }
0x185: {  	[sflag:s22] =	ssyncset.done $0x0  }
0x186: {  	s14 =	rddreg [dreg:$0x10];
	[sflag:s22] =	ssyncadd.s32 $0xFFFFC000  }
0x187: {  	[spmem:s3] =	stream.indirect.scatter.add.f32 [tilespmem:s19], [sflag:$0x4], $0x80, s14, s17, $0xb8;
	[tilespmem:$0x1D000] =	vst v63  }
0x188: {  	_ =	swait.ge [sflag:s23], $0x4000  }
0x189: {  	[sflag:s23] =	ssyncset.done $0x0  }
0x18a: {  	s6 =	rddreg [dreg:$0x11];
	[sflag:s23] =	ssyncadd.s32 $0xFFFFC000  }
0x18b: {  	[tilespmem:s19], [sflag:$0x2] =	stream.indirect.gather [hbm4b:s2+s17], $0x80, s6, s17, $0xb8;
	[tilespmem:$0x1D000] =	vst v63  }
0x18c: {  	_ =	swait.ge [sflag:s20], $0x4000  }
0x18d: {  	[sflag:s20] =	ssyncset.done $0x0  }
0x18e: {  	s9 =	rddreg [dreg:$0x12];
	[sflag:s20] =	ssyncadd.s32 $0xFFFFC000  }
0x18f: {  	[spmem:s3] =	stream.indirect.scatter.add.f32 [tilespmem:s18], [sflag:$0x3], $0x80, s9, s17, $0xb8;
	[tilespmem:$0x1D000] =	vst v63  }
0x190: {  	_ =	swait.ge [sflag:s21], $0x4000  }
0x191: {  	[sflag:s21] =	ssyncset.done $0x0  }
0x192: {  	s14 =	rddreg [dreg:$0x13];
	[sflag:s21] =	ssyncadd.s32 $0xFFFFC000  }
0x193: {  	[tilespmem:s18], [sflag:$0x1] =	stream.indirect.gather [hbm4b:s2+s17], $0x80, s14, s17, $0xb8;
	[tilespmem:$0x1D000] =	vst v63  }
0x194: {  	_ =	swait.ge [sflag:s22], $0x4000  }
0x195: {  	[sflag:s22] =	ssyncset.done $0x0  }
0x196: {  	s6 =	rddreg [dreg:$0x14];
	[sflag:s22] =	ssyncadd.s32 $0xFFFFC000  }
0x197: {  	[spmem:s3] =	stream.indirect.scatter.add.f32 [tilespmem:s19], [sflag:$0x4], $0x80, s6, s17, $0xb8;
	[tilespmem:$0x1D000] =	vst v63  }
0x198: {  	_ =	swait.ge [sflag:s23], $0x4000  }
0x199: {  	[sflag:s23] =	ssyncset.done $0x0  }
0x19a: {  	s9 =	rddreg [dreg:$0x15];
	[sflag:s23] =	ssyncadd.s32 $0xFFFFC000  }
0x19b: {  	[tilespmem:s19], [sflag:$0x2] =	stream.indirect.gather [hbm4b:s2+s17], $0x80, s9, s17, $0xb8;
	[tilespmem:$0x1D000] =	vst v63  }
0x19c: {  	_ =	swait.ge [sflag:s20], $0x4000  }
0x19d: {  	[sflag:s20] =	ssyncset.done $0x0  }
0x19e: {  	[sflag:s20] =	ssyncadd.s32 $0xFFFFC000  }
0x19f: {  	[spmem:s3] =	stream.indirect.scatter.add.f32 [tilespmem:s18], [sflag:$0x3], $0x80, s24, s17, $0xb8;
	[tilespmem:$0x1D000] =	vst v63  }
0x1a0: {  	_ =	swait.ge [sflag:s21], $0x4000  }
0x1a1: {  	[sflag:s21] =	ssyncset.done $0x0  }
0x1a2: {  	[sflag:s21] =	ssyncadd.s32 $0xFFFFC000  }
0x1a3: {  	[tilespmem:s18], [sflag:$0x1] =	stream.indirect.gather [hbm4b:s2+s17], $0x80, s25, s17, $0xb8;
	[tilespmem:$0x1D000] =	vst v63  }
0x1a4: {  	_ =	swait.ge [sflag:s22], $0x4000  }
0x1a5: {  	[sflag:s22] =	ssyncset.done $0x0  }
0x1a6: {  	[sflag:s22] =	ssyncadd.s32 $0xFFFFC000  }
0x1a7: {  	[spmem:s3] =	stream.indirect.scatter.add.f32 [tilespmem:s19], [sflag:$0x4], $0x80, s26, s17, $0xb8;
	[tilespmem:$0x1D000] =	vst v63  }
0x1a8: {  	_ =	swait.ge [sflag:s23], $0x4000  }
0x1a9: {  	[sflag:s23] =	ssyncset.done $0x0  }
0x1aa: {  	[sflag:s23] =	ssyncadd.s32 $0xFFFFC000  }
0x1ab: {  	[tilespmem:s19], [sflag:$0x2] =	stream.indirect.gather [hbm4b:s2+s17], $0x80, s28, s17, $0xb8;
	[tilespmem:$0x1D000] =	vst v63  }
0x1ac: {  	_ =	swait.ge [sflag:s20], $0x4000  }
0x1ad: {  	[sflag:s20] =	ssyncset.done $0x0  }
0x1ae: {  	[sflag:s20] =	ssyncadd.s32 $0xFFFFC000  }
0x1af: {  	[spmem:s3] =	stream.indirect.scatter.add.f32 [tilespmem:s18], [sflag:$0x3], $0x80, s29, s17, $0xb8;
	[tilespmem:$0x1D000] =	vst v63  }
0x1b0: {  	_ =	swait.ge [sflag:s21], $0x4000  }
0x1b1: {  	[sflag:s21] =	ssyncset.done $0x0  }
0x1b2: {  	[sflag:s21] =	ssyncadd.s32 $0xFFFFC000  }
0x1b3: {  	[tilespmem:s18], [sflag:$0x1] =	stream.indirect.gather [hbm4b:s2+s17], $0x80, s30, s17, $0xb8;
	[tilespmem:$0x1D000] =	vst v63  }
0x1b4: {  	_ =	swait.ge [sflag:s22], $0x4000  }
0x1b5: {  	[sflag:s22] =	ssyncset.done $0x0  }
0x1b6: {  	[sflag:s22] =	ssyncadd.s32 $0xFFFFC000  }
0x1b7: {  	[spmem:s3] =	stream.indirect.scatter.add.f32 [tilespmem:s19], [sflag:$0x4], $0x80, s31, s17, $0xb8;
	[tilespmem:$0x1D000] =	vst v63  }
0x1b8: {  	_ =	swait.ge [sflag:s23], $0x4000  }
0x1b9: {  	[sflag:s23] =	ssyncset.done $0x0  }
0x1ba: {  	[sflag:s23] =	ssyncadd.s32 $0xFFFFC000  }
0x1bb: {  	[tilespmem:s19], [sflag:$0x2] =	stream.indirect.gather [hbm4b:s2+s17], $0x80, s1, s17, $0xb8;
	[tilespmem:$0x1D000] =	vst v63  }
0x1bc: {  	_ =	swait.ge [sflag:s20], $0x4000  }
0x1bd: {  	[sflag:s20] =	ssyncset.done $0x0  }
0x1be: {  	[sflag:s20] =	ssyncadd.s32 $0xFFFFC000  }
0x1bf: {  	[spmem:s3] =	stream.indirect.scatter.add.f32 [tilespmem:s18], [sflag:$0x3], $0x80, s0, s17, $0xb8;
	[tilespmem:$0x1D000] =	vst v63  }
0x1c0: {  	_ =	swait.ge [sflag:s21], $0x4000  }
0x1c1: {  	[sflag:s21] =	ssyncset.done $0x0  }
0x1c2: {  	[sflag:s21] =	ssyncadd.s32 $0xFFFFC000  }
0x1c3: {  	[tilespmem:s18], [sflag:$0x1] =	stream.indirect.gather [hbm4b:s2+s17], $0x80, s7, s17, $0xb8;
	[tilespmem:$0x1D000] =	vst v63  }
0x1c4: {  	_ =	swait.ge [sflag:s22], $0x4000  }
0x1c5: {  	[sflag:s22] =	ssyncset.done $0x0  }
0x1c6: {  	[sflag:s22] =	ssyncadd.s32 $0xFFFFC000  }
0x1c7: {  	[spmem:s3] =	stream.indirect.scatter.add.f32 [tilespmem:s19], [sflag:$0x4], $0x80, s8, s17, $0xb8;
	[tilespmem:$0x1D000] =	vst v63  }
0x1c8: {  	_ =	swait.ge [sflag:s23], $0x4000  }
0x1c9: {  	[sflag:s23] =	ssyncset.done $0x0  }
0x1ca: {  	[sflag:s23] =	ssyncadd.s32 $0xFFFFC000  }
0x1cb: {  	[tilespmem:s19], [sflag:$0x2] =	stream.indirect.gather [hbm4b:s2+s17], $0x80, s11, s17, $0xb8;
	[tilespmem:$0x1D000] =	vst v63  }
0x1cc: {  	_ =	swait.ge [sflag:s20], $0x4000  }
0x1cd: {  	[sflag:s20] =	ssyncset.done $0x0  }
0x1ce: {  	[sflag:s20] =	ssyncadd.s32 $0xFFFFC000  }
0x1cf: {  	[spmem:s3] =	stream.indirect.scatter.add.f32 [tilespmem:s18], [sflag:$0x3], $0x80, s12, s17, $0xb8;
	[tilespmem:$0x1D000] =	vst v63  }
0x1d0: {  	_ =	swait.ge [sflag:s22], $0x4000  }
0x1d1: {  	[sflag:s22] =	ssyncset.done $0x0  }
0x1d2: {  	[sflag:s22] =	ssyncadd.s32 $0xFFFFC000  }
0x1d3: {  	[spmem:s3] =	stream.indirect.scatter.add.f32 [tilespmem:s19], [sflag:$0x4], $0x80, s13, s17, $0xb8;
	[tilespmem:$0x1D000] =	vst v63  }
0x1d4: {  	_ =	swait.ge [sflag:s21], $0x4000  }
0x1d5: {  	[sflag:s21] =	ssyncset.done $0x0  }
0x1d6: {  	[sflag:s21] =	ssyncadd.s32 $0xFFFFC000  }
0x1d7: {  	_ =	swait.ge [sflag:s23], $0x4000  }
0x1d8: {  	[sflag:s23] =	ssyncset.done $0x0  }
0x1d9: {  	[sflag:s23] =	ssyncadd.s32 $0xFFFFC000  }
0x1da: {  	[bflag:$0x0] =	sbarrier.arrive $0xFFFF  }
0x1db: {  	s9 =	rddreg [dreg:$0x17]  }
0x1dc: {  	s14 =	rddreg [dreg:$0x18]  }
0x1dd: {  	s6 =	rddreg [dreg:$0x1a]  }
0x1de: {  	[hbm:s14], [sflag:s9] =	dma.local [spmem:s6], $0x2800  }
0x1df: {  	_ =	swait.ge [sflag:s10], $0x2800  }
0x1e0: {  	s14 =	rddreg [dreg:$0x1f]  }
0x1e1: {  	s5 =	rddreg [dreg:$0x19];
	s14 =	sadd.s32 $0x1, s14  }
0x1e2: {  	p0 =	sne.s32 s14, s5  }
.Ltmp1:
0x1e3: {  	_ = 	snop;
	(pc) =	sbr.rel @p0 .LBB2_1-.Ltmp1, $3  }
0x1e4: {  	_ =	sdelay $0x1  }
0x1e5: {  	[sflag:s10] =	ssyncset.done $0x0  }
0x1e6: {  	[sflag:s10] =	ssyncadd.s32 $0xFFFFD800  }
0x1e7: {  	_ =	sfence.sel $0x180000  }
0x1e8: {  	[bflag:$0x0] =	sbarrier.arrive $0xFFFF  }
0x1e9: {  	_ =	strace $0x9000004D  }
0x1ea: {  	s0 =	stileid.u32;
	[bflag:$0x2] =	sbarrier.arrive $0xFFFF  }
0x1eb: {  	p0 =	sne.s32 s0, $0x0;
	s0 =	rddreg [dreg:$0x3]  }
0x1ec: {  	s0 =	sadd.s32 @!p0 $0x100000, s0  }
0x1ed: {  	[sflag:s0] =	ssyncadd.tile.s32 @!p0 $0x1;
	_ =	shalt  }
.Lfunc_end2:
_tile_overlayer_lowered:
.L_overlay_start_2:
0x1ee: {  	(tag) =	ssettag $0x2  }
0x1ef: {  	s0 =	rddreg [dreg:$0x0];
	s2 =	stileid.u32  }
0x1f0: {  	s1 =	rddreg [dreg:$0x1];
	p0 =	sne.s32 s2, $0x0  }
0x1f1: {  	s3 =	rddreg [dreg:$0x2];
	[bflag:$0x3] =	sbarrier.arrive $0xFFFF;
	s2 =	simm.s32 @!p0 $0x1C05  }
0x1f2: {  	[timem:s3], [sflag:s2] =	dma.local @!p0 [hbm:s0], s1  }
0x1f3: {  	s0 =	simm.s32 @!p0 $0x5  }
0x1f4: {  	_ =	swait.ge @!p0 [sflag:s0], s1  }
0x1f5: {  	s1 =	ssub.s32 @!p0 $0x0, s1;
	[sflag:s0] =	ssyncset.done @!p0 $0x0  }
0x1f6: {  	[sflag:s0] =	ssyncadd.s32 @!p0 s1  }
0x1f7: {  	[bflag:$0x3] =	sbarrier.arrive $0xFFFF  }
0x1f8: {  	_ =	shalt  }

// kernel: kernel.8.cloned.1.call-start
scs
__scs_entry_jumppad:
0x0: {  	(pc) =	sbr.rel $0x88, $3  }
0x1: {  	(tag) =	ssettag $0x0;
	lr =	simm.s32 $0x1  }
0x2: {  	[smem:$0x3F93] =	sst lr;
	_ =	strace $0xD0000000  }
0x3: {  	_ = 	snop  }
0x4: {  	_ = 	snop  }
0x5: {  	_ = 	snop  }
0x6: {  	_ = 	snop  }
0x7: {  	_ = 	snop  }
__scs_overlays_trampoline_lowered:
0x8: {  	[smem:$0x3FA2] =	sst s0  }
0x9: {  	[smem:$0x3FA3] =	sst s1  }
0xa: {  	[smem:$0x3FA4] =	sst s2  }
0xb: {  	[smem:$0x3FA5] =	sst s3  }
0xc: {  	[smem:$0x3FA6] =	sst s4  }
0xd: {  	[smem:$0x3FA7] =	sst s5  }
0xe: {  	[smem:$0x3FA8] =	sst s6  }
0xf: {  	[smem:$0x3FA9] =	sst s7  }
0x10: {  	[smem:$0x3FAA] =	sst s8  }
0x11: {  	[smem:$0x3FAB] =	sst s9;
	s0 =	simm.s32 @!p0 $0x0  }
0x12: {  	s1 =	sld [smem:$0x3F91];
	s0 =	simm.s32 @p0 $0x1  }
0x13: {  	[smem:$0x3FAC] =	sst s0;
	s0 =	simm.s32 @!p1 $0x0  }
0x14: {  	s2 =	sld [smem:$0x3F90];
	s0 =	simm.s32 @p1 $0x1  }
0x15: {  	[smem:$0x3FAD] =	sst s0;
	s0 =	simm.s32 @!p2 $0x0  }
0x16: {  	s3 =	sld [smem:$0x3FDB];
	s0 =	simm.s32 @p2 $0x1  }
0x17: {  	s4 =	simm.s32 $0x1BF5;
	[smem:$0x3FAF] =	sst s0  }
0x18: {  	s0 =	sld [smem:$0x3F92];
	_ =	swait.ge [sflag:s4], $0x0  }
0x19: {  	s7 =	sld [smem:$0x3F93]  }
0x1a: {  	s8 =	sadd.s32 $0xFFFFE003, lr  }
0x1b: {  	s9 =	sadd.s32 $0xFFFFFEF7, lr;
	s5 =	simm.s32 $0xFFFFFFFF;
	p2 =	slt.u32 s8, $0xFFFFF086  }
0x1c: {  	p1 =	slt.u32 s9, $0xF7A;
	s5 =	simm.s32 @!p2 $0x0  }
0x1d: {  	s5 =	simm.s32 @p1 $0x1;
	p0 =	seq.s32 s7, s2  }
0x1e: {  	s7 =	smul.u32 @!p0 $0xF7A, s2;
	p2 =	seq.s32 @!p0 s5, $0x0  }
0x1f: {  	s9 =	smul.u32 $0xF7A, s1;
	s8 =	simm.s32 @!p0 $0x1BF5;
	p2 =	por !p2, p0  }
0x20: {  	[sflag:s8] =	ssyncset.s32 @!p0 $0xFFFFF086;
	s6 =	sadd.s32 @!p0 s3, s7;
	s7 =	simm.s32 @!p0 $0x108  }
0x21: {  	s3 =	sadd.s32 s3, s9;
	s6 =	sadd.s32 @!p0 $0x88, s6;
	s7 =	simm.s32 @p2 $0x1082  }
0x22: {  	[simem:s7], [sflag:s8] =	dma.local @!p0 [hbm:s6], $0xF7A  }
0x23: {  	s9 =	sor.u32 $0xD0000000, s2;
	s6 =	simm.s32 $0x108;
	_ =	swait.ge @!p0 [sflag:s8], $0x0  }
0x24: {  	s3 =	sadd.s32 $0x88, s3;
	s6 =	simm.s32 @!p1 $0x1082;
	[sflag:s4] =	ssyncset.s32 $0xFFFFF086  }
0x25: {  	[simem:s6], [sflag:s4] =	dma.local [hbm:s3], $0xF7A  }
0x26: {  	[smem:$0x3F93] =	sst s1;
	(tag) =	ssettag s2;
	_ =	strace s9  }
0x27: {  	s1 =	sld [smem:$0x3FA3]  }
0x28: {  	s2 =	sld [smem:$0x3FA4]  }
0x29: {  	s4 =	sld [smem:$0x3FA6]  }
0x2a: {  	p0 =	seq.s32 s5, $0x0;
	s5 =	sld [smem:$0x3FA7]  }
0x2b: {  	s6 =	sld [smem:$0x3FA8]  }
0x2c: {  	s7 =	sld [smem:$0x3FA9]  }
0x2d: {  	s3 =	simm.s32 $0x108;
	s8 =	sld [smem:$0x3FAA]  }
0x2e: {  	s3 =	simm.s32 @!p0 $0x1082;
	s9 =	sld [smem:$0x3FAB]  }
0x2f: {  	lr =	sadd.s32 s0, s3;
	s0 =	sld [smem:$0x3FA2]  }
0x30: {  	s3 =	sld [smem:$0x3FA5]  }
0x31: {  	[smem:$0x3FAE] =	sst s10  }
0x32: {  	s10 =	sld [smem:$0x3FAC];
	_ =	sdelay $0x3  }
0x33: {  	p0 =	seq.s32 s10, $0x1;
	s10 =	sld [smem:$0x3FAE];
	_ =	sdelay $0x3  }
0x34: {  	[smem:$0x3FAE] =	sst s10  }
0x35: {  	s10 =	sld [smem:$0x3FAD];
	_ =	sdelay $0x3  }
0x36: {  	p1 =	seq.s32 s10, $0x1;
	s10 =	sld [smem:$0x3FAE];
	_ =	sdelay $0x3  }
0x37: {  	[smem:$0x3FAE] =	sst s10  }
0x38: {  	s10 =	sld [smem:$0x3FAF]  }
0x39: {  	_ = 	snop;
	(pc) =	sbr.ind lr, $3  }
0x3a: {  	_ = 	snop  }
0x3b: {  	_ = 	snop  }
0x3c: {  	p2 =	seq.s32 s10, $0x1;
	s10 =	sld [smem:$0x3FAE]  }
0x3d: {  	_ =	shalt  }
0x3e: {  	_ =	shalt  }
0x3f: {  	_ =	shalt  }
0x40: {  	_ =	shalt  }
0x41: {  	_ =	shalt  }
0x42: {  	_ =	shalt  }
0x43: {  	_ =	shalt  }
0x44: {  	_ =	shalt  }
0x45: {  	_ =	shalt  }
0x46: {  	_ =	shalt  }
0x47: {  	_ =	shalt  }
0x48: {  	_ =	shalt  }
0x49: {  	_ =	shalt  }
0x4a: {  	_ =	shalt  }
0x4b: {  	_ =	shalt  }
0x4c: {  	_ =	shalt  }
0x4d: {  	_ =	shalt  }
0x4e: {  	_ =	shalt  }
0x4f: {  	_ =	shalt  }
0x50: {  	_ =	shalt  }
0x51: {  	_ =	shalt  }
0x52: {  	_ =	shalt  }
0x53: {  	_ =	shalt  }
0x54: {  	_ =	shalt  }
0x55: {  	_ =	shalt  }
0x56: {  	_ =	shalt  }
0x57: {  	_ =	shalt  }
0x58: {  	_ =	shalt  }
0x59: {  	_ =	shalt  }
0x5a: {  	_ =	shalt  }
0x5b: {  	_ =	shalt  }
0x5c: {  	_ =	shalt  }
0x5d: {  	_ =	shalt  }
0x5e: {  	_ =	shalt  }
0x5f: {  	_ =	shalt  }
0x60: {  	_ =	shalt  }
0x61: {  	_ =	shalt  }
0x62: {  	_ =	shalt  }
0x63: {  	_ =	shalt  }
0x64: {  	_ =	shalt  }
0x65: {  	_ =	shalt  }
0x66: {  	_ =	shalt  }
0x67: {  	_ =	shalt  }
0x68: {  	_ =	shalt  }
0x69: {  	_ =	shalt  }
0x6a: {  	_ =	shalt  }
0x6b: {  	_ =	shalt  }
0x6c: {  	_ =	shalt  }
0x6d: {  	_ =	shalt  }
0x6e: {  	_ =	shalt  }
0x6f: {  	_ =	shalt  }
0x70: {  	_ =	shalt  }
0x71: {  	_ =	shalt  }
0x72: {  	_ =	shalt  }
0x73: {  	_ =	shalt  }
0x74: {  	_ =	shalt  }
0x75: {  	_ =	shalt  }
0x76: {  	_ =	shalt  }
0x77: {  	_ =	shalt  }
0x78: {  	_ =	shalt  }
0x79: {  	_ =	shalt  }
0x7a: {  	_ =	shalt  }
0x7b: {  	_ =	shalt  }
0x7c: {  	_ =	shalt  }
0x7d: {  	_ =	shalt  }
0x7e: {  	_ =	shalt  }
0x7f: {  	_ =	shalt  }
0x80: {  	_ =	shalt  }
0x81: {  	_ =	shalt  }
0x82: {  	_ =	shalt  }
0x83: {  	_ =	shalt  }
0x84: {  	_ =	shalt  }
0x85: {  	_ =	shalt  }
0x86: {  	_ =	shalt  }
0x87: {  	_ =	shalt  }
.Lfunc_end0:
.L_simem_size_0:
called_computation_lowered:
.L_overlay_start_0:
0x88: {  	s2 =	sld [smem:$0x3FD9]  }
0x89: {  	s3 =	sld [smem:$0x3FFE];
	_ =	sdelay $0x1  }
0x8a: {  	s1 =	srdreg.scid  }
0x8b: {  	s0 =	sand.u32 $0x1, s1  }
0x8c: {  	s17 =	sshll.u32 s0, $0xA;
	s2 =	sadd.s32 s3, s2  }
0x8d: {  	s2 =	sadd.s32 s2, s17  }
0x8e: {  	[smem:$0x3FBA] =	sst s2  }
0x8f: {  	_ = 	snop  }
0x90: {  	s2 =	sld [smem:$0x3FD0];
	(tm) =	ssettm $0x1  }
0x91: {  	s18 =	sld [smem:$0x3FFB];
	_ =	sdelay $0x3  }
0x92: {  	_ =	strace s18  }
0x93: {  	s3 =	sld [smem:$0x3FFC];
	_ =	sdelay $0x3  }
0x94: {  	_ =	strace s3  }
0x95: {  	s3 =	sld [smem:$0x3FFD];
	_ =	sdelay $0x3  }
0x96: {  	_ =	strace s3  }
0x97: {  	_ =	strace $0x8FFFFFFF  }
0x98: {  	s19 =	sld [smem:$0x3FDB];
	_ =	sdelay $0x1  }
0x99: {  	s4 =	simm.s32 $_scs_section_size  }
0x9a: {  	s5 =	simm.s32 $_size__tile_overlayer_lowered;
	s6 =	simm.s32 $_tile_overlayer_lowered  }
0x9b: {  	s22 =	simm.s32 $0x1BFF;
	s21 =	sshll.u32 s6, $0x1;
	s3 =	sadd.s32 s4, s19  }
0x9c: {  	s7 =	simm.s32 $0x0;
	s20 =	sshll.u32 s5, $0x1;
	s5 =	sadd.s32 s21, s3  }
0x9d: {  	[timem:s7], [sflag:s22] =	dma.local [hbm:s5], s20  }
0x9e: {  	_ =	swait.ge [sflag:s22], s20  }
0x9f: {  	s4 =	ssub.s32 $0x0, s20;
	[sflag:s22] =	ssyncset.done $0x0  }
0xa0: {  	[sflag:s22] =	ssyncadd.s32 s4;
	_ =	sdelay $0x1  }
0xa1: {  	s23 =	simm.s32 $0x1B8B  }
0xa2: {  	_ =	swait.ge [sflag:s23], $0x1  }
0xa3: {  	[sflag:s23] =	ssyncset.done $0x0  }
0xa4: {  	s25 =	simm.s32 $0x1B8E;
	s24 =	sld [smem:$0x3FFE];
	[sflag:s23] =	ssyncadd.s32 $0xFFFFFFFF  }
0xa5: {  	s26 =	simm.s32 $execute0_lowered;
	[smem:$0x3FD2] =	sst s25  }
0xa6: {  	s5 =	sshll.u32 s26, $0x1;
	_ =	strace $0x80000046;
	[dreg:$0x1] =	wrdreg $0xFFFFFFFF  }
0xa7: {  	s28 =	simm.s32 $_size_execute0_lowered;
	s3 =	sadd.s32 s3, s5;
	[dreg:$0x0] =	wrdreg $0x0  }
0xa8: {  	s5 =	sshll.u32 s28, $0x1;
	[dreg:$0x2] =	wrdreg s3  }
0xa9: {  	[dreg:$0x3] =	wrdreg s5  }
0xaa: {  	[dreg:$0x4] =	wrdreg $0xC0  }
0xab: {  	_ =	task [dreg:s7], $0x5FFFF  }
0xac: {  	[dreg:$0x1] =	wrdreg $0xFFFFFFFF  }
0xad: {  	[dreg:$0x0] =	wrdreg $0x60  }
0xae: {  	[dreg:$0x2] =	wrdreg s24  }
0xaf: {  	[dreg:$0x3] =	wrdreg s2  }
0xb0: {  	[dreg:$0x4] =	wrdreg $0x0  }
0xb1: {  	[dreg:$0x5] =	wrdreg $0x9  }
0xb2: {  	_ =	task.clear_ibuf [dreg:s7], $0x6FFFF;
	_ =	strace $0x90000046  }
0xb3: {  	s29 =	simm.s32 $0x9;
	_ =	strace $0x80000048  }
0xb4: {  	_ =	swait.ge [sflag:s29], $0x1  }
0xb5: {  	[sflag:s29] =	ssyncadd.s32 $0xFFFFFFFF  }
0xb6: {  	_ =	strace $0x90000048  }
0xb7: {  	_ =	sfence  }
0xb8: {  	s30 =	sld [smem:$0x0];
	_ =	sdelay $0x2  }
0xb9: {  	s31 =	sshll.u32 s1, $0xD;
	s1 =	sshrl.u32 s1, $0x2  }
0xba: {  	s3 =	sand.u32 $0x4000, s31;
	s1 =	sadd.s32 s1, s30  }
0xbb: {  	s0 =	sor.u32 s3, s0;
	s1 =	sshll.u32 s1, $0x11  }
0xbc: {  	s0 =	sor.u32 s1, s0  }
0xbd: {  	s0 =	sadd.s32 $0x8F2B, s0  }
0xbe: {  	[sflag:s0] =	ssyncadd.remote.s32 $0x1  }
0xbf: {  	_ =	sfence.sel $0xFFFF  }
0xc0: {  	[dreg:$0x0] =	wrdreg $0xFFFFFFFF;
	(pc) =	sbr.abs _section_cstart, $3  }
0xc1: {  	[dreg:$0x1] =	wrdreg $0xFFFFFFFF  }
0xc2: {  	_ =	task.clear_ibuf [dreg:s7], $0x2FFFF;
	_ =	strace $0x9FFFFFFF  }
0xc3: {  	(tm) =	ssettm $0x7FFFFFFF  }
tec
execute0_lowered:
.L_overlay_start_1:
0x0: {  	(tag) =	ssettag $0x1  }
0x1: {  	s6 =	rddreg [dreg:$0x0]  }
0x2: {  	s2 =	rddreg [dreg:$0x1]  }
0x3: {  	s0 =	srdreg.scid;
	s3 =	rddreg [dreg:$0x2]  }
0x4: {  	s4 =	simm.s32 $0x0;
	s18 =	simm.s32 $0x80;
	s5 =	sand.u32 $0x1, s0  }
0x5: {  	s19 =	simm.s32 $0x1;
	s0 =	stileid.u32;
	s8 =	smul.u32 $0x140000, s5  }
0x6: {  	s20 =	simm.s32 $0x0;
	[smem:$0x7FF] =	sst s4;
	s9 =	smul.u32 $0x14000, s0  }
0x7: {  	s1 =	sshll.u32 s5, $0x4;
	s31 =	ssub.s32 $0x2, s5;
	s10 =	smul.u32 $0x50000, s0  }
0x8: {  	s5 =	sadd.s32 $0xE600, s6;
	s12 =	sshll.u32 s0, $0x6;
	s1 =	sor.u32 s0, s1  }
0x9: {  	s11 =	sshrl.u32 s31, $0x1;
	s12 =	sor.u32 $0x1C02, s12;
	s7 =	smul.u32 $0x500, s1  }
0xa: {  	s1 =	rddreg [dreg:$0x3];
	_ =	strace $0x80000047;
	s8 =	sadd.s32 s9, s8  }
0xb: {  	s9 =	ssub.s32 s31, s11;
	s10 =	sshrl.u32 s10, $0x2;
	s11 =	simm.s32 $0x18000  }
0xc: {  	s8 =	sshrl.u32 s8, $0x3;
	s13 =	sadd.s32 s10, s3;
	s10 =	simm.s32 $0x2  }
0xd: {  	s7 =	sadd.s32 s7, s6;
	s8 =	sadd.s32 s8, s6;
	s14 =	sadd.s32 $0x4000, s13  }
0xe: {  	s15 =	sadd.s32 $0x8000, s13;
	s16 =	sadd.s32 $0xC000, s13;
	s17 =	sadd.s32 $0x10000, s13  }
0xf: {  	s13 =	sshrl.u32 s13, $0x3;
	s6 =	sadd.s32 $0x4600, s7;
	s7 =	sadd.s32 $0xEE00, s8  }
0x10: {  	s8 =	smax.u32 s9, $0x1;
	s9 =	simm.s32 $0x14000;
	s14 =	sshrl.u32 s14, $0x3  }
0x11: {  	s15 =	sshrl.u32 s15, $0x3;
	s16 =	sshrl.u32 s16, $0x3;
	s17 =	sshrl.u32 s17, $0x3  }
.LBB2_1:
0x12: {  	[tilespmem:s9], [sflag:$0x2] =	stream.linear.gather [hbm4b:s2+s4], $0x4000, $0x38;
	[tilespmem:$0x1A800] =	vst v63  }
0x13: {  	_ =	swait.ge [sflag:s10], $0x4000  }
0x14: {  	[sflag:s10] =	ssyncset.done $0x0  }
0x15: {  	[sflag:s10] =	ssyncadd.s32 $0xFFFFC000  }
0x16: {  	[tilespmem:s11], [sflag:$0x2] =	stream.linear.gather [hbm4b:s6+s4], $0x2800, $0x38;
	[tilespmem:$0x1A800] =	vst v63  }
0x17: {  	_ =	swait.ge [sflag:s10], $0x2800  }
0x18: {  	[sflag:s10] =	ssyncset.done $0x0  }
0x19: {  	[sflag:s10] =	ssyncadd.s32 $0xFFFFD800  }
0x1a: {  	[spmem:s13], [sflag:s12] =	dma.local [hbm:s5], $0x800  }
0x1b: {  	_ =	swait.ge [sflag:s10], $0x800  }
0x1c: {  	[sflag:s10] =	ssyncset.done $0x0  }
0x1d: {  	[sflag:s10] =	ssyncadd.s32 $0xFFFFF800  }
0x1e: {  	[spmem:s14], [sflag:s12] =	dma.local [hbm:s5], $0x800  }
0x1f: {  	_ =	swait.ge [sflag:s10], $0x800  }
0x20: {  	[sflag:s10] =	ssyncset.done $0x0  }
0x21: {  	[sflag:s10] =	ssyncadd.s32 $0xFFFFF800  }
0x22: {  	[spmem:s15], [sflag:s12] =	dma.local [hbm:s5], $0x800  }
0x23: {  	_ =	swait.ge [sflag:s10], $0x800  }
0x24: {  	[sflag:s10] =	ssyncset.done $0x0  }
0x25: {  	[sflag:s10] =	ssyncadd.s32 $0xFFFFF800  }
0x26: {  	[spmem:s16], [sflag:s12] =	dma.local [hbm:s5], $0x800  }
0x27: {  	_ =	swait.ge [sflag:s10], $0x800  }
0x28: {  	[sflag:s10] =	ssyncset.done $0x0  }
0x29: {  	[sflag:s10] =	ssyncadd.s32 $0xFFFFF800  }
0x2a: {  	[spmem:s17], [sflag:s12] =	dma.local [hbm:s5], $0x800  }
0x2b: {  	_ =	swait.ge [sflag:s10], $0x800  }
0x2c: {  	[sflag:s10] =	ssyncset.done $0x0  }
0x2d: {  	[sflag:s10] =	ssyncadd.s32 $0xFFFFF800  }
0x2e: {  	s21 =	simm.s32 $0x18000;
	[bflag:$0x0] =	sbarrier.arrive $0xFFFF  }
0x2f: {  	[spmem:s3] =	stream.indirect.scatter.add.f32 [tilespmem:s9], [sflag:$0x1], $0x80, s21, s18, $0xb8;
	[tilespmem:$0x1A800] =	vst v63  }
0x30: {  	s24 =	simm.s32 $0x18080  }
0x31: {  	[spmem:s3] =	stream.indirect.scatter.add.f32 [tilespmem:s9], [sflag:$0x1], $0x80, s24, s18, $0xb8;
	[tilespmem:$0x1A800] =	vst v63  }
0x32: {  	s25 =	simm.s32 $0x18100  }
0x33: {  	[spmem:s3] =	stream.indirect.scatter.add.f32 [tilespmem:s9], [sflag:$0x1], $0x80, s25, s18, $0xb8;
	[tilespmem:$0x1A800] =	vst v63  }
0x34: {  	s26 =	simm.s32 $0x18180  }
0x35: {  	[spmem:s3] =	stream.indirect.scatter.add.f32 [tilespmem:s9], [sflag:$0x1], $0x80, s26, s18, $0xb8;
	[tilespmem:$0x1A800] =	vst v63  }
0x36: {  	s28 =	simm.s32 $0x18200  }
0x37: {  	[spmem:s3] =	stream.indirect.scatter.add.f32 [tilespmem:s9], [sflag:$0x1], $0x80, s28, s18, $0xb8;
	[tilespmem:$0x1A800] =	vst v63  }
0x38: {  	s29 =	simm.s32 $0x18280  }
0x39: {  	[spmem:s3] =	stream.indirect.scatter.add.f32 [tilespmem:s9], [sflag:$0x1], $0x80, s29, s18, $0xb8;
	[tilespmem:$0x1A800] =	vst v63  }
0x3a: {  	s30 =	simm.s32 $0x18300  }
0x3b: {  	[spmem:s3] =	stream.indirect.scatter.add.f32 [tilespmem:s9], [sflag:$0x1], $0x80, s30, s18, $0xb8;
	[tilespmem:$0x1A800] =	vst v63  }
0x3c: {  	s31 =	simm.s32 $0x18380  }
0x3d: {  	[spmem:s3] =	stream.indirect.scatter.add.f32 [tilespmem:s9], [sflag:$0x1], $0x80, s31, s18, $0xb8;
	[tilespmem:$0x1A800] =	vst v63  }
0x3e: {  	_ =	swait.ge [sflag:s19], $0x4000  }
0x3f: {  	[sflag:s19] =	ssyncset.done $0x0  }
0x40: {  	[sflag:s19] =	ssyncadd.s32 $0xFFFFC000  }
0x41: {  	_ =	swait.ge [sflag:s19], $0x4000  }
0x42: {  	[sflag:s19] =	ssyncset.done $0x0  }
0x43: {  	[sflag:s19] =	ssyncadd.s32 $0xFFFFC000  }
0x44: {  	_ =	swait.ge [sflag:s19], $0x4000  }
0x45: {  	[sflag:s19] =	ssyncset.done $0x0  }
0x46: {  	[sflag:s19] =	ssyncadd.s32 $0xFFFFC000  }
0x47: {  	_ =	swait.ge [sflag:s19], $0x4000  }
0x48: {  	[sflag:s19] =	ssyncset.done $0x0  }
0x49: {  	[sflag:s19] =	ssyncadd.s32 $0xFFFFC000  }
0x4a: {  	_ =	swait.ge [sflag:s19], $0x4000  }
0x4b: {  	[sflag:s19] =	ssyncset.done $0x0  }
0x4c: {  	[sflag:s19] =	ssyncadd.s32 $0xFFFFC000  }
0x4d: {  	_ =	swait.ge [sflag:s19], $0x4000  }
0x4e: {  	[sflag:s19] =	ssyncset.done $0x0  }
0x4f: {  	[sflag:s19] =	ssyncadd.s32 $0xFFFFC000  }
0x50: {  	_ =	swait.ge [sflag:s19], $0x4000  }
0x51: {  	[sflag:s19] =	ssyncset.done $0x0  }
0x52: {  	[sflag:s19] =	ssyncadd.s32 $0xFFFFC000  }
0x53: {  	_ =	swait.ge [sflag:s19], $0x4000  }
0x54: {  	s23 =	simm.s32 $0x400;
	s24 =	simm.s32 $0x2000;
	[sflag:s19] =	ssyncset.done $0x0  }
.LBB2_2:
0x55: {  	s25 =	sadd.s32 $0x18000, s23  }
0x56: {  	[sflag:s19] =	ssyncadd.s32 $0xFFFFC000;
	s22 =	smov.u32 s24;
	s21 =	sadd.s32 $0x1000, s24  }
0x57: {  	[spmem:s3] =	stream.indirect.scatter.add.f32 [tilespmem:s9], [sflag:$0x1], $0x80, s25, s18, $0xb8;
	[tilespmem:$0x1A800] =	vst v63  }
0x58: {  	p0 =	sne.s32 s24, $0x9000;
	s24 =	sadd.s32 $0x18080, s23  }
0x59: {  	[spmem:s3] =	stream.indirect.scatter.add.f32 [tilespmem:s9], [sflag:$0x1], $0x80, s24, s18, $0xb8;
	[tilespmem:$0x1A800] =	vst v63  }
0x5a: {  	s24 =	sadd.s32 $0x18100, s23  }
0x5b: {  	[spmem:s3] =	stream.indirect.scatter.add.f32 [tilespmem:s9], [sflag:$0x1], $0x80, s24, s18, $0xb8;
	[tilespmem:$0x1A800] =	vst v63  }
0x5c: {  	s24 =	sadd.s32 $0x18180, s23  }
0x5d: {  	[spmem:s3] =	stream.indirect.scatter.add.f32 [tilespmem:s9], [sflag:$0x1], $0x80, s24, s18, $0xb8;
	[tilespmem:$0x1A800] =	vst v63  }
0x5e: {  	s24 =	sadd.s32 $0x18200, s23  }
0x5f: {  	[spmem:s3] =	stream.indirect.scatter.add.f32 [tilespmem:s9], [sflag:$0x1], $0x80, s24, s18, $0xb8;
	[tilespmem:$0x1A800] =	vst v63  }
0x60: {  	s24 =	sadd.s32 $0x18280, s23  }
0x61: {  	[spmem:s3] =	stream.indirect.scatter.add.f32 [tilespmem:s9], [sflag:$0x1], $0x80, s24, s18, $0xb8;
	[tilespmem:$0x1A800] =	vst v63  }
0x62: {  	s24 =	sadd.s32 $0x18300, s23  }
0x63: {  	[spmem:s3] =	stream.indirect.scatter.add.f32 [tilespmem:s9], [sflag:$0x1], $0x80, s24, s18, $0xb8;
	[tilespmem:$0x1A800] =	vst v63  }
0x64: {  	s23 =	sadd.s32 $0x18380, s23  }
0x65: {  	[spmem:s3] =	stream.indirect.scatter.add.f32 [tilespmem:s9], [sflag:$0x1], $0x80, s23, s18, $0xb8;
	[tilespmem:$0x1A800] =	vst v63  }
0x66: {  	_ =	swait.ge [sflag:s19], $0x4000  }
0x67: {  	[sflag:s19] =	ssyncset.done $0x0  }
0x68: {  	[sflag:s19] =	ssyncadd.s32 $0xFFFFC000  }
0x69: {  	_ =	swait.ge [sflag:s19], $0x4000  }
0x6a: {  	[sflag:s19] =	ssyncset.done $0x0  }
0x6b: {  	[sflag:s19] =	ssyncadd.s32 $0xFFFFC000  }
0x6c: {  	_ =	swait.ge [sflag:s19], $0x4000  }
0x6d: {  	[sflag:s19] =	ssyncset.done $0x0  }
0x6e: {  	[sflag:s19] =	ssyncadd.s32 $0xFFFFC000  }
0x6f: {  	_ =	swait.ge [sflag:s19], $0x4000  }
0x70: {  	[sflag:s19] =	ssyncset.done $0x0  }
0x71: {  	[sflag:s19] =	ssyncadd.s32 $0xFFFFC000  }
0x72: {  	_ =	swait.ge [sflag:s19], $0x4000  }
0x73: {  	[sflag:s19] =	ssyncset.done $0x0  }
0x74: {  	[sflag:s19] =	ssyncadd.s32 $0xFFFFC000  }
0x75: {  	_ =	swait.ge [sflag:s19], $0x4000  }
0x76: {  	[sflag:s19] =	ssyncset.done $0x0  }
0x77: {  	[sflag:s19] =	ssyncadd.s32 $0xFFFFC000  }
.Ltmp0:
0x78: {  	_ =	swait.ge [sflag:s19], $0x4000;
	(pc) =	sbr.rel @p0 .LBB2_2-.Ltmp0, $4  }
0x79: {  	[sflag:s19] =	ssyncset.done $0x0  }
0x7a: {  	[sflag:s19] =	ssyncadd.s32 $0xFFFFC000  }
0x7b: {  	_ =	swait.ge [sflag:s19], $0x4000  }
0x7c: {  	s24 =	smov.u32 s21;
	s23 =	sshra.s32 s22, $0x2;
	[sflag:s19] =	ssyncset.done $0x0  }
0x7d: {  	s21 =	sadd.s32 $0x18000, s23;
	[sflag:s19] =	ssyncadd.s32 $0xFFFFC000  }
0x7e: {  	[spmem:s3] =	stream.indirect.scatter.add.f32 [tilespmem:s9], [sflag:$0x1], $0x80, s21, s18, $0xb8;
	[tilespmem:$0x1A800] =	vst v63  }
0x7f: {  	s24 =	sadd.s32 $0x18080, s23  }
0x80: {  	[spmem:s3] =	stream.indirect.scatter.add.f32 [tilespmem:s9], [sflag:$0x1], $0x80, s24, s18, $0xb8;
	[tilespmem:$0x1A800] =	vst v63  }
0x81: {  	s25 =	sadd.s32 $0x18100, s23  }
0x82: {  	[spmem:s3] =	stream.indirect.scatter.add.f32 [tilespmem:s9], [sflag:$0x1], $0x80, s25, s18, $0xb8;
	[tilespmem:$0x1A800] =	vst v63  }
0x83: {  	s26 =	sadd.s32 $0x18180, s23  }
0x84: {  	[spmem:s3] =	stream.indirect.scatter.add.f32 [tilespmem:s9], [sflag:$0x1], $0x80, s26, s18, $0xb8;
	[tilespmem:$0x1A800] =	vst v63  }
0x85: {  	s28 =	sadd.s32 $0x18200, s23  }
0x86: {  	[spmem:s3] =	stream.indirect.scatter.add.f32 [tilespmem:s9], [sflag:$0x1], $0x80, s28, s18, $0xb8;
	[tilespmem:$0x1A800] =	vst v63  }
0x87: {  	s29 =	sadd.s32 $0x18280, s23  }
0x88: {  	[spmem:s3] =	stream.indirect.scatter.add.f32 [tilespmem:s9], [sflag:$0x1], $0x80, s29, s18, $0xb8;
	[tilespmem:$0x1A800] =	vst v63  }
0x89: {  	s30 =	sadd.s32 $0x18300, s23  }
0x8a: {  	[spmem:s3] =	stream.indirect.scatter.add.f32 [tilespmem:s9], [sflag:$0x1], $0x80, s30, s18, $0xb8;
	[tilespmem:$0x1A800] =	vst v63  }
0x8b: {  	s31 =	sadd.s32 $0x18380, s23  }
0x8c: {  	[spmem:s3] =	stream.indirect.scatter.add.f32 [tilespmem:s9], [sflag:$0x1], $0x80, s31, s18, $0xb8;
	[tilespmem:$0x1A800] =	vst v63  }
0x8d: {  	_ =	swait.ge [sflag:s19], $0x4000  }
0x8e: {  	[sflag:s19] =	ssyncset.done $0x0  }
0x8f: {  	[sflag:s19] =	ssyncadd.s32 $0xFFFFC000  }
0x90: {  	_ =	swait.ge [sflag:s19], $0x4000  }
0x91: {  	[sflag:s19] =	ssyncset.done $0x0  }
0x92: {  	[sflag:s19] =	ssyncadd.s32 $0xFFFFC000  }
0x93: {  	_ =	swait.ge [sflag:s19], $0x4000  }
0x94: {  	[sflag:s19] =	ssyncset.done $0x0  }
0x95: {  	[sflag:s19] =	ssyncadd.s32 $0xFFFFC000  }
0x96: {  	_ =	swait.ge [sflag:s19], $0x4000  }
0x97: {  	[sflag:s19] =	ssyncset.done $0x0  }
0x98: {  	[sflag:s19] =	ssyncadd.s32 $0xFFFFC000  }
0x99: {  	_ =	swait.ge [sflag:s19], $0x4000  }
0x9a: {  	[sflag:s19] =	ssyncset.done $0x0  }
0x9b: {  	[sflag:s19] =	ssyncadd.s32 $0xFFFFC000  }
0x9c: {  	_ =	swait.ge [sflag:s19], $0x4000  }
0x9d: {  	[sflag:s19] =	ssyncset.done $0x0  }
0x9e: {  	[sflag:s19] =	ssyncadd.s32 $0xFFFFC000  }
0x9f: {  	_ =	swait.ge [sflag:s19], $0x4000  }
0xa0: {  	[sflag:s19] =	ssyncset.done $0x0  }
0xa1: {  	[sflag:s19] =	ssyncadd.s32 $0xFFFFC000  }
0xa2: {  	_ =	swait.ge [sflag:s19], $0x4000  }
0xa3: {  	s20 =	sadd.s32 $0x1, s20;
	[sflag:s19] =	ssyncset.done $0x0  }
0xa4: {  	p0 =	sne.s32 s20, s8;
	[sflag:s19] =	ssyncadd.s32 $0xFFFFC000  }
.Ltmp1:
0xa5: {  	[bflag:$0x0] =	sbarrier.arrive $0xFFFF;
	(pc) =	sbr.rel @p0 .LBB2_1-.Ltmp1, $4  }
0xa6: {  	[hbm:s7], [sflag:s12] =	dma.local [spmem:s13], $0x2800  }
0xa7: {  	_ =	swait.ge [sflag:s10], $0x2800  }
0xa8: {  	[sflag:s10] =	ssyncset.done $0x0  }
0xa9: {  	[sflag:s10] =	ssyncadd.s32 $0xFFFFD800  }
0xaa: {  	_ =	sfence.sel $0x180000  }
0xab: {  	[bflag:$0x0] =	sbarrier.arrive $0xFFFF  }
0xac: {  	p0 =	sne.s32 s0, $0x0;
	_ =	strace $0x90000047  }
0xad: {  	s0 =	sadd.s32 @!p0 $0x100000, s1;
	[bflag:$0x2] =	sbarrier.arrive $0xFFFF  }
0xae: {  	[sflag:s0] =	ssyncadd.tile.s32 @!p0 $0x1;
	_ =	shalt  }
.Lfunc_end2:
_tile_overlayer_lowered:
.L_overlay_start_2:
0xaf: {  	(tag) =	ssettag $0x2  }
0xb0: {  	s0 =	rddreg [dreg:$0x0];
	s2 =	stileid.u32  }
0xb1: {  	s1 =	rddreg [dreg:$0x1];
	p0 =	sne.s32 s2, $0x0  }
0xb2: {  	s3 =	rddreg [dreg:$0x2];
	[bflag:$0x3] =	sbarrier.arrive $0xFFFF;
	s2 =	simm.s32 @!p0 $0x1C02  }
0xb3: {  	[timem:s3], [sflag:s2] =	dma.local @!p0 [hbm:s0], s1  }
0xb4: {  	s0 =	simm.s32 @!p0 $0x2  }
0xb5: {  	_ =	swait.ge @!p0 [sflag:s0], s1  }
0xb6: {  	s1 =	ssub.s32 @!p0 $0x0, s1;
	[sflag:s0] =	ssyncset.done @!p0 $0x0  }
0xb7: {  	[sflag:s0] =	ssyncadd.s32 @!p0 s1  }
0xb8: {  	[bflag:$0x3] =	sbarrier.arrive $0xFFFF  }
0xb9: {  	_ =	shalt  }

</sc_bundles>
